<compile_context>
chip_gen: v7x
topology: tpu7x:2x2x1
jax: 0.10.2.dev20260603
libtpu: 0.0.44.dev20260713+nightly
codegen_flags: <defaults>
</compile_context>

<pallas_src>
import functools
import jax
import jax.numpy as jnp
from jax import lax
from jax.experimental import pallas as pl
from jax.experimental.pallas import tpu as pltpu
from jax.experimental.pallas import tpu_sc as plsc

B, C, H, W = 64, 3, 512, 512
NUM_BINS = 256
PIX = H * W
SAMPLE_STRIDE = C * PIX
LANES = 16
CHUNK = 32768
N_CHUNKS = PIX // CHUNK
UNROLL = 8


def _hist_sc():
    info = plsc.get_sparse_core_info()
    n_workers = info.num_cores * info.num_subcores
    spw = B // n_workers
    mesh = plsc.VectorSubcoreMesh(core_axis_name="c", subcore_axis_name="s")

    @functools.partial(
        pl.kernel,
        mesh=mesh,
        out_type=jax.ShapeDtypeStruct((B, NUM_BINS), jnp.float32),
        scratch_types=[
            pltpu.VMEM((2 * CHUNK,), jnp.float32),
            pltpu.VMEM((LANES * NUM_BINS,), jnp.float32),
            pltpu.VMEM((NUM_BINS,), jnp.float32),
            pltpu.SemaphoreType.DMA,
            pltpu.SemaphoreType.DMA,
        ],
        compiler_params=pltpu.CompilerParams(needs_layout_passes=False),
    )
    def hist_kernel(x_hbm, out_hbm, buf, table, hist_v, sem0, sem1):
        wid = lax.axis_index("s") * info.num_cores + lax.axis_index("c")
        lane_base = lax.iota(jnp.int32, LANES) * NUM_BINS
        ones = jnp.full((LANES,), 1.0, jnp.float32)
        zeros = jnp.zeros((LANES,), jnp.float32)
        sems = [sem0, sem1]
        base0 = wid * spw * SAMPLE_STRIDE

        def copy_op(t):
            k, c = divmod(t, N_CHUNKS)
            p = t % 2
            src = x_hbm.at[pl.ds(base0 + k * SAMPLE_STRIDE + c * CHUNK, CHUNK)]
            dst = buf.at[pl.ds(p * CHUNK, CHUNK)]
            return pltpu.make_async_copy(src, dst, sems[p])

        copy_op(0).start()
        for t in range(spw * N_CHUNKS):
            k, c = divmod(t, N_CHUNKS)
            p = t % 2
            if c == 0:
                @plsc.parallel_loop(0, (LANES * NUM_BINS) // LANES, unroll=8)
                def _(j):
                    table[pl.ds(j * LANES, LANES)] = zeros

            copy_op(t).wait()
            if t + 1 < spw * N_CHUNKS:
                copy_op(t + 1).start()

            @plsc.parallel_loop(0, CHUNK // LANES, unroll=UNROLL)
            def _(i):
                g = buf[pl.ds(p * CHUNK + i * LANES, LANES)]
                idx = (g * float(NUM_BINS)).astype(jnp.int32) + lane_base
                plsc.addupdate_scatter(table, [idx], ones)

            if c == N_CHUNKS - 1:
                @plsc.parallel_loop(0, NUM_BINS // LANES, unroll=2)
                def _(j):
                    acc = table[pl.ds(j * LANES, LANES)]
                    for l in range(1, LANES):
                        acc = acc + table[pl.ds(l * NUM_BINS + j * LANES, LANES)]
                    hist_v[pl.ds(j * LANES, LANES)] = acc
                pltpu.sync_copy(hist_v, out_hbm.at[wid * spw + k])

    return hist_kernel


_HIST = _hist_sc()


def _mlp_body(hist_ref, W1_ref, b1_ref, g1_ref, be1_ref, W2_ref, b2_ref,
              g2_ref, be2_ref, W3p_ref, b3p_ref, out_ref):
    eps = 1e-5
    hist = hist_ref[...]
    hn = hist / (jnp.sum(hist, axis=1, keepdims=True) + 1e-6)
    h = lax.dot_general(hn, W1_ref[...], (((1,), (1,)), ((), ())),
                        preferred_element_type=jnp.float32) + b1_ref[...]
    mu = jnp.mean(h, axis=0, keepdims=True)
    var = jnp.mean((h - mu) ** 2, axis=0, keepdims=True)
    h = g1_ref[...] * (h - mu) * lax.rsqrt(var + eps) + be1_ref[...]
    h = jnp.maximum(h, 0.0)
    h = lax.dot_general(h, W2_ref[...], (((1,), (1,)), ((), ())),
                        preferred_element_type=jnp.float32) + b2_ref[...]
    mu = jnp.mean(h, axis=0, keepdims=True)
    var = jnp.mean((h - mu) ** 2, axis=0, keepdims=True)
    h = g2_ref[...] * (h - mu) * lax.rsqrt(var + eps) + be2_ref[...]
    h = jnp.maximum(h, 0.0)
    out_ref[...] = lax.dot_general(h, W3p_ref[...], (((1,), (1,)), ((), ())),
                                   preferred_element_type=jnp.float32) + b3p_ref[...]


def kernel(x, W1, b1, g1, be1, W2, b2, g2, be2, W3, b3):
    hist = _HIST(x.reshape(-1))
    W3p = jnp.zeros((128, 64), jnp.float32).at[0].set(W3[0])
    b3p = jnp.zeros((1, 128), jnp.float32).at[0, 0].set(b3[0])
    out = pl.pallas_call(
        _mlp_body,
        out_shape=jax.ShapeDtypeStruct((B, 128), jnp.float32),
    )(hist, W1, b1.reshape(1, -1), g1.reshape(1, -1), be1.reshape(1, -1),
      W2, b2.reshape(1, -1), g2.reshape(1, -1), be2.reshape(1, -1),
      W3p, b3p)
    return out[:, :1]

# --- scband reference (transcript-rebuilt; emitter-appended) ---
"""Pipeline reference for scband-pcadetector-29008209117383 (READ-ONLY COPY).

The authoritative reference and input builder live on the scoring server;
editing this copy changes nothing except your own understanding.
"""

import jax, jax.numpy as jnp
import numpy as np

B, C, H, W = 64, 3, 512, 512
NUM_BINS = 256

def setup_inputs(seed: int = 0) -> dict:
    key = jax.random.key(seed)
    ks = jax.random.split(key, 8)
    x = jax.random.uniform(ks[0], (B, C, H, W), dtype=jnp.float32)
    W1 = jax.random.normal(ks[1], (128, NUM_BINS), jnp.float32) * (1.0 / np.sqrt(NUM_BINS))
    b1 = jnp.zeros((128,), jnp.float32)
    g1 = jnp.ones((128,), jnp.float32)
    be1 = jnp.zeros((128,), jnp.float32)
    W2 = jax.random.normal(ks[2], (64, 128), jnp.float32) * (1.0 / np.sqrt(128))
    b2 = jnp.zeros((64,), jnp.float32)
    g2 = jnp.ones((64,), jnp.float32)
    be2 = jnp.zeros((64,), jnp.float32)
    W3 = jax.random.normal(ks[3], (1, 64), jnp.float32) * (1.0 / np.sqrt(64))
    b3 = jnp.zeros((1,), jnp.float32)
    return {"x": x, "W1": W1, "b1": b1, "g1": g1, "be1": be1, "W2": W2, "b2": b2, "g2": g2, "be2": be2, "W3": W3, "b3": b3}

def _batchnorm(h, g, be, eps=1e-5):
    mu = jnp.mean(h, axis=0)
    var = jnp.mean((h - mu) ** 2, axis=0)  # biased variance, training-mode BN
    return g * (h - mu) / jnp.sqrt(var + eps) + be

def reference(x, W1, b1, g1, be1, W2, b2, g2, be2, W3, b3):
    Bn = x.shape[0]
    # compute_histogram: use channel 0 only, histc over [0, 1] with NUM_BINS bins
    gray = x[:, 0, :, :].reshape(Bn, -1)
    idx = jnp.clip(jnp.floor(gray * NUM_BINS).astype(jnp.int32), 0, NUM_BINS - 1)
    flat_idx = (idx + jnp.arange(Bn, dtype=jnp.int32)[:, None] * NUM_BINS).reshape(-1)
    hist = jnp.bincount(flat_idx, length=Bn * NUM_BINS).reshape(Bn, NUM_BINS).astype(jnp.float32)
    hist = hist / (jnp.sum(hist, axis=1, keepdims=True) + 1e-6)
    # MLP head: Linear -> BN -> ReLU -> Linear -> BN -> ReLU -> Linear
    h = hist @ W1.T + b1
    h = jax.nn.relu(_batchnorm(h, g1, be1))
    h = h @ W2.T + b2
    h = jax.nn.relu(_batchnorm(h, g2, be2))
    out = h @ W3.T + b3
    return out

if __name__ == "__main__":
    import jax
    _d = setup_inputs()
    print(jax.jit(kernel)(*tuple(_d.values())))

</pallas_src>

<mosaic_0001>
#map = affine_map<(d0, d1) -> (0)>
#map1 = affine_map<(d0, d1) -> (0, 0)>
module attributes {stable_mosaic.version = 14 : i64} {
  func.func @hist_kernel(%arg0: i32, %arg1: i32, %arg2: memref<50331648xf32, #tpu.memory_space<hbm>>, %arg3: memref<64x256xf32, #tpu.memory_space<hbm>>, %arg4: memref<65536xf32, #tpu.memory_space<vmem>>, %arg5: memref<4096xf32, #tpu.memory_space<vmem>>, %arg6: memref<256xf32, #tpu.memory_space<vmem>>, %arg7: memref<!tpu.dma_semaphore, #tpu.memory_space<semaphore_mem>>, %arg8: memref<!tpu.dma_semaphore, #tpu.memory_space<semaphore_mem>>) attributes {dimension_semantics = [#tpu.dimension_semantics<core_parallel>, #tpu.dimension_semantics<subcore_parallel>], iteration_bounds = array<i64: 2, 16>, scalar_prefetch = 0 : i64, scratch_operands = 5 : i64, tpu.core_type = #tpu.core_type<sc_vector_subcore>, window_params = [{transform_indices = #map}, {transform_indices = #map1}]} {
    %mul3A = arith.constant 2 : i32
    %mul3A_0 = arith.muli %arg1, %mul3A : i32
    %add3A = arith.addi %mul3A_0, %arg0 : i32
    %iota3A = tpu.iota {dimensions = array<i32: 0>} : vector<16xi32>
    %mul3A_1 = arith.constant 256 : i32
    %mul3A_2 = vector.broadcast %mul3A_1 : i32 to vector<16xi32>
    %mul3A_3 = arith.muli %iota3A, %mul3A_2 : vector<16xi32>
    %broadcast_in_dim3A = arith.constant 1.000000e+00 : f32
    %broadcast_in_dim3A_4 = vector.broadcast %broadcast_in_dim3A : f32 to vector<16xf32>
    %broadcast_in_dim3A_5 = arith.constant 0.000000e+00 : f32
    %broadcast_in_dim3A_6 = vector.broadcast %broadcast_in_dim3A_5 : f32 to vector<16xf32>
    %mul3A_7 = arith.constant 2 : i32
    %mul3A_8 = arith.muli %add3A, %mul3A_7 : i32
    %mul3A_9 = arith.constant 786432 : i32
    %mul3A_10 = arith.muli %mul3A_8, %mul3A_9 : i32
    %add3A_11 = arith.constant 0 : i32
    %add3A_12 = arith.addi %mul3A_10, %add3A_11 : i32
    %add3A_13 = arith.constant 0 : i32
    %add3A_14 = arith.addi %add3A_12, %add3A_13 : i32
    %dma_start3A = arith.constant 0 : i32
    %dma_start3A_15 = tpu.memref_slice %arg4[%dma_start3A] : memref<65536xf32, #tpu.memory_space<vmem>> -> memref<32768xf32, #tpu.memory_space<vmem>>
    %dma_start3A_16 = tpu.memref_slice %arg2[%add3A_14] : memref<50331648xf32, #tpu.memory_space<hbm>> -> memref<32768xf32, #tpu.memory_space<hbm>>
    %dma_start3A_17 = arith.constant 0 : i32
    %dma_start3A_18 = tpu.memref_slice %arg4[%dma_start3A_17] : memref<65536xf32, #tpu.memory_space<vmem>> -> memref<32768xf32, #tpu.memory_space<vmem>>
    %dma_start3A_19 = tpu.memref_slice %arg2[%add3A_14] : memref<50331648xf32, #tpu.memory_space<hbm>> -> memref<32768xf32, #tpu.memory_space<hbm>>
    tpu.enqueue_dma source(%dma_start3A_19 : memref<32768xf32, #tpu.memory_space<hbm>>) target(%dma_start3A_18 : memref<32768xf32, #tpu.memory_space<vmem>>) target_semaphore(%arg7 : memref<!tpu.dma_semaphore, #tpu.memory_space<semaphore_mem>>)
    %parallel_loop3A = arith.constant 0 : i32
    %parallel_loop3A_20 = arith.constant 256 : i32
    %parallel_loop3A_21 = arith.constant 1 : i32
    scf.for %parallel_loop3A_396 = %parallel_loop3A to %parallel_loop3A_20 step %parallel_loop3A_21  : i32 {
      %parallel_loop3A_397 = arith.constant 16 : i32
      %parallel_loop3A_398 = arith.muli %parallel_loop3A_396, %parallel_loop3A_397 : i32
      %parallel_loop3A_399 = arith.index_cast %parallel_loop3A_398 : i32 to index
      %parallel_loop3A_400 = tpu.vector_load %arg5[%parallel_loop3A_399] {strides = array<i32>} : memref<4096xf32, #tpu.memory_space<vmem>>, vector<16xf32>,
      tpu.vector_store %arg5[%parallel_loop3A_399], %broadcast_in_dim3A_6 {strides = array<i32>} : memref<4096xf32, #tpu.memory_space<vmem>>, vector<16xf32>,
    } {sc.loop_unroll_factor = 8 : i64, sc.parallel_access}
    %add3A_22 = arith.constant 0 : i32
    %add3A_23 = arith.addi %mul3A_10, %add3A_22 : i32
    %add3A_24 = arith.constant 0 : i32
    %add3A_25 = arith.addi %add3A_23, %add3A_24 : i32
    %dma_wait3A = arith.constant 0 : i32
    %dma_wait3A_26 = tpu.memref_slice %arg4[%dma_wait3A] : memref<65536xf32, #tpu.memory_space<vmem>> -> memref<32768xf32, #tpu.memory_space<vmem>>
    %dma_wait3A_27 = tpu.memref_slice %arg2[%add3A_25] : memref<50331648xf32, #tpu.memory_space<hbm>> -> memref<32768xf32, #tpu.memory_space<hbm>>
    %dma_wait3A_28 = arith.constant 0 : i32
    %dma_wait3A_29 = tpu.memref_slice %arg4[%dma_wait3A_28] : memref<65536xf32, #tpu.memory_space<vmem>> -> memref<32768xf32, #tpu.memory_space<vmem>>
    %dma_wait3A_30 = tpu.memref_slice %arg2[%add3A_25] : memref<50331648xf32, #tpu.memory_space<hbm>> -> memref<32768xf32, #tpu.memory_space<hbm>>
    tpu.wait_dma2 semaphore(%arg7 : memref<!tpu.dma_semaphore, #tpu.memory_space<semaphore_mem>>) src(%dma_wait3A_30 : memref<32768xf32, #tpu.memory_space<hbm>>) dst(%dma_wait3A_29 : memref<32768xf32, #tpu.memory_space<vmem>>)
    %add3A_31 = arith.constant 0 : i32
    %add3A_32 = arith.addi %mul3A_10, %add3A_31 : i32
    %add3A_33 = arith.constant 32768 : i32
    %add3A_34 = arith.addi %add3A_32, %add3A_33 : i32
    %dma_start3A_35 = arith.constant 32768 : i32
    %dma_start3A_36 = tpu.memref_slice %arg4[%dma_start3A_35] : memref<65536xf32, #tpu.memory_space<vmem>> -> memref<32768xf32, #tpu.memory_space<vmem>>
    %dma_start3A_37 = tpu.memref_slice %arg2[%add3A_34] : memref<50331648xf32, #tpu.memory_space<hbm>> -> memref<32768xf32, #tpu.memory_space<hbm>>
    %dma_start3A_38 = arith.constant 32768 : i32
    %dma_start3A_39 = tpu.memref_slice %arg4[%dma_start3A_38] : memref<65536xf32, #tpu.memory_space<vmem>> -> memref<32768xf32, #tpu.memory_space<vmem>>
    %dma_start3A_40 = tpu.memref_slice %arg2[%add3A_34] : memref<50331648xf32, #tpu.memory_space<hbm>> -> memref<32768xf32, #tpu.memory_space<hbm>>
    tpu.enqueue_dma source(%dma_start3A_40 : memref<32768xf32, #tpu.memory_space<hbm>>) target(%dma_start3A_39 : memref<32768xf32, #tpu.memory_space<vmem>>) target_semaphore(%arg8 : memref<!tpu.dma_semaphore, #tpu.memory_space<semaphore_mem>>)
    %parallel_loop3A_41 = arith.constant 0 : i32
    %parallel_loop3A_42 = arith.constant 2048 : i32
    %parallel_loop3A_43 = arith.constant 1 : i32
    scf.for %parallel_loop3A_396 = %parallel_loop3A_41 to %parallel_loop3A_42 step %parallel_loop3A_43  : i32 {
      %parallel_loop3A_397 = arith.constant 16 : i32
      %parallel_loop3A_398 = arith.muli %parallel_loop3A_396, %parallel_loop3A_397 : i32
      %parallel_loop3A_399 = arith.constant 0 : i32
      %parallel_loop3A_400 = arith.addi %parallel_loop3A_399, %parallel_loop3A_398 : i32
      %parallel_loop3A_401 = arith.index_cast %parallel_loop3A_400 : i32 to index
      %parallel_loop3A_402 = tpu.vector_load %arg4[%parallel_loop3A_401] {strides = array<i32>} : memref<65536xf32, #tpu.memory_space<vmem>>, vector<16xf32>,
      %parallel_loop3A_403 = arith.constant 2.560000e+02 : f32
      %parallel_loop3A_404 = vector.broadcast %parallel_loop3A_403 : f32 to vector<16xf32>
      %parallel_loop3A_405 = arith.mulf %parallel_loop3A_402, %parallel_loop3A_404 : vector<16xf32>
      %parallel_loop3A_406 = arith.fptosi %parallel_loop3A_405 : vector<16xf32> to vector<16xi32>
      %parallel_loop3A_407 = arith.addi %parallel_loop3A_406, %mul3A_3 : vector<16xi32>
      tpu.vector_store_idx %arg5[%parallel_loop3A_407], %broadcast_in_dim3A_4 {add = true} : memref<4096xf32, #tpu.memory_space<vmem>>[vector<16xi32>], vector<16xf32>,
    } {sc.loop_unroll_factor = 8 : i64, sc.parallel_access}
    %add3A_44 = arith.constant 0 : i32
    %add3A_45 = arith.addi %mul3A_10, %add3A_44 : i32
    %add3A_46 = arith.constant 32768 : i32
    %add3A_47 = arith.addi %add3A_45, %add3A_46 : i32
    %dma_wait3A_48 = arith.constant 32768 : i32
    %dma_wait3A_49 = tpu.memref_slice %arg4[%dma_wait3A_48] : memref<65536xf32, #tpu.memory_space<vmem>> -> memref<32768xf32, #tpu.memory_space<vmem>>
    %dma_wait3A_50 = tpu.memref_slice %arg2[%add3A_47] : memref<50331648xf32, #tpu.memory_space<hbm>> -> memref<32768xf32, #tpu.memory_space<hbm>>
    %dma_wait3A_51 = arith.constant 32768 : i32
    %dma_wait3A_52 = tpu.memref_slice %arg4[%dma_wait3A_51] : memref<65536xf32, #tpu.memory_space<vmem>> -> memref<32768xf32, #tpu.memory_space<vmem>>
    %dma_wait3A_53 = tpu.memref_slice %arg2[%add3A_47] : memref<50331648xf32, #tpu.memory_space<hbm>> -> memref<32768xf32, #tpu.memory_space<hbm>>
    tpu.wait_dma2 semaphore(%arg8 : memref<!tpu.dma_semaphore, #tpu.memory_space<semaphore_mem>>) src(%dma_wait3A_53 : memref<32768xf32, #tpu.memory_space<hbm>>) dst(%dma_wait3A_52 : memref<32768xf32, #tpu.memory_space<vmem>>)
    %add3A_54 = arith.constant 0 : i32
    %add3A_55 = arith.addi %mul3A_10, %add3A_54 : i32
    %add3A_56 = arith.constant 65536 : i32
    %add3A_57 = arith.addi %add3A_55, %add3A_56 : i32
    %dma_start3A_58 = arith.constant 0 : i32
    %dma_start3A_59 = tpu.memref_slice %arg4[%dma_start3A_58] : memref<65536xf32, #tpu.memory_space<vmem>> -> memref<32768xf32, #tpu.memory_space<vmem>>
    %dma_start3A_60 = tpu.memref_slice %arg2[%add3A_57] : memref<50331648xf32, #tpu.memory_space<hbm>> -> memref<32768xf32, #tpu.memory_space<hbm>>
    %dma_start3A_61 = arith.constant 0 : i32
    %dma_start3A_62 = tpu.memref_slice %arg4[%dma_start3A_61] : memref<65536xf32, #tpu.memory_space<vmem>> -> memref<32768xf32, #tpu.memory_space<vmem>>
    %dma_start3A_63 = tpu.memref_slice %arg2[%add3A_57] : memref<50331648xf32, #tpu.memory_space<hbm>> -> memref<32768xf32, #tpu.memory_space<hbm>>
    tpu.enqueue_dma source(%dma_start3A_63 : memref<32768xf32, #tpu.memory_space<hbm>>) target(%dma_start3A_62 : memref<32768xf32, #tpu.memory_space<vmem>>) target_semaphore(%arg7 : memref<!tpu.dma_semaphore, #tpu.memory_space<semaphore_mem>>)
    %parallel_loop3A_64 = arith.constant 0 : i32
    %parallel_loop3A_65 = arith.constant 2048 : i32
    %parallel_loop3A_66 = arith.constant 1 : i32
    scf.for %parallel_loop3A_396 = %parallel_loop3A_64 to %parallel_loop3A_65 step %parallel_loop3A_66  : i32 {
      %parallel_loop3A_397 = arith.constant 16 : i32
      %parallel_loop3A_398 = arith.muli %parallel_loop3A_396, %parallel_loop3A_397 : i32
      %parallel_loop3A_399 = arith.constant 32768 : i32
      %parallel_loop3A_400 = arith.addi %parallel_loop3A_399, %parallel_loop3A_398 : i32
      %parallel_loop3A_401 = arith.index_cast %parallel_loop3A_400 : i32 to index
      %parallel_loop3A_402 = tpu.vector_load %arg4[%parallel_loop3A_401] {strides = array<i32>} : memref<65536xf32, #tpu.memory_space<vmem>>, vector<16xf32>,
      %parallel_loop3A_403 = arith.constant 2.560000e+02 : f32
      %parallel_loop3A_404 = vector.broadcast %parallel_loop3A_403 : f32 to vector<16xf32>
      %parallel_loop3A_405 = arith.mulf %parallel_loop3A_402, %parallel_loop3A_404 : vector<16xf32>
      %parallel_loop3A_406 = arith.fptosi %parallel_loop3A_405 : vector<16xf32> to vector<16xi32>
      %parallel_loop3A_407 = arith.addi %parallel_loop3A_406, %mul3A_3 : vector<16xi32>
      tpu.vector_store_idx %arg5[%parallel_loop3A_407], %broadcast_in_dim3A_4 {add = true} : memref<4096xf32, #tpu.memory_space<vmem>>[vector<16xi32>], vector<16xf32>,
    } {sc.loop_unroll_factor = 8 : i64, sc.parallel_access}
    %add3A_67 = arith.constant 0 : i32
    %add3A_68 = arith.addi %mul3A_10, %add3A_67 : i32
    %add3A_69 = arith.constant 65536 : i32
    %add3A_70 = arith.addi %add3A_68, %add3A_69 : i32
    %dma_wait3A_71 = arith.constant 0 : i32
    %dma_wait3A_72 = tpu.memref_slice %arg4[%dma_wait3A_71] : memref<65536xf32, #tpu.memory_space<vmem>> -> memref<32768xf32, #tpu.memory_space<vmem>>
    %dma_wait3A_73 = tpu.memref_slice %arg2[%add3A_70] : memref<50331648xf32, #tpu.memory_space<hbm>> -> memref<32768xf32, #tpu.memory_space<hbm>>
    %dma_wait3A_74 = arith.constant 0 : i32
    %dma_wait3A_75 = tpu.memref_slice %arg4[%dma_wait3A_74] : memref<65536xf32, #tpu.memory_space<vmem>> -> memref<32768xf32, #tpu.memory_space<vmem>>
    %dma_wait3A_76 = tpu.memref_slice %arg2[%add3A_70] : memref<50331648xf32, #tpu.memory_space<hbm>> -> memref<32768xf32, #tpu.memory_space<hbm>>
    tpu.wait_dma2 semaphore(%arg7 : memref<!tpu.dma_semaphore, #tpu.memory_space<semaphore_mem>>) src(%dma_wait3A_76 : memref<32768xf32, #tpu.memory_space<hbm>>) dst(%dma_wait3A_75 : memref<32768xf32, #tpu.memory_space<vmem>>)
    %add3A_77 = arith.constant 0 : i32
    %add3A_78 = arith.addi %mul3A_10, %add3A_77 : i32
    %add3A_79 = arith.constant 98304 : i32
    %add3A_80 = arith.addi %add3A_78, %add3A_79 : i32
    %dma_start3A_81 = arith.constant 32768 : i32
    %dma_start3A_82 = tpu.memref_slice %arg4[%dma_start3A_81] : memref<65536xf32, #tpu.memory_space<vmem>> -> memref<32768xf32, #tpu.memory_space<vmem>>
    %dma_start3A_83 = tpu.memref_slice %arg2[%add3A_80] : memref<50331648xf32, #tpu.memory_space<hbm>> -> memref<32768xf32, #tpu.memory_space<hbm>>
    %dma_start3A_84 = arith.constant 32768 : i32
    %dma_start3A_85 = tpu.memref_slice %arg4[%dma_start3A_84] : memref<65536xf32, #tpu.memory_space<vmem>> -> memref<32768xf32, #tpu.memory_space<vmem>>
    %dma_start3A_86 = tpu.memref_slice %arg2[%add3A_80] : memref<50331648xf32, #tpu.memory_space<hbm>> -> memref<32768xf32, #tpu.memory_space<hbm>>
    tpu.enqueue_dma source(%dma_start3A_86 : memref<32768xf32, #tpu.memory_space<hbm>>) target(%dma_start3A_85 : memref<32768xf32, #tpu.memory_space<vmem>>) target_semaphore(%arg8 : memref<!tpu.dma_semaphore, #tpu.memory_space<semaphore_mem>>)
    %parallel_loop3A_87 = arith.constant 0 : i32
    %parallel_loop3A_88 = arith.constant 2048 : i32
    %parallel_loop3A_89 = arith.constant 1 : i32
    scf.for %parallel_loop3A_396 = %parallel_loop3A_87 to %parallel_loop3A_88 step %parallel_loop3A_89  : i32 {
      %parallel_loop3A_397 = arith.constant 16 : i32
      %parallel_loop3A_398 = arith.muli %parallel_loop3A_396, %parallel_loop3A_397 : i32
      %parallel_loop3A_399 = arith.constant 0 : i32
      %parallel_loop3A_400 = arith.addi %parallel_loop3A_399, %parallel_loop3A_398 : i32
      %parallel_loop3A_401 = arith.index_cast %parallel_loop3A_400 : i32 to index
      %parallel_loop3A_402 = tpu.vector_load %arg4[%parallel_loop3A_401] {strides = array<i32>} : memref<65536xf32, #tpu.memory_space<vmem>>, vector<16xf32>,
      %parallel_loop3A_403 = arith.constant 2.560000e+02 : f32
      %parallel_loop3A_404 = vector.broadcast %parallel_loop3A_403 : f32 to vector<16xf32>
      %parallel_loop3A_405 = arith.mulf %parallel_loop3A_402, %parallel_loop3A_404 : vector<16xf32>
      %parallel_loop3A_406 = arith.fptosi %parallel_loop3A_405 : vector<16xf32> to vector<16xi32>
      %parallel_loop3A_407 = arith.addi %parallel_loop3A_406, %mul3A_3 : vector<16xi32>
      tpu.vector_store_idx %arg5[%parallel_loop3A_407], %broadcast_in_dim3A_4 {add = true} : memref<4096xf32, #tpu.memory_space<vmem>>[vector<16xi32>], vector<16xf32>,
    } {sc.loop_unroll_factor = 8 : i64, sc.parallel_access}
    %add3A_90 = arith.constant 0 : i32
    %add3A_91 = arith.addi %mul3A_10, %add3A_90 : i32
    %add3A_92 = arith.constant 98304 : i32
    %add3A_93 = arith.addi %add3A_91, %add3A_92 : i32
    %dma_wait3A_94 = arith.constant 32768 : i32
    %dma_wait3A_95 = tpu.memref_slice %arg4[%dma_wait3A_94] : memref<65536xf32, #tpu.memory_space<vmem>> -> memref<32768xf32, #tpu.memory_space<vmem>>
    %dma_wait3A_96 = tpu.memref_slice %arg2[%add3A_93] : memref<50331648xf32, #tpu.memory_space<hbm>> -> memref<32768xf32, #tpu.memory_space<hbm>>
    %dma_wait3A_97 = arith.constant 32768 : i32
    %dma_wait3A_98 = tpu.memref_slice %arg4[%dma_wait3A_97] : memref<65536xf32, #tpu.memory_space<vmem>> -> memref<32768xf32, #tpu.memory_space<vmem>>
    %dma_wait3A_99 = tpu.memref_slice %arg2[%add3A_93] : memref<50331648xf32, #tpu.memory_space<hbm>> -> memref<32768xf32, #tpu.memory_space<hbm>>
    tpu.wait_dma2 semaphore(%arg8 : memref<!tpu.dma_semaphore, #tpu.memory_space<semaphore_mem>>) src(%dma_wait3A_99 : memref<32768xf32, #tpu.memory_space<hbm>>) dst(%dma_wait3A_98 : memref<32768xf32, #tpu.memory_space<vmem>>)
    %add3A_100 = arith.constant 0 : i32
    %add3A_101 = arith.addi %mul3A_10, %add3A_100 : i32
    %add3A_102 = arith.constant 131072 : i32
    %add3A_103 = arith.addi %add3A_101, %add3A_102 : i32
    %dma_start3A_104 = arith.constant 0 : i32
    %dma_start3A_105 = tpu.memref_slice %arg4[%dma_start3A_104] : memref<65536xf32, #tpu.memory_space<vmem>> -> memref<32768xf32, #tpu.memory_space<vmem>>
    %dma_start3A_106 = tpu.memref_slice %arg2[%add3A_103] : memref<50331648xf32, #tpu.memory_space<hbm>> -> memref<32768xf32, #tpu.memory_space<hbm>>
    %dma_start3A_107 = arith.constant 0 : i32
    %dma_start3A_108 = tpu.memref_slice %arg4[%dma_start3A_107] : memref<65536xf32, #tpu.memory_space<vmem>> -> memref<32768xf32, #tpu.memory_space<vmem>>
    %dma_start3A_109 = tpu.memref_slice %arg2[%add3A_103] : memref<50331648xf32, #tpu.memory_space<hbm>> -> memref<32768xf32, #tpu.memory_space<hbm>>
    tpu.enqueue_dma source(%dma_start3A_109 : memref<32768xf32, #tpu.memory_space<hbm>>) target(%dma_start3A_108 : memref<32768xf32, #tpu.memory_space<vmem>>) target_semaphore(%arg7 : memref<!tpu.dma_semaphore, #tpu.memory_space<semaphore_mem>>)
    %parallel_loop3A_110 = arith.constant 0 : i32
    %parallel_loop3A_111 = arith.constant 2048 : i32
    %parallel_loop3A_112 = arith.constant 1 : i32
    scf.for %parallel_loop3A_396 = %parallel_loop3A_110 to %parallel_loop3A_111 step %parallel_loop3A_112  : i32 {
      %parallel_loop3A_397 = arith.constant 16 : i32
      %parallel_loop3A_398 = arith.muli %parallel_loop3A_396, %parallel_loop3A_397 : i32
      %parallel_loop3A_399 = arith.constant 32768 : i32
      %parallel_loop3A_400 = arith.addi %parallel_loop3A_399, %parallel_loop3A_398 : i32
      %parallel_loop3A_401 = arith.index_cast %parallel_loop3A_400 : i32 to index
      %parallel_loop3A_402 = tpu.vector_load %arg4[%parallel_loop3A_401] {strides = array<i32>} : memref<65536xf32, #tpu.memory_space<vmem>>, vector<16xf32>,
      %parallel_loop3A_403 = arith.constant 2.560000e+02 : f32
      %parallel_loop3A_404 = vector.broadcast %parallel_loop3A_403 : f32 to vector<16xf32>
      %parallel_loop3A_405 = arith.mulf %parallel_loop3A_402, %parallel_loop3A_404 : vector<16xf32>
      %parallel_loop3A_406 = arith.fptosi %parallel_loop3A_405 : vector<16xf32> to vector<16xi32>
      %parallel_loop3A_407 = arith.addi %parallel_loop3A_406, %mul3A_3 : vector<16xi32>
      tpu.vector_store_idx %arg5[%parallel_loop3A_407], %broadcast_in_dim3A_4 {add = true} : memref<4096xf32, #tpu.memory_space<vmem>>[vector<16xi32>], vector<16xf32>,
    } {sc.loop_unroll_factor = 8 : i64, sc.parallel_access}
    %add3A_113 = arith.constant 0 : i32
    %add3A_114 = arith.addi %mul3A_10, %add3A_113 : i32
    %add3A_115 = arith.constant 131072 : i32
    %add3A_116 = arith.addi %add3A_114, %add3A_115 : i32
    %dma_wait3A_117 = arith.constant 0 : i32
    %dma_wait3A_118 = tpu.memref_slice %arg4[%dma_wait3A_117] : memref<65536xf32, #tpu.memory_space<vmem>> -> memref<32768xf32, #tpu.memory_space<vmem>>
    %dma_wait3A_119 = tpu.memref_slice %arg2[%add3A_116] : memref<50331648xf32, #tpu.memory_space<hbm>> -> memref<32768xf32, #tpu.memory_space<hbm>>
    %dma_wait3A_120 = arith.constant 0 : i32
    %dma_wait3A_121 = tpu.memref_slice %arg4[%dma_wait3A_120] : memref<65536xf32, #tpu.memory_space<vmem>> -> memref<32768xf32, #tpu.memory_space<vmem>>
    %dma_wait3A_122 = tpu.memref_slice %arg2[%add3A_116] : memref<50331648xf32, #tpu.memory_space<hbm>> -> memref<32768xf32, #tpu.memory_space<hbm>>
    tpu.wait_dma2 semaphore(%arg7 : memref<!tpu.dma_semaphore, #tpu.memory_space<semaphore_mem>>) src(%dma_wait3A_122 : memref<32768xf32, #tpu.memory_space<hbm>>) dst(%dma_wait3A_121 : memref<32768xf32, #tpu.memory_space<vmem>>)
    %add3A_123 = arith.constant 0 : i32
    %add3A_124 = arith.addi %mul3A_10, %add3A_123 : i32
    %add3A_125 = arith.constant 163840 : i32
    %add3A_126 = arith.addi %add3A_124, %add3A_125 : i32
    %dma_start3A_127 = arith.constant 32768 : i32
    %dma_start3A_128 = tpu.memref_slice %arg4[%dma_start3A_127] : memref<65536xf32, #tpu.memory_space<vmem>> -> memref<32768xf32, #tpu.memory_space<vmem>>
    %dma_start3A_129 = tpu.memref_slice %arg2[%add3A_126] : memref<50331648xf32, #tpu.memory_space<hbm>> -> memref<32768xf32, #tpu.memory_space<hbm>>
    %dma_start3A_130 = arith.constant 32768 : i32
    %dma_start3A_131 = tpu.memref_slice %arg4[%dma_start3A_130] : memref<65536xf32, #tpu.memory_space<vmem>> -> memref<32768xf32, #tpu.memory_space<vmem>>
    %dma_start3A_132 = tpu.memref_slice %arg2[%add3A_126] : memref<50331648xf32, #tpu.memory_space<hbm>> -> memref<32768xf32, #tpu.memory_space<hbm>>
    tpu.enqueue_dma source(%dma_start3A_132 : memref<32768xf32, #tpu.memory_space<hbm>>) target(%dma_start3A_131 : memref<32768xf32, #tpu.memory_space<vmem>>) target_semaphore(%arg8 : memref<!tpu.dma_semaphore, #tpu.memory_space<semaphore_mem>>)
    %parallel_loop3A_133 = arith.constant 0 : i32
    %parallel_loop3A_134 = arith.constant 2048 : i32
    %parallel_loop3A_135 = arith.constant 1 : i32
    scf.for %parallel_loop3A_396 = %parallel_loop3A_133 to %parallel_loop3A_134 step %parallel_loop3A_135  : i32 {
      %parallel_loop3A_397 = arith.constant 16 : i32
      %parallel_loop3A_398 = arith.muli %parallel_loop3A_396, %parallel_loop3A_397 : i32
      %parallel_loop3A_399 = arith.constant 0 : i32
      %parallel_loop3A_400 = arith.addi %parallel_loop3A_399, %parallel_loop3A_398 : i32
      %parallel_loop3A_401 = arith.index_cast %parallel_loop3A_400 : i32 to index
      %parallel_loop3A_402 = tpu.vector_load %arg4[%parallel_loop3A_401] {strides = array<i32>} : memref<65536xf32, #tpu.memory_space<vmem>>, vector<16xf32>,
      %parallel_loop3A_403 = arith.constant 2.560000e+02 : f32
      %parallel_loop3A_404 = vector.broadcast %parallel_loop3A_403 : f32 to vector<16xf32>
      %parallel_loop3A_405 = arith.mulf %parallel_loop3A_402, %parallel_loop3A_404 : vector<16xf32>
      %parallel_loop3A_406 = arith.fptosi %parallel_loop3A_405 : vector<16xf32> to vector<16xi32>
      %parallel_loop3A_407 = arith.addi %parallel_loop3A_406, %mul3A_3 : vector<16xi32>
      tpu.vector_store_idx %arg5[%parallel_loop3A_407], %broadcast_in_dim3A_4 {add = true} : memref<4096xf32, #tpu.memory_space<vmem>>[vector<16xi32>], vector<16xf32>,
    } {sc.loop_unroll_factor = 8 : i64, sc.parallel_access}
    %add3A_136 = arith.constant 0 : i32
    %add3A_137 = arith.addi %mul3A_10, %add3A_136 : i32
    %add3A_138 = arith.constant 163840 : i32
    %add3A_139 = arith.addi %add3A_137, %add3A_138 : i32
    %dma_wait3A_140 = arith.constant 32768 : i32
    %dma_wait3A_141 = tpu.memref_slice %arg4[%dma_wait3A_140] : memref<65536xf32, #tpu.memory_space<vmem>> -> memref<32768xf32, #tpu.memory_space<vmem>>
    %dma_wait3A_142 = tpu.memref_slice %arg2[%add3A_139] : memref<50331648xf32, #tpu.memory_space<hbm>> -> memref<32768xf32, #tpu.memory_space<hbm>>
    %dma_wait3A_143 = arith.constant 32768 : i32
    %dma_wait3A_144 = tpu.memref_slice %arg4[%dma_wait3A_143] : memref<65536xf32, #tpu.memory_space<vmem>> -> memref<32768xf32, #tpu.memory_space<vmem>>
    %dma_wait3A_145 = tpu.memref_slice %arg2[%add3A_139] : memref<50331648xf32, #tpu.memory_space<hbm>> -> memref<32768xf32, #tpu.memory_space<hbm>>
    tpu.wait_dma2 semaphore(%arg8 : memref<!tpu.dma_semaphore, #tpu.memory_space<semaphore_mem>>) src(%dma_wait3A_145 : memref<32768xf32, #tpu.memory_space<hbm>>) dst(%dma_wait3A_144 : memref<32768xf32, #tpu.memory_space<vmem>>)
    %add3A_146 = arith.constant 0 : i32
    %add3A_147 = arith.addi %mul3A_10, %add3A_146 : i32
    %add3A_148 = arith.constant 196608 : i32
    %add3A_149 = arith.addi %add3A_147, %add3A_148 : i32
    %dma_start3A_150 = arith.constant 0 : i32
    %dma_start3A_151 = tpu.memref_slice %arg4[%dma_start3A_150] : memref<65536xf32, #tpu.memory_space<vmem>> -> memref<32768xf32, #tpu.memory_space<vmem>>
    %dma_start3A_152 = tpu.memref_slice %arg2[%add3A_149] : memref<50331648xf32, #tpu.memory_space<hbm>> -> memref<32768xf32, #tpu.memory_space<hbm>>
    %dma_start3A_153 = arith.constant 0 : i32
    %dma_start3A_154 = tpu.memref_slice %arg4[%dma_start3A_153] : memref<65536xf32, #tpu.memory_space<vmem>> -> memref<32768xf32, #tpu.memory_space<vmem>>
    %dma_start3A_155 = tpu.memref_slice %arg2[%add3A_149] : memref<50331648xf32, #tpu.memory_space<hbm>> -> memref<32768xf32, #tpu.memory_space<hbm>>
    tpu.enqueue_dma source(%dma_start3A_155 : memref<32768xf32, #tpu.memory_space<hbm>>) target(%dma_start3A_154 : memref<32768xf32, #tpu.memory_space<vmem>>) target_semaphore(%arg7 : memref<!tpu.dma_semaphore, #tpu.memory_space<semaphore_mem>>)
    %parallel_loop3A_156 = arith.constant 0 : i32
    %parallel_loop3A_157 = arith.constant 2048 : i32
    %parallel_loop3A_158 = arith.constant 1 : i32
    scf.for %parallel_loop3A_396 = %parallel_loop3A_156 to %parallel_loop3A_157 step %parallel_loop3A_158  : i32 {
      %parallel_loop3A_397 = arith.constant 16 : i32
      %parallel_loop3A_398 = arith.muli %parallel_loop3A_396, %parallel_loop3A_397 : i32
      %parallel_loop3A_399 = arith.constant 32768 : i32
      %parallel_loop3A_400 = arith.addi %parallel_loop3A_399, %parallel_loop3A_398 : i32
      %parallel_loop3A_401 = arith.index_cast %parallel_loop3A_400 : i32 to index
      %parallel_loop3A_402 = tpu.vector_load %arg4[%parallel_loop3A_401] {strides = array<i32>} : memref<65536xf32, #tpu.memory_space<vmem>>, vector<16xf32>,
      %parallel_loop3A_403 = arith.constant 2.560000e+02 : f32
      %parallel_loop3A_404 = vector.broadcast %parallel_loop3A_403 : f32 to vector<16xf32>
      %parallel_loop3A_405 = arith.mulf %parallel_loop3A_402, %parallel_loop3A_404 : vector<16xf32>
      %parallel_loop3A_406 = arith.fptosi %parallel_loop3A_405 : vector<16xf32> to vector<16xi32>
      %parallel_loop3A_407 = arith.addi %parallel_loop3A_406, %mul3A_3 : vector<16xi32>
      tpu.vector_store_idx %arg5[%parallel_loop3A_407], %broadcast_in_dim3A_4 {add = true} : memref<4096xf32, #tpu.memory_space<vmem>>[vector<16xi32>], vector<16xf32>,
    } {sc.loop_unroll_factor = 8 : i64, sc.parallel_access}
    %add3A_159 = arith.constant 0 : i32
    %add3A_160 = arith.addi %mul3A_10, %add3A_159 : i32
    %add3A_161 = arith.constant 196608 : i32
    %add3A_162 = arith.addi %add3A_160, %add3A_161 : i32
    %dma_wait3A_163 = arith.constant 0 : i32
    %dma_wait3A_164 = tpu.memref_slice %arg4[%dma_wait3A_163] : memref<65536xf32, #tpu.memory_space<vmem>> -> memref<32768xf32, #tpu.memory_space<vmem>>
    %dma_wait3A_165 = tpu.memref_slice %arg2[%add3A_162] : memref<50331648xf32, #tpu.memory_space<hbm>> -> memref<32768xf32, #tpu.memory_space<hbm>>
    %dma_wait3A_166 = arith.constant 0 : i32
    %dma_wait3A_167 = tpu.memref_slice %arg4[%dma_wait3A_166] : memref<65536xf32, #tpu.memory_space<vmem>> -> memref<32768xf32, #tpu.memory_space<vmem>>
    %dma_wait3A_168 = tpu.memref_slice %arg2[%add3A_162] : memref<50331648xf32, #tpu.memory_space<hbm>> -> memref<32768xf32, #tpu.memory_space<hbm>>
    tpu.wait_dma2 semaphore(%arg7 : memref<!tpu.dma_semaphore, #tpu.memory_space<semaphore_mem>>) src(%dma_wait3A_168 : memref<32768xf32, #tpu.memory_space<hbm>>) dst(%dma_wait3A_167 : memref<32768xf32, #tpu.memory_space<vmem>>)
    %add3A_169 = arith.constant 0 : i32
    %add3A_170 = arith.addi %mul3A_10, %add3A_169 : i32
    %add3A_171 = arith.constant 229376 : i32
    %add3A_172 = arith.addi %add3A_170, %add3A_171 : i32
    %dma_start3A_173 = arith.constant 32768 : i32
    %dma_start3A_174 = tpu.memref_slice %arg4[%dma_start3A_173] : memref<65536xf32, #tpu.memory_space<vmem>> -> memref<32768xf32, #tpu.memory_space<vmem>>
    %dma_start3A_175 = tpu.memref_slice %arg2[%add3A_172] : memref<50331648xf32, #tpu.memory_space<hbm>> -> memref<32768xf32, #tpu.memory_space<hbm>>
    %dma_start3A_176 = arith.constant 32768 : i32
    %dma_start3A_177 = tpu.memref_slice %arg4[%dma_start3A_176] : memref<65536xf32, #tpu.memory_space<vmem>> -> memref<32768xf32, #tpu.memory_space<vmem>>
    %dma_start3A_178 = tpu.memref_slice %arg2[%add3A_172] : memref<50331648xf32, #tpu.memory_space<hbm>> -> memref<32768xf32, #tpu.memory_space<hbm>>
    tpu.enqueue_dma source(%dma_start3A_178 : memref<32768xf32, #tpu.memory_space<hbm>>) target(%dma_start3A_177 : memref<32768xf32, #tpu.memory_space<vmem>>) target_semaphore(%arg8 : memref<!tpu.dma_semaphore, #tpu.memory_space<semaphore_mem>>)
    %parallel_loop3A_179 = arith.constant 0 : i32
    %parallel_loop3A_180 = arith.constant 2048 : i32
    %parallel_loop3A_181 = arith.constant 1 : i32
    scf.for %parallel_loop3A_396 = %parallel_loop3A_179 to %parallel_loop3A_180 step %parallel_loop3A_181  : i32 {
      %parallel_loop3A_397 = arith.constant 16 : i32
      %parallel_loop3A_398 = arith.muli %parallel_loop3A_396, %parallel_loop3A_397 : i32
      %parallel_loop3A_399 = arith.constant 0 : i32
      %parallel_loop3A_400 = arith.addi %parallel_loop3A_399, %parallel_loop3A_398 : i32
      %parallel_loop3A_401 = arith.index_cast %parallel_loop3A_400 : i32 to index
      %parallel_loop3A_402 = tpu.vector_load %arg4[%parallel_loop3A_401] {strides = array<i32>} : memref<65536xf32, #tpu.memory_space<vmem>>, vector<16xf32>,
      %parallel_loop3A_403 = arith.constant 2.560000e+02 : f32
      %parallel_loop3A_404 = vector.broadcast %parallel_loop3A_403 : f32 to vector<16xf32>
      %parallel_loop3A_405 = arith.mulf %parallel_loop3A_402, %parallel_loop3A_404 : vector<16xf32>
      %parallel_loop3A_406 = arith.fptosi %parallel_loop3A_405 : vector<16xf32> to vector<16xi32>
      %parallel_loop3A_407 = arith.addi %parallel_loop3A_406, %mul3A_3 : vector<16xi32>
      tpu.vector_store_idx %arg5[%parallel_loop3A_407], %broadcast_in_dim3A_4 {add = true} : memref<4096xf32, #tpu.memory_space<vmem>>[vector<16xi32>], vector<16xf32>,
    } {sc.loop_unroll_factor = 8 : i64, sc.parallel_access}
    %add3A_182 = arith.constant 0 : i32
    %add3A_183 = arith.addi %mul3A_10, %add3A_182 : i32
    %add3A_184 = arith.constant 229376 : i32
    %add3A_185 = arith.addi %add3A_183, %add3A_184 : i32
    %dma_wait3A_186 = arith.constant 32768 : i32
    %dma_wait3A_187 = tpu.memref_slice %arg4[%dma_wait3A_186] : memref<65536xf32, #tpu.memory_space<vmem>> -> memref<32768xf32, #tpu.memory_space<vmem>>
    %dma_wait3A_188 = tpu.memref_slice %arg2[%add3A_185] : memref<50331648xf32, #tpu.memory_space<hbm>> -> memref<32768xf32, #tpu.memory_space<hbm>>
    %dma_wait3A_189 = arith.constant 32768 : i32
    %dma_wait3A_190 = tpu.memref_slice %arg4[%dma_wait3A_189] : memref<65536xf32, #tpu.memory_space<vmem>> -> memref<32768xf32, #tpu.memory_space<vmem>>
    %dma_wait3A_191 = tpu.memref_slice %arg2[%add3A_185] : memref<50331648xf32, #tpu.memory_space<hbm>> -> memref<32768xf32, #tpu.memory_space<hbm>>
    tpu.wait_dma2 semaphore(%arg8 : memref<!tpu.dma_semaphore, #tpu.memory_space<semaphore_mem>>) src(%dma_wait3A_191 : memref<32768xf32, #tpu.memory_space<hbm>>) dst(%dma_wait3A_190 : memref<32768xf32, #tpu.memory_space<vmem>>)
    %add3A_192 = arith.constant 786432 : i32
    %add3A_193 = arith.addi %mul3A_10, %add3A_192 : i32
    %add3A_194 = arith.constant 0 : i32
    %add3A_195 = arith.addi %add3A_193, %add3A_194 : i32
    %dma_start3A_196 = arith.constant 0 : i32
    %dma_start3A_197 = tpu.memref_slice %arg4[%dma_start3A_196] : memref<65536xf32, #tpu.memory_space<vmem>> -> memref<32768xf32, #tpu.memory_space<vmem>>
    %dma_start3A_198 = tpu.memref_slice %arg2[%add3A_195] : memref<50331648xf32, #tpu.memory_space<hbm>> -> memref<32768xf32, #tpu.memory_space<hbm>>
    %dma_start3A_199 = arith.constant 0 : i32
    %dma_start3A_200 = tpu.memref_slice %arg4[%dma_start3A_199] : memref<65536xf32, #tpu.memory_space<vmem>> -> memref<32768xf32, #tpu.memory_space<vmem>>
    %dma_start3A_201 = tpu.memref_slice %arg2[%add3A_195] : memref<50331648xf32, #tpu.memory_space<hbm>> -> memref<32768xf32, #tpu.memory_space<hbm>>
    tpu.enqueue_dma source(%dma_start3A_201 : memref<32768xf32, #tpu.memory_space<hbm>>) target(%dma_start3A_200 : memref<32768xf32, #tpu.memory_space<vmem>>) target_semaphore(%arg7 : memref<!tpu.dma_semaphore, #tpu.memory_space<semaphore_mem>>)
    %parallel_loop3A_202 = arith.constant 0 : i32
    %parallel_loop3A_203 = arith.constant 2048 : i32
    %parallel_loop3A_204 = arith.constant 1 : i32
    scf.for %parallel_loop3A_396 = %parallel_loop3A_202 to %parallel_loop3A_203 step %parallel_loop3A_204  : i32 {
      %parallel_loop3A_397 = arith.constant 16 : i32
      %parallel_loop3A_398 = arith.muli %parallel_loop3A_396, %parallel_loop3A_397 : i32
      %parallel_loop3A_399 = arith.constant 32768 : i32
      %parallel_loop3A_400 = arith.addi %parallel_loop3A_399, %parallel_loop3A_398 : i32
      %parallel_loop3A_401 = arith.index_cast %parallel_loop3A_400 : i32 to index
      %parallel_loop3A_402 = tpu.vector_load %arg4[%parallel_loop3A_401] {strides = array<i32>} : memref<65536xf32, #tpu.memory_space<vmem>>, vector<16xf32>,
      %parallel_loop3A_403 = arith.constant 2.560000e+02 : f32
      %parallel_loop3A_404 = vector.broadcast %parallel_loop3A_403 : f32 to vector<16xf32>
      %parallel_loop3A_405 = arith.mulf %parallel_loop3A_402, %parallel_loop3A_404 : vector<16xf32>
      %parallel_loop3A_406 = arith.fptosi %parallel_loop3A_405 : vector<16xf32> to vector<16xi32>
      %parallel_loop3A_407 = arith.addi %parallel_loop3A_406, %mul3A_3 : vector<16xi32>
      tpu.vector_store_idx %arg5[%parallel_loop3A_407], %broadcast_in_dim3A_4 {add = true} : memref<4096xf32, #tpu.memory_space<vmem>>[vector<16xi32>], vector<16xf32>,
    } {sc.loop_unroll_factor = 8 : i64, sc.parallel_access}
    %parallel_loop3A_205 = arith.constant 0 : i32
    %parallel_loop3A_206 = arith.constant 16 : i32
    %parallel_loop3A_207 = arith.constant 1 : i32
    scf.for %parallel_loop3A_396 = %parallel_loop3A_205 to %parallel_loop3A_206 step %parallel_loop3A_207  : i32 {
      %parallel_loop3A_397 = arith.constant 16 : i32
      %parallel_loop3A_398 = arith.muli %parallel_loop3A_396, %parallel_loop3A_397 : i32
      %parallel_loop3A_399 = arith.index_cast %parallel_loop3A_398 : i32 to index
      %parallel_loop3A_400 = tpu.vector_load %arg5[%parallel_loop3A_399] {strides = array<i32>} : memref<4096xf32, #tpu.memory_space<vmem>>, vector<16xf32>,
      %parallel_loop3A_401 = arith.constant 16 : i32
      %parallel_loop3A_402 = arith.muli %parallel_loop3A_396, %parallel_loop3A_401 : i32
      %parallel_loop3A_403 = arith.constant 256 : i32
      %parallel_loop3A_404 = arith.addi %parallel_loop3A_403, %parallel_loop3A_402 : i32
      %parallel_loop3A_405 = arith.index_cast %parallel_loop3A_404 : i32 to index
      %parallel_loop3A_406 = tpu.vector_load %arg5[%parallel_loop3A_405] {strides = array<i32>} : memref<4096xf32, #tpu.memory_space<vmem>>, vector<16xf32>,
      %parallel_loop3A_407 = arith.addf %parallel_loop3A_400, %parallel_loop3A_406 : vector<16xf32>
      %parallel_loop3A_408 = arith.constant 16 : i32
      %parallel_loop3A_409 = arith.muli %parallel_loop3A_396, %parallel_loop3A_408 : i32
      %parallel_loop3A_410 = arith.constant 512 : i32
      %parallel_loop3A_411 = arith.addi %parallel_loop3A_410, %parallel_loop3A_409 : i32
      %parallel_loop3A_412 = arith.index_cast %parallel_loop3A_411 : i32 to index
      %parallel_loop3A_413 = tpu.vector_load %arg5[%parallel_loop3A_412] {strides = array<i32>} : memref<4096xf32, #tpu.memory_space<vmem>>, vector<16xf32>,
      %parallel_loop3A_414 = arith.addf %parallel_loop3A_407, %parallel_loop3A_413 : vector<16xf32>
      %parallel_loop3A_415 = arith.constant 16 : i32
      %parallel_loop3A_416 = arith.muli %parallel_loop3A_396, %parallel_loop3A_415 : i32
      %parallel_loop3A_417 = arith.constant 768 : i32
      %parallel_loop3A_418 = arith.addi %parallel_loop3A_417, %parallel_loop3A_416 : i32
      %parallel_loop3A_419 = arith.index_cast %parallel_loop3A_418 : i32 to index
      %parallel_loop3A_420 = tpu.vector_load %arg5[%parallel_loop3A_419] {strides = array<i32>} : memref<4096xf32, #tpu.memory_space<vmem>>, vector<16xf32>,
      %parallel_loop3A_421 = arith.addf %parallel_loop3A_414, %parallel_loop3A_420 : vector<16xf32>
      %parallel_loop3A_422 = arith.constant 16 : i32
      %parallel_loop3A_423 = arith.muli %parallel_loop3A_396, %parallel_loop3A_422 : i32
      %parallel_loop3A_424 = arith.constant 1024 : i32
      %parallel_loop3A_425 = arith.addi %parallel_loop3A_424, %parallel_loop3A_423 : i32
      %parallel_loop3A_426 = arith.index_cast %parallel_loop3A_425 : i32 to index
      %parallel_loop3A_427 = tpu.vector_load %arg5[%parallel_loop3A_426] {strides = array<i32>} : memref<4096xf32, #tpu.memory_space<vmem>>, vector<16xf32>,
      %parallel_loop3A_428 = arith.addf %parallel_loop3A_421, %parallel_loop3A_427 : vector<16xf32>
      %parallel_loop3A_429 = arith.constant 16 : i32
      %parallel_loop3A_430 = arith.muli %parallel_loop3A_396, %parallel_loop3A_429 : i32
      %parallel_loop3A_431 = arith.constant 1280 : i32
      %parallel_loop3A_432 = arith.addi %parallel_loop3A_431, %parallel_loop3A_430 : i32
      %parallel_loop3A_433 = arith.index_cast %parallel_loop3A_432 : i32 to index
      %parallel_loop3A_434 = tpu.vector_load %arg5[%parallel_loop3A_433] {strides = array<i32>} : memref<4096xf32, #tpu.memory_space<vmem>>, vector<16xf32>,
      %parallel_loop3A_435 = arith.addf %parallel_loop3A_428, %parallel_loop3A_434 : vector<16xf32>
      %parallel_loop3A_436 = arith.constant 16 : i32
      %parallel_loop3A_437 = arith.muli %parallel_loop3A_396, %parallel_loop3A_436 : i32
      %parallel_loop3A_438 = arith.constant 1536 : i32
      %parallel_loop3A_439 = arith.addi %parallel_loop3A_438, %parallel_loop3A_437 : i32
      %parallel_loop3A_440 = arith.index_cast %parallel_loop3A_439 : i32 to index
      %parallel_loop3A_441 = tpu.vector_load %arg5[%parallel_loop3A_440] {strides = array<i32>} : memref<4096xf32, #tpu.memory_space<vmem>>, vector<16xf32>,
      %parallel_loop3A_442 = arith.addf %parallel_loop3A_435, %parallel_loop3A_441 : vector<16xf32>
      %parallel_loop3A_443 = arith.constant 16 : i32
      %parallel_loop3A_444 = arith.muli %parallel_loop3A_396, %parallel_loop3A_443 : i32
      %parallel_loop3A_445 = arith.constant 1792 : i32
      %parallel_loop3A_446 = arith.addi %parallel_loop3A_445, %parallel_loop3A_444 : i32
      %parallel_loop3A_447 = arith.index_cast %parallel_loop3A_446 : i32 to index
      %parallel_loop3A_448 = tpu.vector_load %arg5[%parallel_loop3A_447] {strides = array<i32>} : memref<4096xf32, #tpu.memory_space<vmem>>, vector<16xf32>,
      %parallel_loop3A_449 = arith.addf %parallel_loop3A_442, %parallel_loop3A_448 : vector<16xf32>
      %parallel_loop3A_450 = arith.constant 16 : i32
      %parallel_loop3A_451 = arith.muli %parallel_loop3A_396, %parallel_loop3A_450 : i32
      %parallel_loop3A_452 = arith.constant 2048 : i32
      %parallel_loop3A_453 = arith.addi %parallel_loop3A_452, %parallel_loop3A_451 : i32
      %parallel_loop3A_454 = arith.index_cast %parallel_loop3A_453 : i32 to index
      %parallel_loop3A_455 = tpu.vector_load %arg5[%parallel_loop3A_454] {strides = array<i32>} : memref<4096xf32, #tpu.memory_space<vmem>>, vector<16xf32>,
      %parallel_loop3A_456 = arith.addf %parallel_loop3A_449, %parallel_loop3A_455 : vector<16xf32>
      %parallel_loop3A_457 = arith.constant 16 : i32
      %parallel_loop3A_458 = arith.muli %parallel_loop3A_396, %parallel_loop3A_457 : i32
      %parallel_loop3A_459 = arith.constant 2304 : i32
      %parallel_loop3A_460 = arith.addi %parallel_loop3A_459, %parallel_loop3A_458 : i32
      %parallel_loop3A_461 = arith.index_cast %parallel_loop3A_460 : i32 to index
      %parallel_loop3A_462 = tpu.vector_load %arg5[%parallel_loop3A_461] {strides = array<i32>} : memref<4096xf32, #tpu.memory_space<vmem>>, vector<16xf32>,
      %parallel_loop3A_463 = arith.addf %parallel_loop3A_456, %parallel_loop3A_462 : vector<16xf32>
      %parallel_loop3A_464 = arith.constant 16 : i32
      %parallel_loop3A_465 = arith.muli %parallel_loop3A_396, %parallel_loop3A_464 : i32
      %parallel_loop3A_466 = arith.constant 2560 : i32
      %parallel_loop3A_467 = arith.addi %parallel_loop3A_466, %parallel_loop3A_465 : i32
      %parallel_loop3A_468 = arith.index_cast %parallel_loop3A_467 : i32 to index
      %parallel_loop3A_469 = tpu.vector_load %arg5[%parallel_loop3A_468] {strides = array<i32>} : memref<4096xf32, #tpu.memory_space<vmem>>, vector<16xf32>,
      %parallel_loop3A_470 = arith.addf %parallel_loop3A_463, %parallel_loop3A_469 : vector<16xf32>
      %parallel_loop3A_471 = arith.constant 16 : i32
      %parallel_loop3A_472 = arith.muli %parallel_loop3A_396, %parallel_loop3A_471 : i32
      %parallel_loop3A_473 = arith.constant 2816 : i32
      %parallel_loop3A_474 = arith.addi %parallel_loop3A_473, %parallel_loop3A_472 : i32
      %parallel_loop3A_475 = arith.index_cast %parallel_loop3A_474 : i32 to index
      %parallel_loop3A_476 = tpu.vector_load %arg5[%parallel_loop3A_475] {strides = array<i32>} : memref<4096xf32, #tpu.memory_space<vmem>>, vector<16xf32>,
      %parallel_loop3A_477 = arith.addf %parallel_loop3A_470, %parallel_loop3A_476 : vector<16xf32>
      %parallel_loop3A_478 = arith.constant 16 : i32
      %parallel_loop3A_479 = arith.muli %parallel_loop3A_396, %parallel_loop3A_478 : i32
      %parallel_loop3A_480 = arith.constant 3072 : i32
      %parallel_loop3A_481 = arith.addi %parallel_loop3A_480, %parallel_loop3A_479 : i32
      %parallel_loop3A_482 = arith.index_cast %parallel_loop3A_481 : i32 to index
      %parallel_loop3A_483 = tpu.vector_load %arg5[%parallel_loop3A_482] {strides = array<i32>} : memref<4096xf32, #tpu.memory_space<vmem>>, vector<16xf32>,
      %parallel_loop3A_484 = arith.addf %parallel_loop3A_477, %parallel_loop3A_483 : vector<16xf32>
      %parallel_loop3A_485 = arith.constant 16 : i32
      %parallel_loop3A_486 = arith.muli %parallel_loop3A_396, %parallel_loop3A_485 : i32
      %parallel_loop3A_487 = arith.constant 3328 : i32
      %parallel_loop3A_488 = arith.addi %parallel_loop3A_487, %parallel_loop3A_486 : i32
      %parallel_loop3A_489 = arith.index_cast %parallel_loop3A_488 : i32 to index
      %parallel_loop3A_490 = tpu.vector_load %arg5[%parallel_loop3A_489] {strides = array<i32>} : memref<4096xf32, #tpu.memory_space<vmem>>, vector<16xf32>,
      %parallel_loop3A_491 = arith.addf %parallel_loop3A_484, %parallel_loop3A_490 : vector<16xf32>
      %parallel_loop3A_492 = arith.constant 16 : i32
      %parallel_loop3A_493 = arith.muli %parallel_loop3A_396, %parallel_loop3A_492 : i32
      %parallel_loop3A_494 = arith.constant 3584 : i32
      %parallel_loop3A_495 = arith.addi %parallel_loop3A_494, %parallel_loop3A_493 : i32
      %parallel_loop3A_496 = arith.index_cast %parallel_loop3A_495 : i32 to index
      %parallel_loop3A_497 = tpu.vector_load %arg5[%parallel_loop3A_496] {strides = array<i32>} : memref<4096xf32, #tpu.memory_space<vmem>>, vector<16xf32>,
      %parallel_loop3A_498 = arith.addf %parallel_loop3A_491, %parallel_loop3A_497 : vector<16xf32>
      %parallel_loop3A_499 = arith.constant 16 : i32
      %parallel_loop3A_500 = arith.muli %parallel_loop3A_396, %parallel_loop3A_499 : i32
      %parallel_loop3A_501 = arith.constant 3840 : i32
      %parallel_loop3A_502 = arith.addi %parallel_loop3A_501, %parallel_loop3A_500 : i32
      %parallel_loop3A_503 = arith.index_cast %parallel_loop3A_502 : i32 to index
      %parallel_loop3A_504 = tpu.vector_load %arg5[%parallel_loop3A_503] {strides = array<i32>} : memref<4096xf32, #tpu.memory_space<vmem>>, vector<16xf32>,
      %parallel_loop3A_505 = arith.addf %parallel_loop3A_498, %parallel_loop3A_504 : vector<16xf32>
      %parallel_loop3A_506 = arith.constant 16 : i32
      %parallel_loop3A_507 = arith.muli %parallel_loop3A_396, %parallel_loop3A_506 : i32
      %parallel_loop3A_508 = arith.index_cast %parallel_loop3A_507 : i32 to index
      %parallel_loop3A_509 = tpu.vector_load %arg6[%parallel_loop3A_508] {strides = array<i32>} : memref<256xf32, #tpu.memory_space<vmem>>, vector<16xf32>,
      tpu.vector_store %arg6[%parallel_loop3A_508], %parallel_loop3A_505 {strides = array<i32>} : memref<256xf32, #tpu.memory_space<vmem>>, vector<16xf32>,
    } {sc.loop_unroll_factor = 2 : i64, sc.parallel_access}
    %mul3A_208 = arith.constant 2 : i32
    %mul3A_209 = arith.muli %add3A, %mul3A_208 : i32
    %add3A_210 = arith.constant 0 : i32
    %add3A_211 = arith.addi %mul3A_209, %add3A_210 : i32
    "tpu.region"() ({
      %run_scoped3A = tpu.sem_alloc : memref<!tpu.dma_semaphore, #tpu.memory_space<semaphore_mem>>
      %dma_start3A_396 = arith.constant 0 : i32
      %dma_start3A_397 = tpu.memref_slice %arg3[%add3A_211, %dma_start3A_396] : memref<64x256xf32, #tpu.memory_space<hbm>> -> memref<1x256xf32, #tpu.memory_space<hbm>>
      %dma_start3A_398 = tpu.memref_squeeze %dma_start3A_397 : memref<1x256xf32, #tpu.memory_space<hbm>> -> memref<256xf32, #tpu.memory_space<hbm>>
      %dma_start3A_399 = arith.constant 0 : i32
      %dma_start3A_400 = tpu.memref_slice %arg3[%add3A_211, %dma_start3A_399] : memref<64x256xf32, #tpu.memory_space<hbm>> -> memref<1x256xf32, #tpu.memory_space<hbm>>
      %dma_start3A_401 = tpu.memref_squeeze %dma_start3A_400 : memref<1x256xf32, #tpu.memory_space<hbm>> -> memref<256xf32, #tpu.memory_space<hbm>>
      tpu.enqueue_dma source(%arg6 : memref<256xf32, #tpu.memory_space<vmem>>) target(%dma_start3A_401 : memref<256xf32, #tpu.memory_space<hbm>>) target_semaphore(%run_scoped3A : memref<!tpu.dma_semaphore, #tpu.memory_space<semaphore_mem>>)
      %dma_wait3A_402 = arith.constant 0 : i32
      %dma_wait3A_403 = tpu.memref_slice %arg3[%add3A_211, %dma_wait3A_402] : memref<64x256xf32, #tpu.memory_space<hbm>> -> memref<1x256xf32, #tpu.memory_space<hbm>>
      %dma_wait3A_404 = tpu.memref_squeeze %dma_wait3A_403 : memref<1x256xf32, #tpu.memory_space<hbm>> -> memref<256xf32, #tpu.memory_space<hbm>>
      %dma_wait3A_405 = arith.constant 0 : i32
      %dma_wait3A_406 = tpu.memref_slice %arg3[%add3A_211, %dma_wait3A_405] : memref<64x256xf32, #tpu.memory_space<hbm>> -> memref<1x256xf32, #tpu.memory_space<hbm>>
      %dma_wait3A_407 = tpu.memref_squeeze %dma_wait3A_406 : memref<1x256xf32, #tpu.memory_space<hbm>> -> memref<256xf32, #tpu.memory_space<hbm>>
      tpu.wait_dma2 semaphore(%run_scoped3A : memref<!tpu.dma_semaphore, #tpu.memory_space<semaphore_mem>>) src(%arg6 : memref<256xf32, #tpu.memory_space<vmem>>) dst(%dma_wait3A_407 : memref<256xf32, #tpu.memory_space<hbm>>)
      tpu.yield
    }) : () -> ()
    %parallel_loop3A_212 = arith.constant 0 : i32
    %parallel_loop3A_213 = arith.constant 256 : i32
    %parallel_loop3A_214 = arith.constant 1 : i32
    scf.for %parallel_loop3A_396 = %parallel_loop3A_212 to %parallel_loop3A_213 step %parallel_loop3A_214  : i32 {
      %parallel_loop3A_397 = arith.constant 16 : i32
      %parallel_loop3A_398 = arith.muli %parallel_loop3A_396, %parallel_loop3A_397 : i32
      %parallel_loop3A_399 = arith.index_cast %parallel_loop3A_398 : i32 to index
      %parallel_loop3A_400 = tpu.vector_load %arg5[%parallel_loop3A_399] {strides = array<i32>} : memref<4096xf32, #tpu.memory_space<vmem>>, vector<16xf32>,
      tpu.vector_store %arg5[%parallel_loop3A_399], %broadcast_in_dim3A_6 {strides = array<i32>} : memref<4096xf32, #tpu.memory_space<vmem>>, vector<16xf32>,
    } {sc.loop_unroll_factor = 8 : i64, sc.parallel_access}
    %add3A_215 = arith.constant 786432 : i32
    %add3A_216 = arith.addi %mul3A_10, %add3A_215 : i32
    %add3A_217 = arith.constant 0 : i32
    %add3A_218 = arith.addi %add3A_216, %add3A_217 : i32
    %dma_wait3A_219 = arith.constant 0 : i32
    %dma_wait3A_220 = tpu.memref_slice %arg4[%dma_wait3A_219] : memref<65536xf32, #tpu.memory_space<vmem>> -> memref<32768xf32, #tpu.memory_space<vmem>>
    %dma_wait3A_221 = tpu.memref_slice %arg2[%add3A_218] : memref<50331648xf32, #tpu.memory_space<hbm>> -> memref<32768xf32, #tpu.memory_space<hbm>>
    %dma_wait3A_222 = arith.constant 0 : i32
    %dma_wait3A_223 = tpu.memref_slice %arg4[%dma_wait3A_222] : memref<65536xf32, #tpu.memory_space<vmem>> -> memref<32768xf32, #tpu.memory_space<vmem>>
    %dma_wait3A_224 = tpu.memref_slice %arg2[%add3A_218] : memref<50331648xf32, #tpu.memory_space<hbm>> -> memref<32768xf32, #tpu.memory_space<hbm>>
    tpu.wait_dma2 semaphore(%arg7 : memref<!tpu.dma_semaphore, #tpu.memory_space<semaphore_mem>>) src(%dma_wait3A_224 : memref<32768xf32, #tpu.memory_space<hbm>>) dst(%dma_wait3A_223 : memref<32768xf32, #tpu.memory_space<vmem>>)
    %add3A_225 = arith.constant 786432 : i32
    %add3A_226 = arith.addi %mul3A_10, %add3A_225 : i32
    %add3A_227 = arith.constant 32768 : i32
    %add3A_228 = arith.addi %add3A_226, %add3A_227 : i32
    %dma_start3A_229 = arith.constant 32768 : i32
    %dma_start3A_230 = tpu.memref_slice %arg4[%dma_start3A_229] : memref<65536xf32, #tpu.memory_space<vmem>> -> memref<32768xf32, #tpu.memory_space<vmem>>
    %dma_start3A_231 = tpu.memref_slice %arg2[%add3A_228] : memref<50331648xf32, #tpu.memory_space<hbm>> -> memref<32768xf32, #tpu.memory_space<hbm>>
    %dma_start3A_232 = arith.constant 32768 : i32
    %dma_start3A_233 = tpu.memref_slice %arg4[%dma_start3A_232] : memref<65536xf32, #tpu.memory_space<vmem>> -> memref<32768xf32, #tpu.memory_space<vmem>>
    %dma_start3A_234 = tpu.memref_slice %arg2[%add3A_228] : memref<50331648xf32, #tpu.memory_space<hbm>> -> memref<32768xf32, #tpu.memory_space<hbm>>
    tpu.enqueue_dma source(%dma_start3A_234 : memref<32768xf32, #tpu.memory_space<hbm>>) target(%dma_start3A_233 : memref<32768xf32, #tpu.memory_space<vmem>>) target_semaphore(%arg8 : memref<!tpu.dma_semaphore, #tpu.memory_space<semaphore_mem>>)
    %parallel_loop3A_235 = arith.constant 0 : i32
    %parallel_loop3A_236 = arith.constant 2048 : i32
    %parallel_loop3A_237 = arith.constant 1 : i32
    scf.for %parallel_loop3A_396 = %parallel_loop3A_235 to %parallel_loop3A_236 step %parallel_loop3A_237  : i32 {
      %parallel_loop3A_397 = arith.constant 16 : i32
      %parallel_loop3A_398 = arith.muli %parallel_loop3A_396, %parallel_loop3A_397 : i32
      %parallel_loop3A_399 = arith.constant 0 : i32
      %parallel_loop3A_400 = arith.addi %parallel_loop3A_399, %parallel_loop3A_398 : i32
      %parallel_loop3A_401 = arith.index_cast %parallel_loop3A_400 : i32 to index
      %parallel_loop3A_402 = tpu.vector_load %arg4[%parallel_loop3A_401] {strides = array<i32>} : memref<65536xf32, #tpu.memory_space<vmem>>, vector<16xf32>,
      %parallel_loop3A_403 = arith.constant 2.560000e+02 : f32
      %parallel_loop3A_404 = vector.broadcast %parallel_loop3A_403 : f32 to vector<16xf32>
      %parallel_loop3A_405 = arith.mulf %parallel_loop3A_402, %parallel_loop3A_404 : vector<16xf32>
      %parallel_loop3A_406 = arith.fptosi %parallel_loop3A_405 : vector<16xf32> to vector<16xi32>
      %parallel_loop3A_407 = arith.addi %parallel_loop3A_406, %mul3A_3 : vector<16xi32>
      tpu.vector_store_idx %arg5[%parallel_loop3A_407], %broadcast_in_dim3A_4 {add = true} : memref<4096xf32, #tpu.memory_space<vmem>>[vector<16xi32>], vector<16xf32>,
    } {sc.loop_unroll_factor = 8 : i64, sc.parallel_access}
    %add3A_238 = arith.constant 786432 : i32
    %add3A_239 = arith.addi %mul3A_10, %add3A_238 : i32
    %add3A_240 = arith.constant 32768 : i32
    %add3A_241 = arith.addi %add3A_239, %add3A_240 : i32
    %dma_wait3A_242 = arith.constant 32768 : i32
    %dma_wait3A_243 = tpu.memref_slice %arg4[%dma_wait3A_242] : memref<65536xf32, #tpu.memory_space<vmem>> -> memref<32768xf32, #tpu.memory_space<vmem>>
    %dma_wait3A_244 = tpu.memref_slice %arg2[%add3A_241] : memref<50331648xf32, #tpu.memory_space<hbm>> -> memref<32768xf32, #tpu.memory_space<hbm>>
    %dma_wait3A_245 = arith.constant 32768 : i32
    %dma_wait3A_246 = tpu.memref_slice %arg4[%dma_wait3A_245] : memref<65536xf32, #tpu.memory_space<vmem>> -> memref<32768xf32, #tpu.memory_space<vmem>>
    %dma_wait3A_247 = tpu.memref_slice %arg2[%add3A_241] : memref<50331648xf32, #tpu.memory_space<hbm>> -> memref<32768xf32, #tpu.memory_space<hbm>>
    tpu.wait_dma2 semaphore(%arg8 : memref<!tpu.dma_semaphore, #tpu.memory_space<semaphore_mem>>) src(%dma_wait3A_247 : memref<32768xf32, #tpu.memory_space<hbm>>) dst(%dma_wait3A_246 : memref<32768xf32, #tpu.memory_space<vmem>>)
    %add3A_248 = arith.constant 786432 : i32
    %add3A_249 = arith.addi %mul3A_10, %add3A_248 : i32
    %add3A_250 = arith.constant 65536 : i32
    %add3A_251 = arith.addi %add3A_249, %add3A_250 : i32
    %dma_start3A_252 = arith.constant 0 : i32
    %dma_start3A_253 = tpu.memref_slice %arg4[%dma_start3A_252] : memref<65536xf32, #tpu.memory_space<vmem>> -> memref<32768xf32, #tpu.memory_space<vmem>>
    %dma_start3A_254 = tpu.memref_slice %arg2[%add3A_251] : memref<50331648xf32, #tpu.memory_space<hbm>> -> memref<32768xf32, #tpu.memory_space<hbm>>
    %dma_start3A_255 = arith.constant 0 : i32
    %dma_start3A_256 = tpu.memref_slice %arg4[%dma_start3A_255] : memref<65536xf32, #tpu.memory_space<vmem>> -> memref<32768xf32, #tpu.memory_space<vmem>>
    %dma_start3A_257 = tpu.memref_slice %arg2[%add3A_251] : memref<50331648xf32, #tpu.memory_space<hbm>> -> memref<32768xf32, #tpu.memory_space<hbm>>
    tpu.enqueue_dma source(%dma_start3A_257 : memref<32768xf32, #tpu.memory_space<hbm>>) target(%dma_start3A_256 : memref<32768xf32, #tpu.memory_space<vmem>>) target_semaphore(%arg7 : memref<!tpu.dma_semaphore, #tpu.memory_space<semaphore_mem>>)
    %parallel_loop3A_258 = arith.constant 0 : i32
    %parallel_loop3A_259 = arith.constant 2048 : i32
    %parallel_loop3A_260 = arith.constant 1 : i32
    scf.for %parallel_loop3A_396 = %parallel_loop3A_258 to %parallel_loop3A_259 step %parallel_loop3A_260  : i32 {
      %parallel_loop3A_397 = arith.constant 16 : i32
      %parallel_loop3A_398 = arith.muli %parallel_loop3A_396, %parallel_loop3A_397 : i32
      %parallel_loop3A_399 = arith.constant 32768 : i32
      %parallel_loop3A_400 = arith.addi %parallel_loop3A_399, %parallel_loop3A_398 : i32
      %parallel_loop3A_401 = arith.index_cast %parallel_loop3A_400 : i32 to index
      %parallel_loop3A_402 = tpu.vector_load %arg4[%parallel_loop3A_401] {strides = array<i32>} : memref<65536xf32, #tpu.memory_space<vmem>>, vector<16xf32>,
      %parallel_loop3A_403 = arith.constant 2.560000e+02 : f32
      %parallel_loop3A_404 = vector.broadcast %parallel_loop3A_403 : f32 to vector<16xf32>
      %parallel_loop3A_405 = arith.mulf %parallel_loop3A_402, %parallel_loop3A_404 : vector<16xf32>
      %parallel_loop3A_406 = arith.fptosi %parallel_loop3A_405 : vector<16xf32> to vector<16xi32>
      %parallel_loop3A_407 = arith.addi %parallel_loop3A_406, %mul3A_3 : vector<16xi32>
      tpu.vector_store_idx %arg5[%parallel_loop3A_407], %broadcast_in_dim3A_4 {add = true} : memref<4096xf32, #tpu.memory_space<vmem>>[vector<16xi32>], vector<16xf32>,
    } {sc.loop_unroll_factor = 8 : i64, sc.parallel_access}
    %add3A_261 = arith.constant 786432 : i32
    %add3A_262 = arith.addi %mul3A_10, %add3A_261 : i32
    %add3A_263 = arith.constant 65536 : i32
    %add3A_264 = arith.addi %add3A_262, %add3A_263 : i32
    %dma_wait3A_265 = arith.constant 0 : i32
    %dma_wait3A_266 = tpu.memref_slice %arg4[%dma_wait3A_265] : memref<65536xf32, #tpu.memory_space<vmem>> -> memref<32768xf32, #tpu.memory_space<vmem>>
    %dma_wait3A_267 = tpu.memref_slice %arg2[%add3A_264] : memref<50331648xf32, #tpu.memory_space<hbm>> -> memref<32768xf32, #tpu.memory_space<hbm>>
    %dma_wait3A_268 = arith.constant 0 : i32
    %dma_wait3A_269 = tpu.memref_slice %arg4[%dma_wait3A_268] : memref<65536xf32, #tpu.memory_space<vmem>> -> memref<32768xf32, #tpu.memory_space<vmem>>
    %dma_wait3A_270 = tpu.memref_slice %arg2[%add3A_264] : memref<50331648xf32, #tpu.memory_space<hbm>> -> memref<32768xf32, #tpu.memory_space<hbm>>
    tpu.wait_dma2 semaphore(%arg7 : memref<!tpu.dma_semaphore, #tpu.memory_space<semaphore_mem>>) src(%dma_wait3A_270 : memref<32768xf32, #tpu.memory_space<hbm>>) dst(%dma_wait3A_269 : memref<32768xf32, #tpu.memory_space<vmem>>)
    %add3A_271 = arith.constant 786432 : i32
    %add3A_272 = arith.addi %mul3A_10, %add3A_271 : i32
    %add3A_273 = arith.constant 98304 : i32
    %add3A_274 = arith.addi %add3A_272, %add3A_273 : i32
    %dma_start3A_275 = arith.constant 32768 : i32
    %dma_start3A_276 = tpu.memref_slice %arg4[%dma_start3A_275] : memref<65536xf32, #tpu.memory_space<vmem>> -> memref<32768xf32, #tpu.memory_space<vmem>>
    %dma_start3A_277 = tpu.memref_slice %arg2[%add3A_274] : memref<50331648xf32, #tpu.memory_space<hbm>> -> memref<32768xf32, #tpu.memory_space<hbm>>
    %dma_start3A_278 = arith.constant 32768 : i32
    %dma_start3A_279 = tpu.memref_slice %arg4[%dma_start3A_278] : memref<65536xf32, #tpu.memory_space<vmem>> -> memref<32768xf32, #tpu.memory_space<vmem>>
    %dma_start3A_280 = tpu.memref_slice %arg2[%add3A_274] : memref<50331648xf32, #tpu.memory_space<hbm>> -> memref<32768xf32, #tpu.memory_space<hbm>>
    tpu.enqueue_dma source(%dma_start3A_280 : memref<32768xf32, #tpu.memory_space<hbm>>) target(%dma_start3A_279 : memref<32768xf32, #tpu.memory_space<vmem>>) target_semaphore(%arg8 : memref<!tpu.dma_semaphore, #tpu.memory_space<semaphore_mem>>)
    %parallel_loop3A_281 = arith.constant 0 : i32
    %parallel_loop3A_282 = arith.constant 2048 : i32
    %parallel_loop3A_283 = arith.constant 1 : i32
    scf.for %parallel_loop3A_396 = %parallel_loop3A_281 to %parallel_loop3A_282 step %parallel_loop3A_283  : i32 {
      %parallel_loop3A_397 = arith.constant 16 : i32
      %parallel_loop3A_398 = arith.muli %parallel_loop3A_396, %parallel_loop3A_397 : i32
      %parallel_loop3A_399 = arith.constant 0 : i32
      %parallel_loop3A_400 = arith.addi %parallel_loop3A_399, %parallel_loop3A_398 : i32
      %parallel_loop3A_401 = arith.index_cast %parallel_loop3A_400 : i32 to index
      %parallel_loop3A_402 = tpu.vector_load %arg4[%parallel_loop3A_401] {strides = array<i32>} : memref<65536xf32, #tpu.memory_space<vmem>>, vector<16xf32>,
      %parallel_loop3A_403 = arith.constant 2.560000e+02 : f32
      %parallel_loop3A_404 = vector.broadcast %parallel_loop3A_403 : f32 to vector<16xf32>
      %parallel_loop3A_405 = arith.mulf %parallel_loop3A_402, %parallel_loop3A_404 : vector<16xf32>
      %parallel_loop3A_406 = arith.fptosi %parallel_loop3A_405 : vector<16xf32> to vector<16xi32>
      %parallel_loop3A_407 = arith.addi %parallel_loop3A_406, %mul3A_3 : vector<16xi32>
      tpu.vector_store_idx %arg5[%parallel_loop3A_407], %broadcast_in_dim3A_4 {add = true} : memref<4096xf32, #tpu.memory_space<vmem>>[vector<16xi32>], vector<16xf32>,
    } {sc.loop_unroll_factor = 8 : i64, sc.parallel_access}
    %add3A_284 = arith.constant 786432 : i32
    %add3A_285 = arith.addi %mul3A_10, %add3A_284 : i32
    %add3A_286 = arith.constant 98304 : i32
    %add3A_287 = arith.addi %add3A_285, %add3A_286 : i32
    %dma_wait3A_288 = arith.constant 32768 : i32
    %dma_wait3A_289 = tpu.memref_slice %arg4[%dma_wait3A_288] : memref<65536xf32, #tpu.memory_space<vmem>> -> memref<32768xf32, #tpu.memory_space<vmem>>
    %dma_wait3A_290 = tpu.memref_slice %arg2[%add3A_287] : memref<50331648xf32, #tpu.memory_space<hbm>> -> memref<32768xf32, #tpu.memory_space<hbm>>
    %dma_wait3A_291 = arith.constant 32768 : i32
    %dma_wait3A_292 = tpu.memref_slice %arg4[%dma_wait3A_291] : memref<65536xf32, #tpu.memory_space<vmem>> -> memref<32768xf32, #tpu.memory_space<vmem>>
    %dma_wait3A_293 = tpu.memref_slice %arg2[%add3A_287] : memref<50331648xf32, #tpu.memory_space<hbm>> -> memref<32768xf32, #tpu.memory_space<hbm>>
    tpu.wait_dma2 semaphore(%arg8 : memref<!tpu.dma_semaphore, #tpu.memory_space<semaphore_mem>>) src(%dma_wait3A_293 : memref<32768xf32, #tpu.memory_space<hbm>>) dst(%dma_wait3A_292 : memref<32768xf32, #tpu.memory_space<vmem>>)
    %add3A_294 = arith.constant 786432 : i32
    %add3A_295 = arith.addi %mul3A_10, %add3A_294 : i32
    %add3A_296 = arith.constant 131072 : i32
    %add3A_297 = arith.addi %add3A_295, %add3A_296 : i32
    %dma_start3A_298 = arith.constant 0 : i32
    %dma_start3A_299 = tpu.memref_slice %arg4[%dma_start3A_298] : memref<65536xf32, #tpu.memory_space<vmem>> -> memref<32768xf32, #tpu.memory_space<vmem>>
    %dma_start3A_300 = tpu.memref_slice %arg2[%add3A_297] : memref<50331648xf32, #tpu.memory_space<hbm>> -> memref<32768xf32, #tpu.memory_space<hbm>>
    %dma_start3A_301 = arith.constant 0 : i32
    %dma_start3A_302 = tpu.memref_slice %arg4[%dma_start3A_301] : memref<65536xf32, #tpu.memory_space<vmem>> -> memref<32768xf32, #tpu.memory_space<vmem>>
    %dma_start3A_303 = tpu.memref_slice %arg2[%add3A_297] : memref<50331648xf32, #tpu.memory_space<hbm>> -> memref<32768xf32, #tpu.memory_space<hbm>>
    tpu.enqueue_dma source(%dma_start3A_303 : memref<32768xf32, #tpu.memory_space<hbm>>) target(%dma_start3A_302 : memref<32768xf32, #tpu.memory_space<vmem>>) target_semaphore(%arg7 : memref<!tpu.dma_semaphore, #tpu.memory_space<semaphore_mem>>)
    %parallel_loop3A_304 = arith.constant 0 : i32
    %parallel_loop3A_305 = arith.constant 2048 : i32
    %parallel_loop3A_306 = arith.constant 1 : i32
    scf.for %parallel_loop3A_396 = %parallel_loop3A_304 to %parallel_loop3A_305 step %parallel_loop3A_306  : i32 {
      %parallel_loop3A_397 = arith.constant 16 : i32
      %parallel_loop3A_398 = arith.muli %parallel_loop3A_396, %parallel_loop3A_397 : i32
      %parallel_loop3A_399 = arith.constant 32768 : i32
      %parallel_loop3A_400 = arith.addi %parallel_loop3A_399, %parallel_loop3A_398 : i32
      %parallel_loop3A_401 = arith.index_cast %parallel_loop3A_400 : i32 to index
      %parallel_loop3A_402 = tpu.vector_load %arg4[%parallel_loop3A_401] {strides = array<i32>} : memref<65536xf32, #tpu.memory_space<vmem>>, vector<16xf32>,
      %parallel_loop3A_403 = arith.constant 2.560000e+02 : f32
      %parallel_loop3A_404 = vector.broadcast %parallel_loop3A_403 : f32 to vector<16xf32>
      %parallel_loop3A_405 = arith.mulf %parallel_loop3A_402, %parallel_loop3A_404 : vector<16xf32>
      %parallel_loop3A_406 = arith.fptosi %parallel_loop3A_405 : vector<16xf32> to vector<16xi32>
      %parallel_loop3A_407 = arith.addi %parallel_loop3A_406, %mul3A_3 : vector<16xi32>
      tpu.vector_store_idx %arg5[%parallel_loop3A_407], %broadcast_in_dim3A_4 {add = true} : memref<4096xf32, #tpu.memory_space<vmem>>[vector<16xi32>], vector<16xf32>,
    } {sc.loop_unroll_factor = 8 : i64, sc.parallel_access}
    %add3A_307 = arith.constant 786432 : i32
    %add3A_308 = arith.addi %mul3A_10, %add3A_307 : i32
    %add3A_309 = arith.constant 131072 : i32
    %add3A_310 = arith.addi %add3A_308, %add3A_309 : i32
    %dma_wait3A_311 = arith.constant 0 : i32
    %dma_wait3A_312 = tpu.memref_slice %arg4[%dma_wait3A_311] : memref<65536xf32, #tpu.memory_space<vmem>> -> memref<32768xf32, #tpu.memory_space<vmem>>
    %dma_wait3A_313 = tpu.memref_slice %arg2[%add3A_310] : memref<50331648xf32, #tpu.memory_space<hbm>> -> memref<32768xf32, #tpu.memory_space<hbm>>
    %dma_wait3A_314 = arith.constant 0 : i32
    %dma_wait3A_315 = tpu.memref_slice %arg4[%dma_wait3A_314] : memref<65536xf32, #tpu.memory_space<vmem>> -> memref<32768xf32, #tpu.memory_space<vmem>>
    %dma_wait3A_316 = tpu.memref_slice %arg2[%add3A_310] : memref<50331648xf32, #tpu.memory_space<hbm>> -> memref<32768xf32, #tpu.memory_space<hbm>>
    tpu.wait_dma2 semaphore(%arg7 : memref<!tpu.dma_semaphore, #tpu.memory_space<semaphore_mem>>) src(%dma_wait3A_316 : memref<32768xf32, #tpu.memory_space<hbm>>) dst(%dma_wait3A_315 : memref<32768xf32, #tpu.memory_space<vmem>>)
    %add3A_317 = arith.constant 786432 : i32
    %add3A_318 = arith.addi %mul3A_10, %add3A_317 : i32
    %add3A_319 = arith.constant 163840 : i32
    %add3A_320 = arith.addi %add3A_318, %add3A_319 : i32
    %dma_start3A_321 = arith.constant 32768 : i32
    %dma_start3A_322 = tpu.memref_slice %arg4[%dma_start3A_321] : memref<65536xf32, #tpu.memory_space<vmem>> -> memref<32768xf32, #tpu.memory_space<vmem>>
    %dma_start3A_323 = tpu.memref_slice %arg2[%add3A_320] : memref<50331648xf32, #tpu.memory_space<hbm>> -> memref<32768xf32, #tpu.memory_space<hbm>>
    %dma_start3A_324 = arith.constant 32768 : i32
    %dma_start3A_325 = tpu.memref_slice %arg4[%dma_start3A_324] : memref<65536xf32, #tpu.memory_space<vmem>> -> memref<32768xf32, #tpu.memory_space<vmem>>
    %dma_start3A_326 = tpu.memref_slice %arg2[%add3A_320] : memref<50331648xf32, #tpu.memory_space<hbm>> -> memref<32768xf32, #tpu.memory_space<hbm>>
    tpu.enqueue_dma source(%dma_start3A_326 : memref<32768xf32, #tpu.memory_space<hbm>>) target(%dma_start3A_325 : memref<32768xf32, #tpu.memory_space<vmem>>) target_semaphore(%arg8 : memref<!tpu.dma_semaphore, #tpu.memory_space<semaphore_mem>>)
    %parallel_loop3A_327 = arith.constant 0 : i32
    %parallel_loop3A_328 = arith.constant 2048 : i32
    %parallel_loop3A_329 = arith.constant 1 : i32
    scf.for %parallel_loop3A_396 = %parallel_loop3A_327 to %parallel_loop3A_328 step %parallel_loop3A_329  : i32 {
      %parallel_loop3A_397 = arith.constant 16 : i32
      %parallel_loop3A_398 = arith.muli %parallel_loop3A_396, %parallel_loop3A_397 : i32
      %parallel_loop3A_399 = arith.constant 0 : i32
      %parallel_loop3A_400 = arith.addi %parallel_loop3A_399, %parallel_loop3A_398 : i32
      %parallel_loop3A_401 = arith.index_cast %parallel_loop3A_400 : i32 to index
      %parallel_loop3A_402 = tpu.vector_load %arg4[%parallel_loop3A_401] {strides = array<i32>} : memref<65536xf32, #tpu.memory_space<vmem>>, vector<16xf32>,
      %parallel_loop3A_403 = arith.constant 2.560000e+02 : f32
      %parallel_loop3A_404 = vector.broadcast %parallel_loop3A_403 : f32 to vector<16xf32>
      %parallel_loop3A_405 = arith.mulf %parallel_loop3A_402, %parallel_loop3A_404 : vector<16xf32>
      %parallel_loop3A_406 = arith.fptosi %parallel_loop3A_405 : vector<16xf32> to vector<16xi32>
      %parallel_loop3A_407 = arith.addi %parallel_loop3A_406, %mul3A_3 : vector<16xi32>
      tpu.vector_store_idx %arg5[%parallel_loop3A_407], %broadcast_in_dim3A_4 {add = true} : memref<4096xf32, #tpu.memory_space<vmem>>[vector<16xi32>], vector<16xf32>,
    } {sc.loop_unroll_factor = 8 : i64, sc.parallel_access}
    %add3A_330 = arith.constant 786432 : i32
    %add3A_331 = arith.addi %mul3A_10, %add3A_330 : i32
    %add3A_332 = arith.constant 163840 : i32
    %add3A_333 = arith.addi %add3A_331, %add3A_332 : i32
    %dma_wait3A_334 = arith.constant 32768 : i32
    %dma_wait3A_335 = tpu.memref_slice %arg4[%dma_wait3A_334] : memref<65536xf32, #tpu.memory_space<vmem>> -> memref<32768xf32, #tpu.memory_space<vmem>>
    %dma_wait3A_336 = tpu.memref_slice %arg2[%add3A_333] : memref<50331648xf32, #tpu.memory_space<hbm>> -> memref<32768xf32, #tpu.memory_space<hbm>>
    %dma_wait3A_337 = arith.constant 32768 : i32
    %dma_wait3A_338 = tpu.memref_slice %arg4[%dma_wait3A_337] : memref<65536xf32, #tpu.memory_space<vmem>> -> memref<32768xf32, #tpu.memory_space<vmem>>
    %dma_wait3A_339 = tpu.memref_slice %arg2[%add3A_333] : memref<50331648xf32, #tpu.memory_space<hbm>> -> memref<32768xf32, #tpu.memory_space<hbm>>
    tpu.wait_dma2 semaphore(%arg8 : memref<!tpu.dma_semaphore, #tpu.memory_space<semaphore_mem>>) src(%dma_wait3A_339 : memref<32768xf32, #tpu.memory_space<hbm>>) dst(%dma_wait3A_338 : memref<32768xf32, #tpu.memory_space<vmem>>)
    %add3A_340 = arith.constant 786432 : i32
    %add3A_341 = arith.addi %mul3A_10, %add3A_340 : i32
    %add3A_342 = arith.constant 196608 : i32
    %add3A_343 = arith.addi %add3A_341, %add3A_342 : i32
    %dma_start3A_344 = arith.constant 0 : i32
    %dma_start3A_345 = tpu.memref_slice %arg4[%dma_start3A_344] : memref<65536xf32, #tpu.memory_space<vmem>> -> memref<32768xf32, #tpu.memory_space<vmem>>
    %dma_start3A_346 = tpu.memref_slice %arg2[%add3A_343] : memref<50331648xf32, #tpu.memory_space<hbm>> -> memref<32768xf32, #tpu.memory_space<hbm>>
    %dma_start3A_347 = arith.constant 0 : i32
    %dma_start3A_348 = tpu.memref_slice %arg4[%dma_start3A_347] : memref<65536xf32, #tpu.memory_space<vmem>> -> memref<32768xf32, #tpu.memory_space<vmem>>
    %dma_start3A_349 = tpu.memref_slice %arg2[%add3A_343] : memref<50331648xf32, #tpu.memory_space<hbm>> -> memref<32768xf32, #tpu.memory_space<hbm>>
    tpu.enqueue_dma source(%dma_start3A_349 : memref<32768xf32, #tpu.memory_space<hbm>>) target(%dma_start3A_348 : memref<32768xf32, #tpu.memory_space<vmem>>) target_semaphore(%arg7 : memref<!tpu.dma_semaphore, #tpu.memory_space<semaphore_mem>>)
    %parallel_loop3A_350 = arith.constant 0 : i32
    %parallel_loop3A_351 = arith.constant 2048 : i32
    %parallel_loop3A_352 = arith.constant 1 : i32
    scf.for %parallel_loop3A_396 = %parallel_loop3A_350 to %parallel_loop3A_351 step %parallel_loop3A_352  : i32 {
      %parallel_loop3A_397 = arith.constant 16 : i32
      %parallel_loop3A_398 = arith.muli %parallel_loop3A_396, %parallel_loop3A_397 : i32
      %parallel_loop3A_399 = arith.constant 32768 : i32
      %parallel_loop3A_400 = arith.addi %parallel_loop3A_399, %parallel_loop3A_398 : i32
      %parallel_loop3A_401 = arith.index_cast %parallel_loop3A_400 : i32 to index
      %parallel_loop3A_402 = tpu.vector_load %arg4[%parallel_loop3A_401] {strides = array<i32>} : memref<65536xf32, #tpu.memory_space<vmem>>, vector<16xf32>,
      %parallel_loop3A_403 = arith.constant 2.560000e+02 : f32
      %parallel_loop3A_404 = vector.broadcast %parallel_loop3A_403 : f32 to vector<16xf32>
      %parallel_loop3A_405 = arith.mulf %parallel_loop3A_402, %parallel_loop3A_404 : vector<16xf32>
      %parallel_loop3A_406 = arith.fptosi %parallel_loop3A_405 : vector<16xf32> to vector<16xi32>
      %parallel_loop3A_407 = arith.addi %parallel_loop3A_406, %mul3A_3 : vector<16xi32>
      tpu.vector_store_idx %arg5[%parallel_loop3A_407], %broadcast_in_dim3A_4 {add = true} : memref<4096xf32, #tpu.memory_space<vmem>>[vector<16xi32>], vector<16xf32>,
    } {sc.loop_unroll_factor = 8 : i64, sc.parallel_access}
    %add3A_353 = arith.constant 786432 : i32
    %add3A_354 = arith.addi %mul3A_10, %add3A_353 : i32
    %add3A_355 = arith.constant 196608 : i32
    %add3A_356 = arith.addi %add3A_354, %add3A_355 : i32
    %dma_wait3A_357 = arith.constant 0 : i32
    %dma_wait3A_358 = tpu.memref_slice %arg4[%dma_wait3A_357] : memref<65536xf32, #tpu.memory_space<vmem>> -> memref<32768xf32, #tpu.memory_space<vmem>>
    %dma_wait3A_359 = tpu.memref_slice %arg2[%add3A_356] : memref<50331648xf32, #tpu.memory_space<hbm>> -> memref<32768xf32, #tpu.memory_space<hbm>>
    %dma_wait3A_360 = arith.constant 0 : i32
    %dma_wait3A_361 = tpu.memref_slice %arg4[%dma_wait3A_360] : memref<65536xf32, #tpu.memory_space<vmem>> -> memref<32768xf32, #tpu.memory_space<vmem>>
    %dma_wait3A_362 = tpu.memref_slice %arg2[%add3A_356] : memref<50331648xf32, #tpu.memory_space<hbm>> -> memref<32768xf32, #tpu.memory_space<hbm>>
    tpu.wait_dma2 semaphore(%arg7 : memref<!tpu.dma_semaphore, #tpu.memory_space<semaphore_mem>>) src(%dma_wait3A_362 : memref<32768xf32, #tpu.memory_space<hbm>>) dst(%dma_wait3A_361 : memref<32768xf32, #tpu.memory_space<vmem>>)
    %add3A_363 = arith.constant 786432 : i32
    %add3A_364 = arith.addi %mul3A_10, %add3A_363 : i32
    %add3A_365 = arith.constant 229376 : i32
    %add3A_366 = arith.addi %add3A_364, %add3A_365 : i32
    %dma_start3A_367 = arith.constant 32768 : i32
    %dma_start3A_368 = tpu.memref_slice %arg4[%dma_start3A_367] : memref<65536xf32, #tpu.memory_space<vmem>> -> memref<32768xf32, #tpu.memory_space<vmem>>
    %dma_start3A_369 = tpu.memref_slice %arg2[%add3A_366] : memref<50331648xf32, #tpu.memory_space<hbm>> -> memref<32768xf32, #tpu.memory_space<hbm>>
    %dma_start3A_370 = arith.constant 32768 : i32
    %dma_start3A_371 = tpu.memref_slice %arg4[%dma_start3A_370] : memref<65536xf32, #tpu.memory_space<vmem>> -> memref<32768xf32, #tpu.memory_space<vmem>>
    %dma_start3A_372 = tpu.memref_slice %arg2[%add3A_366] : memref<50331648xf32, #tpu.memory_space<hbm>> -> memref<32768xf32, #tpu.memory_space<hbm>>
    tpu.enqueue_dma source(%dma_start3A_372 : memref<32768xf32, #tpu.memory_space<hbm>>) target(%dma_start3A_371 : memref<32768xf32, #tpu.memory_space<vmem>>) target_semaphore(%arg8 : memref<!tpu.dma_semaphore, #tpu.memory_space<semaphore_mem>>)
    %parallel_loop3A_373 = arith.constant 0 : i32
    %parallel_loop3A_374 = arith.constant 2048 : i32
    %parallel_loop3A_375 = arith.constant 1 : i32
    scf.for %parallel_loop3A_396 = %parallel_loop3A_373 to %parallel_loop3A_374 step %parallel_loop3A_375  : i32 {
      %parallel_loop3A_397 = arith.constant 16 : i32
      %parallel_loop3A_398 = arith.muli %parallel_loop3A_396, %parallel_loop3A_397 : i32
      %parallel_loop3A_399 = arith.constant 0 : i32
      %parallel_loop3A_400 = arith.addi %parallel_loop3A_399, %parallel_loop3A_398 : i32
      %parallel_loop3A_401 = arith.index_cast %parallel_loop3A_400 : i32 to index
      %parallel_loop3A_402 = tpu.vector_load %arg4[%parallel_loop3A_401] {strides = array<i32>} : memref<65536xf32, #tpu.memory_space<vmem>>, vector<16xf32>,
      %parallel_loop3A_403 = arith.constant 2.560000e+02 : f32
      %parallel_loop3A_404 = vector.broadcast %parallel_loop3A_403 : f32 to vector<16xf32>
      %parallel_loop3A_405 = arith.mulf %parallel_loop3A_402, %parallel_loop3A_404 : vector<16xf32>
      %parallel_loop3A_406 = arith.fptosi %parallel_loop3A_405 : vector<16xf32> to vector<16xi32>
      %parallel_loop3A_407 = arith.addi %parallel_loop3A_406, %mul3A_3 : vector<16xi32>
      tpu.vector_store_idx %arg5[%parallel_loop3A_407], %broadcast_in_dim3A_4 {add = true} : memref<4096xf32, #tpu.memory_space<vmem>>[vector<16xi32>], vector<16xf32>,
    } {sc.loop_unroll_factor = 8 : i64, sc.parallel_access}
    %add3A_376 = arith.constant 786432 : i32
    %add3A_377 = arith.addi %mul3A_10, %add3A_376 : i32
    %add3A_378 = arith.constant 229376 : i32
    %add3A_379 = arith.addi %add3A_377, %add3A_378 : i32
    %dma_wait3A_380 = arith.constant 32768 : i32
    %dma_wait3A_381 = tpu.memref_slice %arg4[%dma_wait3A_380] : memref<65536xf32, #tpu.memory_space<vmem>> -> memref<32768xf32, #tpu.memory_space<vmem>>
    %dma_wait3A_382 = tpu.memref_slice %arg2[%add3A_379] : memref<50331648xf32, #tpu.memory_space<hbm>> -> memref<32768xf32, #tpu.memory_space<hbm>>
    %dma_wait3A_383 = arith.constant 32768 : i32
    %dma_wait3A_384 = tpu.memref_slice %arg4[%dma_wait3A_383] : memref<65536xf32, #tpu.memory_space<vmem>> -> memref<32768xf32, #tpu.memory_space<vmem>>
    %dma_wait3A_385 = tpu.memref_slice %arg2[%add3A_379] : memref<50331648xf32, #tpu.memory_space<hbm>> -> memref<32768xf32, #tpu.memory_space<hbm>>
    tpu.wait_dma2 semaphore(%arg8 : memref<!tpu.dma_semaphore, #tpu.memory_space<semaphore_mem>>) src(%dma_wait3A_385 : memref<32768xf32, #tpu.memory_space<hbm>>) dst(%dma_wait3A_384 : memref<32768xf32, #tpu.memory_space<vmem>>)
    %parallel_loop3A_386 = arith.constant 0 : i32
    %parallel_loop3A_387 = arith.constant 2048 : i32
    %parallel_loop3A_388 = arith.constant 1 : i32
    scf.for %parallel_loop3A_396 = %parallel_loop3A_386 to %parallel_loop3A_387 step %parallel_loop3A_388  : i32 {
      %parallel_loop3A_397 = arith.constant 16 : i32
      %parallel_loop3A_398 = arith.muli %parallel_loop3A_396, %parallel_loop3A_397 : i32
      %parallel_loop3A_399 = arith.constant 32768 : i32
      %parallel_loop3A_400 = arith.addi %parallel_loop3A_399, %parallel_loop3A_398 : i32
      %parallel_loop3A_401 = arith.index_cast %parallel_loop3A_400 : i32 to index
      %parallel_loop3A_402 = tpu.vector_load %arg4[%parallel_loop3A_401] {strides = array<i32>} : memref<65536xf32, #tpu.memory_space<vmem>>, vector<16xf32>,
      %parallel_loop3A_403 = arith.constant 2.560000e+02 : f32
      %parallel_loop3A_404 = vector.broadcast %parallel_loop3A_403 : f32 to vector<16xf32>
      %parallel_loop3A_405 = arith.mulf %parallel_loop3A_402, %parallel_loop3A_404 : vector<16xf32>
      %parallel_loop3A_406 = arith.fptosi %parallel_loop3A_405 : vector<16xf32> to vector<16xi32>
      %parallel_loop3A_407 = arith.addi %parallel_loop3A_406, %mul3A_3 : vector<16xi32>
      tpu.vector_store_idx %arg5[%parallel_loop3A_407], %broadcast_in_dim3A_4 {add = true} : memref<4096xf32, #tpu.memory_space<vmem>>[vector<16xi32>], vector<16xf32>,
    } {sc.loop_unroll_factor = 8 : i64, sc.parallel_access}
    %parallel_loop3A_389 = arith.constant 0 : i32
    %parallel_loop3A_390 = arith.constant 16 : i32
    %parallel_loop3A_391 = arith.constant 1 : i32
    scf.for %parallel_loop3A_396 = %parallel_loop3A_389 to %parallel_loop3A_390 step %parallel_loop3A_391  : i32 {
      %parallel_loop3A_397 = arith.constant 16 : i32
      %parallel_loop3A_398 = arith.muli %parallel_loop3A_396, %parallel_loop3A_397 : i32
      %parallel_loop3A_399 = arith.index_cast %parallel_loop3A_398 : i32 to index
      %parallel_loop3A_400 = tpu.vector_load %arg5[%parallel_loop3A_399] {strides = array<i32>} : memref<4096xf32, #tpu.memory_space<vmem>>, vector<16xf32>,
      %parallel_loop3A_401 = arith.constant 16 : i32
      %parallel_loop3A_402 = arith.muli %parallel_loop3A_396, %parallel_loop3A_401 : i32
      %parallel_loop3A_403 = arith.constant 256 : i32
      %parallel_loop3A_404 = arith.addi %parallel_loop3A_403, %parallel_loop3A_402 : i32
      %parallel_loop3A_405 = arith.index_cast %parallel_loop3A_404 : i32 to index
      %parallel_loop3A_406 = tpu.vector_load %arg5[%parallel_loop3A_405] {strides = array<i32>} : memref<4096xf32, #tpu.memory_space<vmem>>, vector<16xf32>,
      %parallel_loop3A_407 = arith.addf %parallel_loop3A_400, %parallel_loop3A_406 : vector<16xf32>
      %parallel_loop3A_408 = arith.constant 16 : i32
      %parallel_loop3A_409 = arith.muli %parallel_loop3A_396, %parallel_loop3A_408 : i32
      %parallel_loop3A_410 = arith.constant 512 : i32
      %parallel_loop3A_411 = arith.addi %parallel_loop3A_410, %parallel_loop3A_409 : i32
      %parallel_loop3A_412 = arith.index_cast %parallel_loop3A_411 : i32 to index
      %parallel_loop3A_413 = tpu.vector_load %arg5[%parallel_loop3A_412] {strides = array<i32>} : memref<4096xf32, #tpu.memory_space<vmem>>, vector<16xf32>,
      %parallel_loop3A_414 = arith.addf %parallel_loop3A_407, %parallel_loop3A_413 : vector<16xf32>
      %parallel_loop3A_415 = arith.constant 16 : i32
      %parallel_loop3A_416 = arith.muli %parallel_loop3A_396, %parallel_loop3A_415 : i32
      %parallel_loop3A_417 = arith.constant 768 : i32
      %parallel_loop3A_418 = arith.addi %parallel_loop3A_417, %parallel_loop3A_416 : i32
      %parallel_loop3A_419 = arith.index_cast %parallel_loop3A_418 : i32 to index
      %parallel_loop3A_420 = tpu.vector_load %arg5[%parallel_loop3A_419] {strides = array<i32>} : memref<4096xf32, #tpu.memory_space<vmem>>, vector<16xf32>,
      %parallel_loop3A_421 = arith.addf %parallel_loop3A_414, %parallel_loop3A_420 : vector<16xf32>
      %parallel_loop3A_422 = arith.constant 16 : i32
      %parallel_loop3A_423 = arith.muli %parallel_loop3A_396, %parallel_loop3A_422 : i32
      %parallel_loop3A_424 = arith.constant 1024 : i32
      %parallel_loop3A_425 = arith.addi %parallel_loop3A_424, %parallel_loop3A_423 : i32
      %parallel_loop3A_426 = arith.index_cast %parallel_loop3A_425 : i32 to index
      %parallel_loop3A_427 = tpu.vector_load %arg5[%parallel_loop3A_426] {strides = array<i32>} : memref<4096xf32, #tpu.memory_space<vmem>>, vector<16xf32>,
      %parallel_loop3A_428 = arith.addf %parallel_loop3A_421, %parallel_loop3A_427 : vector<16xf32>
      %parallel_loop3A_429 = arith.constant 16 : i32
      %parallel_loop3A_430 = arith.muli %parallel_loop3A_396, %parallel_loop3A_429 : i32
      %parallel_loop3A_431 = arith.constant 1280 : i32
      %parallel_loop3A_432 = arith.addi %parallel_loop3A_431, %parallel_loop3A_430 : i32
      %parallel_loop3A_433 = arith.index_cast %parallel_loop3A_432 : i32 to index
      %parallel_loop3A_434 = tpu.vector_load %arg5[%parallel_loop3A_433] {strides = array<i32>} : memref<4096xf32, #tpu.memory_space<vmem>>, vector<16xf32>,
      %parallel_loop3A_435 = arith.addf %parallel_loop3A_428, %parallel_loop3A_434 : vector<16xf32>
      %parallel_loop3A_436 = arith.constant 16 : i32
      %parallel_loop3A_437 = arith.muli %parallel_loop3A_396, %parallel_loop3A_436 : i32
      %parallel_loop3A_438 = arith.constant 1536 : i32
      %parallel_loop3A_439 = arith.addi %parallel_loop3A_438, %parallel_loop3A_437 : i32
      %parallel_loop3A_440 = arith.index_cast %parallel_loop3A_439 : i32 to index
      %parallel_loop3A_441 = tpu.vector_load %arg5[%parallel_loop3A_440] {strides = array<i32>} : memref<4096xf32, #tpu.memory_space<vmem>>, vector<16xf32>,
      %parallel_loop3A_442 = arith.addf %parallel_loop3A_435, %parallel_loop3A_441 : vector<16xf32>
      %parallel_loop3A_443 = arith.constant 16 : i32
      %parallel_loop3A_444 = arith.muli %parallel_loop3A_396, %parallel_loop3A_443 : i32
      %parallel_loop3A_445 = arith.constant 1792 : i32
      %parallel_loop3A_446 = arith.addi %parallel_loop3A_445, %parallel_loop3A_444 : i32
      %parallel_loop3A_447 = arith.index_cast %parallel_loop3A_446 : i32 to index
      %parallel_loop3A_448 = tpu.vector_load %arg5[%parallel_loop3A_447] {strides = array<i32>} : memref<4096xf32, #tpu.memory_space<vmem>>, vector<16xf32>,
      %parallel_loop3A_449 = arith.addf %parallel_loop3A_442, %parallel_loop3A_448 : vector<16xf32>
      %parallel_loop3A_450 = arith.constant 16 : i32
      %parallel_loop3A_451 = arith.muli %parallel_loop3A_396, %parallel_loop3A_450 : i32
      %parallel_loop3A_452 = arith.constant 2048 : i32
      %parallel_loop3A_453 = arith.addi %parallel_loop3A_452, %parallel_loop3A_451 : i32
      %parallel_loop3A_454 = arith.index_cast %parallel_loop3A_453 : i32 to index
      %parallel_loop3A_455 = tpu.vector_load %arg5[%parallel_loop3A_454] {strides = array<i32>} : memref<4096xf32, #tpu.memory_space<vmem>>, vector<16xf32>,
      %parallel_loop3A_456 = arith.addf %parallel_loop3A_449, %parallel_loop3A_455 : vector<16xf32>
      %parallel_loop3A_457 = arith.constant 16 : i32
      %parallel_loop3A_458 = arith.muli %parallel_loop3A_396, %parallel_loop3A_457 : i32
      %parallel_loop3A_459 = arith.constant 2304 : i32
      %parallel_loop3A_460 = arith.addi %parallel_loop3A_459, %parallel_loop3A_458 : i32
      %parallel_loop3A_461 = arith.index_cast %parallel_loop3A_460 : i32 to index
      %parallel_loop3A_462 = tpu.vector_load %arg5[%parallel_loop3A_461] {strides = array<i32>} : memref<4096xf32, #tpu.memory_space<vmem>>, vector<16xf32>,
      %parallel_loop3A_463 = arith.addf %parallel_loop3A_456, %parallel_loop3A_462 : vector<16xf32>
      %parallel_loop3A_464 = arith.constant 16 : i32
      %parallel_loop3A_465 = arith.muli %parallel_loop3A_396, %parallel_loop3A_464 : i32
      %parallel_loop3A_466 = arith.constant 2560 : i32
      %parallel_loop3A_467 = arith.addi %parallel_loop3A_466, %parallel_loop3A_465 : i32
      %parallel_loop3A_468 = arith.index_cast %parallel_loop3A_467 : i32 to index
      %parallel_loop3A_469 = tpu.vector_load %arg5[%parallel_loop3A_468] {strides = array<i32>} : memref<4096xf32, #tpu.memory_space<vmem>>, vector<16xf32>,
      %parallel_loop3A_470 = arith.addf %parallel_loop3A_463, %parallel_loop3A_469 : vector<16xf32>
      %parallel_loop3A_471 = arith.constant 16 : i32
      %parallel_loop3A_472 = arith.muli %parallel_loop3A_396, %parallel_loop3A_471 : i32
      %parallel_loop3A_473 = arith.constant 2816 : i32
      %parallel_loop3A_474 = arith.addi %parallel_loop3A_473, %parallel_loop3A_472 : i32
      %parallel_loop3A_475 = arith.index_cast %parallel_loop3A_474 : i32 to index
      %parallel_loop3A_476 = tpu.vector_load %arg5[%parallel_loop3A_475] {strides = array<i32>} : memref<4096xf32, #tpu.memory_space<vmem>>, vector<16xf32>,
      %parallel_loop3A_477 = arith.addf %parallel_loop3A_470, %parallel_loop3A_476 : vector<16xf32>
      %parallel_loop3A_478 = arith.constant 16 : i32
      %parallel_loop3A_479 = arith.muli %parallel_loop3A_396, %parallel_loop3A_478 : i32
      %parallel_loop3A_480 = arith.constant 3072 : i32
      %parallel_loop3A_481 = arith.addi %parallel_loop3A_480, %parallel_loop3A_479 : i32
      %parallel_loop3A_482 = arith.index_cast %parallel_loop3A_481 : i32 to index
      %parallel_loop3A_483 = tpu.vector_load %arg5[%parallel_loop3A_482] {strides = array<i32>} : memref<4096xf32, #tpu.memory_space<vmem>>, vector<16xf32>,
      %parallel_loop3A_484 = arith.addf %parallel_loop3A_477, %parallel_loop3A_483 : vector<16xf32>
      %parallel_loop3A_485 = arith.constant 16 : i32
      %parallel_loop3A_486 = arith.muli %parallel_loop3A_396, %parallel_loop3A_485 : i32
      %parallel_loop3A_487 = arith.constant 3328 : i32
      %parallel_loop3A_488 = arith.addi %parallel_loop3A_487, %parallel_loop3A_486 : i32
      %parallel_loop3A_489 = arith.index_cast %parallel_loop3A_488 : i32 to index
      %parallel_loop3A_490 = tpu.vector_load %arg5[%parallel_loop3A_489] {strides = array<i32>} : memref<4096xf32, #tpu.memory_space<vmem>>, vector<16xf32>,
      %parallel_loop3A_491 = arith.addf %parallel_loop3A_484, %parallel_loop3A_490 : vector<16xf32>
      %parallel_loop3A_492 = arith.constant 16 : i32
      %parallel_loop3A_493 = arith.muli %parallel_loop3A_396, %parallel_loop3A_492 : i32
      %parallel_loop3A_494 = arith.constant 3584 : i32
      %parallel_loop3A_495 = arith.addi %parallel_loop3A_494, %parallel_loop3A_493 : i32
      %parallel_loop3A_496 = arith.index_cast %parallel_loop3A_495 : i32 to index
      %parallel_loop3A_497 = tpu.vector_load %arg5[%parallel_loop3A_496] {strides = array<i32>} : memref<4096xf32, #tpu.memory_space<vmem>>, vector<16xf32>,
      %parallel_loop3A_498 = arith.addf %parallel_loop3A_491, %parallel_loop3A_497 : vector<16xf32>
      %parallel_loop3A_499 = arith.constant 16 : i32
      %parallel_loop3A_500 = arith.muli %parallel_loop3A_396, %parallel_loop3A_499 : i32
      %parallel_loop3A_501 = arith.constant 3840 : i32
      %parallel_loop3A_502 = arith.addi %parallel_loop3A_501, %parallel_loop3A_500 : i32
      %parallel_loop3A_503 = arith.index_cast %parallel_loop3A_502 : i32 to index
      %parallel_loop3A_504 = tpu.vector_load %arg5[%parallel_loop3A_503] {strides = array<i32>} : memref<4096xf32, #tpu.memory_space<vmem>>, vector<16xf32>,
      %parallel_loop3A_505 = arith.addf %parallel_loop3A_498, %parallel_loop3A_504 : vector<16xf32>
      %parallel_loop3A_506 = arith.constant 16 : i32
      %parallel_loop3A_507 = arith.muli %parallel_loop3A_396, %parallel_loop3A_506 : i32
      %parallel_loop3A_508 = arith.index_cast %parallel_loop3A_507 : i32 to index
      %parallel_loop3A_509 = tpu.vector_load %arg6[%parallel_loop3A_508] {strides = array<i32>} : memref<256xf32, #tpu.memory_space<vmem>>, vector<16xf32>,
      tpu.vector_store %arg6[%parallel_loop3A_508], %parallel_loop3A_505 {strides = array<i32>} : memref<256xf32, #tpu.memory_space<vmem>>, vector<16xf32>,
    } {sc.loop_unroll_factor = 2 : i64, sc.parallel_access}
    %mul3A_392 = arith.constant 2 : i32
    %mul3A_393 = arith.muli %add3A, %mul3A_392 : i32
    %add3A_394 = arith.constant 1 : i32
    %add3A_395 = arith.addi %mul3A_393, %add3A_394 : i32
    "tpu.region"() ({
      %run_scoped3A = tpu.sem_alloc : memref<!tpu.dma_semaphore, #tpu.memory_space<semaphore_mem>>
      %dma_start3A_396 = arith.constant 0 : i32
      %dma_start3A_397 = tpu.memref_slice %arg3[%add3A_395, %dma_start3A_396] : memref<64x256xf32, #tpu.memory_space<hbm>> -> memref<1x256xf32, #tpu.memory_space<hbm>>
      %dma_start3A_398 = tpu.memref_squeeze %dma_start3A_397 : memref<1x256xf32, #tpu.memory_space<hbm>> -> memref<256xf32, #tpu.memory_space<hbm>>
      %dma_start3A_399 = arith.constant 0 : i32
      %dma_start3A_400 = tpu.memref_slice %arg3[%add3A_395, %dma_start3A_399] : memref<64x256xf32, #tpu.memory_space<hbm>> -> memref<1x256xf32, #tpu.memory_space<hbm>>
      %dma_start3A_401 = tpu.memref_squeeze %dma_start3A_400 : memref<1x256xf32, #tpu.memory_space<hbm>> -> memref<256xf32, #tpu.memory_space<hbm>>
      tpu.enqueue_dma source(%arg6 : memref<256xf32, #tpu.memory_space<vmem>>) target(%dma_start3A_401 : memref<256xf32, #tpu.memory_space<hbm>>) target_semaphore(%run_scoped3A : memref<!tpu.dma_semaphore, #tpu.memory_space<semaphore_mem>>)
      %dma_wait3A_402 = arith.constant 0 : i32
      %dma_wait3A_403 = tpu.memref_slice %arg3[%add3A_395, %dma_wait3A_402] : memref<64x256xf32, #tpu.memory_space<hbm>> -> memref<1x256xf32, #tpu.memory_space<hbm>>
      %dma_wait3A_404 = tpu.memref_squeeze %dma_wait3A_403 : memref<1x256xf32, #tpu.memory_space<hbm>> -> memref<256xf32, #tpu.memory_space<hbm>>
      %dma_wait3A_405 = arith.constant 0 : i32
      %dma_wait3A_406 = tpu.memref_slice %arg3[%add3A_395, %dma_wait3A_405] : memref<64x256xf32, #tpu.memory_space<hbm>> -> memref<1x256xf32, #tpu.memory_space<hbm>>
      %dma_wait3A_407 = tpu.memref_squeeze %dma_wait3A_406 : memref<1x256xf32, #tpu.memory_space<hbm>> -> memref<256xf32, #tpu.memory_space<hbm>>
      tpu.wait_dma2 semaphore(%run_scoped3A : memref<!tpu.dma_semaphore, #tpu.memory_space<semaphore_mem>>) src(%arg6 : memref<256xf32, #tpu.memory_space<vmem>>) dst(%dma_wait3A_407 : memref<256xf32, #tpu.memory_space<hbm>>)
      tpu.yield
    }) : () -> ()
    return
  }
}

module attributes {stable_mosaic.version = 14 : i64} {
  func.func @_mlp_body(%arg0: memref<64x256xf32, #tpu.memory_space<vmem>>, %arg1: memref<128x256xf32, #tpu.memory_space<vmem>>, %arg2: memref<1x128xf32, #tpu.memory_space<vmem>>, %arg3: memref<1x128xf32, #tpu.memory_space<vmem>>, %arg4: memref<1x128xf32, #tpu.memory_space<vmem>>, %arg5: memref<64x128xf32, #tpu.memory_space<vmem>>, %arg6: memref<1x64xf32, #tpu.memory_space<vmem>>, %arg7: memref<1x64xf32, #tpu.memory_space<vmem>>, %arg8: memref<1x64xf32, #tpu.memory_space<vmem>>, %arg9: memref<128x64xf32, #tpu.memory_space<vmem>>, %arg10: memref<1x128xf32, #tpu.memory_space<vmem>>, %arg11: memref<64x128xf32, #tpu.memory_space<vmem>>) attributes {dimension_semantics = [], scalar_prefetch = 0 : i64, scratch_operands = 0 : i64, tpu.core_type = #tpu.core_type<tc>} {
    %get3A = arith.constant 0 : index
    %get3A_0 = arith.constant 0 : index
    %get3A_1 = vector.load %arg0[%get3A, %get3A_0] : memref<64x256xf32, #tpu.memory_space<vmem>>, vector<64x256xf32>
    %reduce_sum3A = arith.constant dense<0.000000e+00> : vector<64xf32>
    %reduce_sum3A_2 = vector.multi_reduction <add>, %get3A_1, %reduce_sum3A [1] : vector<64x256xf32> to vector<64xf32>
    %broadcast_in_dim3A = vector.shape_cast %reduce_sum3A_2 : vector<64xf32> to vector<64x1xf32>
    %add3A = arith.constant 9.99999997E-7 : f32
    %add3A_3 = vector.broadcast %add3A : f32 to vector<64x1xf32>
    %add3A_4 = arith.addf %broadcast_in_dim3A, %add3A_3 : vector<64x1xf32>
    %div3A = vector.broadcast %add3A_4 : vector<64x1xf32> to vector<64x256xf32>
    %div3A_5 = arith.divf %get3A_1, %div3A : vector<64x256xf32>
    %get3A_6 = arith.constant 0 : index
    %get3A_7 = arith.constant 0 : index
    %get3A_8 = vector.load %arg1[%get3A_6, %get3A_7] : memref<128x256xf32, #tpu.memory_space<vmem>>, vector<128x256xf32>
    %dot_general3A = arith.constant dense<0.000000e+00> : vector<64x128xf32>
    %dot_general3A_9 = tpu.matmul %div3A_5, %get3A_8, %dot_general3A {dimension_numbers = #tpu.dot_dimension_numbers<[1], [1], [0], [0], [0, 0, 1, 0], [], []>, transpose_lhs_hint = false} : vector<64x256xf32>, vector<128x256xf32>, vector<64x128xf32> -> vector<64x128xf32>
    %get3A_10 = arith.constant 0 : index
    %get3A_11 = arith.constant 0 : index
    %get3A_12 = vector.load %arg2[%get3A_10, %get3A_11] : memref<1x128xf32, #tpu.memory_space<vmem>>, vector<1x128xf32>
    %add3A_13 = vector.broadcast %get3A_12 : vector<1x128xf32> to vector<64x128xf32>
    %add3A_14 = arith.addf %dot_general3A_9, %add3A_13 : vector<64x128xf32>
    %reduce_sum3A_15 = arith.constant dense<0.000000e+00> : vector<128xf32>
    %reduce_sum3A_16 = vector.multi_reduction <add>, %add3A_14, %reduce_sum3A_15 [0] : vector<64x128xf32> to vector<128xf32>
    %broadcast_in_dim3A_17 = vector.shape_cast %reduce_sum3A_16 : vector<128xf32> to vector<1x128xf32>
    %div3A_18 = arith.constant 6.400000e+01 : f32
    %div3A_19 = vector.broadcast %div3A_18 : f32 to vector<1x128xf32>
    %div3A_20 = arith.divf %broadcast_in_dim3A_17, %div3A_19 : vector<1x128xf32>
    %sub3A = vector.broadcast %div3A_20 : vector<1x128xf32> to vector<64x128xf32>
    %sub3A_21 = arith.subf %add3A_14, %sub3A : vector<64x128xf32>
    %integer_pow3A = arith.mulf %sub3A_21, %sub3A_21 : vector<64x128xf32>
    %reduce_sum3A_22 = arith.constant dense<0.000000e+00> : vector<128xf32>
    %reduce_sum3A_23 = vector.multi_reduction <add>, %integer_pow3A, %reduce_sum3A_22 [0] : vector<64x128xf32> to vector<128xf32>
    %broadcast_in_dim3A_24 = vector.shape_cast %reduce_sum3A_23 : vector<128xf32> to vector<1x128xf32>
    %div3A_25 = arith.constant 6.400000e+01 : f32
    %div3A_26 = vector.broadcast %div3A_25 : f32 to vector<1x128xf32>
    %div3A_27 = arith.divf %broadcast_in_dim3A_24, %div3A_26 : vector<1x128xf32>
    %get3A_28 = arith.constant 0 : index
    %get3A_29 = arith.constant 0 : index
    %get3A_30 = vector.load %arg3[%get3A_28, %get3A_29] : memref<1x128xf32, #tpu.memory_space<vmem>>, vector<1x128xf32>
    %sub3A_31 = vector.broadcast %div3A_20 : vector<1x128xf32> to vector<64x128xf32>
    %sub3A_32 = arith.subf %add3A_14, %sub3A_31 : vector<64x128xf32>
    %mul3A = vector.broadcast %get3A_30 : vector<1x128xf32> to vector<64x128xf32>
    %mul3A_33 = arith.mulf %mul3A, %sub3A_32 : vector<64x128xf32>
    %add3A_34 = arith.constant 9.99999974E-6 : f32
    %add3A_35 = vector.broadcast %add3A_34 : f32 to vector<1x128xf32>
    %add3A_36 = arith.addf %div3A_27, %add3A_35 : vector<1x128xf32>
    %rsqrt3A = math.rsqrt %add3A_36 : vector<1x128xf32>
    %mul3A_37 = vector.broadcast %rsqrt3A : vector<1x128xf32> to vector<64x128xf32>
    %mul3A_38 = arith.mulf %mul3A_33, %mul3A_37 : vector<64x128xf32>
    %get3A_39 = arith.constant 0 : index
    %get3A_40 = arith.constant 0 : index
    %get3A_41 = vector.load %arg4[%get3A_39, %get3A_40] : memref<1x128xf32, #tpu.memory_space<vmem>>, vector<1x128xf32>
    %add3A_42 = vector.broadcast %get3A_41 : vector<1x128xf32> to vector<64x128xf32>
    %add3A_43 = arith.addf %mul3A_38, %add3A_42 : vector<64x128xf32>
    %max3A = arith.constant 0.000000e+00 : f32
    %max3A_44 = vector.broadcast %max3A : f32 to vector<64x128xf32>
    %max3A_45 = arith.maximumf %add3A_43, %max3A_44 : vector<64x128xf32>
    %get3A_46 = arith.constant 0 : index
    %get3A_47 = arith.constant 0 : index
    %get3A_48 = vector.load %arg5[%get3A_46, %get3A_47] : memref<64x128xf32, #tpu.memory_space<vmem>>, vector<64x128xf32>
    %dot_general3A_49 = arith.constant dense<0.000000e+00> : vector<64x64xf32>
    %dot_general3A_50 = tpu.matmul %max3A_45, %get3A_48, %dot_general3A_49 {dimension_numbers = #tpu.dot_dimension_numbers<[1], [1], [0], [0], [0, 0, 1, 0], [], []>, transpose_lhs_hint = false} : vector<64x128xf32>, vector<64x128xf32>, vector<64x64xf32> -> vector<64x64xf32>
    %get3A_51 = arith.constant 0 : index
    %get3A_52 = arith.constant 0 : index
    %get3A_53 = vector.load %arg6[%get3A_51, %get3A_52] : memref<1x64xf32, #tpu.memory_space<vmem>>, vector<1x64xf32>
    %add3A_54 = vector.broadcast %get3A_53 : vector<1x64xf32> to vector<64x64xf32>
    %add3A_55 = arith.addf %dot_general3A_50, %add3A_54 : vector<64x64xf32>
    %reduce_sum3A_56 = arith.constant dense<0.000000e+00> : vector<64xf32>
    %reduce_sum3A_57 = vector.multi_reduction <add>, %add3A_55, %reduce_sum3A_56 [0] : vector<64x64xf32> to vector<64xf32>
    %broadcast_in_dim3A_58 = vector.shape_cast %reduce_sum3A_57 : vector<64xf32> to vector<1x64xf32>
    %div3A_59 = arith.constant 6.400000e+01 : f32
    %div3A_60 = vector.broadcast %div3A_59 : f32 to vector<1x64xf32>
    %div3A_61 = arith.divf %broadcast_in_dim3A_58, %div3A_60 : vector<1x64xf32>
    %sub3A_62 = vector.broadcast %div3A_61 : vector<1x64xf32> to vector<64x64xf32>
    %sub3A_63 = arith.subf %add3A_55, %sub3A_62 : vector<64x64xf32>
    %integer_pow3A_64 = arith.mulf %sub3A_63, %sub3A_63 : vector<64x64xf32>
    %reduce_sum3A_65 = arith.constant dense<0.000000e+00> : vector<64xf32>
    %reduce_sum3A_66 = vector.multi_reduction <add>, %integer_pow3A_64, %reduce_sum3A_65 [0] : vector<64x64xf32> to vector<64xf32>
    %broadcast_in_dim3A_67 = vector.shape_cast %reduce_sum3A_66 : vector<64xf32> to vector<1x64xf32>
    %div3A_68 = arith.constant 6.400000e+01 : f32
    %div3A_69 = vector.broadcast %div3A_68 : f32 to vector<1x64xf32>
    %div3A_70 = arith.divf %broadcast_in_dim3A_67, %div3A_69 : vector<1x64xf32>
    %get3A_71 = arith.constant 0 : index
    %get3A_72 = arith.constant 0 : index
    %get3A_73 = vector.load %arg7[%get3A_71, %get3A_72] : memref<1x64xf32, #tpu.memory_space<vmem>>, vector<1x64xf32>
    %sub3A_74 = vector.broadcast %div3A_61 : vector<1x64xf32> to vector<64x64xf32>
    %sub3A_75 = arith.subf %add3A_55, %sub3A_74 : vector<64x64xf32>
    %mul3A_76 = vector.broadcast %get3A_73 : vector<1x64xf32> to vector<64x64xf32>
    %mul3A_77 = arith.mulf %mul3A_76, %sub3A_75 : vector<64x64xf32>
    %add3A_78 = arith.constant 9.99999974E-6 : f32
    %add3A_79 = vector.broadcast %add3A_78 : f32 to vector<1x64xf32>
    %add3A_80 = arith.addf %div3A_70, %add3A_79 : vector<1x64xf32>
    %rsqrt3A_81 = math.rsqrt %add3A_80 : vector<1x64xf32>
    %mul3A_82 = vector.broadcast %rsqrt3A_81 : vector<1x64xf32> to vector<64x64xf32>
    %mul3A_83 = arith.mulf %mul3A_77, %mul3A_82 : vector<64x64xf32>
    %get3A_84 = arith.constant 0 : index
    %get3A_85 = arith.constant 0 : index
    %get3A_86 = vector.load %arg8[%get3A_84, %get3A_85] : memref<1x64xf32, #tpu.memory_space<vmem>>, vector<1x64xf32>
    %add3A_87 = vector.broadcast %get3A_86 : vector<1x64xf32> to vector<64x64xf32>
    %add3A_88 = arith.addf %mul3A_83, %add3A_87 : vector<64x64xf32>
    %max3A_89 = arith.constant 0.000000e+00 : f32
    %max3A_90 = vector.broadcast %max3A_89 : f32 to vector<64x64xf32>
    %max3A_91 = arith.maximumf %add3A_88, %max3A_90 : vector<64x64xf32>
    %get3A_92 = arith.constant 0 : index
    %get3A_93 = arith.constant 0 : index
    %get3A_94 = vector.load %arg9[%get3A_92, %get3A_93] : memref<128x64xf32, #tpu.memory_space<vmem>>, vector<128x64xf32>
    %dot_general3A_95 = arith.constant dense<0.000000e+00> : vector<64x128xf32>
    %dot_general3A_96 = tpu.matmul %max3A_91, %get3A_94, %dot_general3A_95 {dimension_numbers = #tpu.dot_dimension_numbers<[1], [1], [0], [0], [0, 0, 1, 0], [], []>, transpose_lhs_hint = false} : vector<64x64xf32>, vector<128x64xf32>, vector<64x128xf32> -> vector<64x128xf32>
    %get3A_97 = arith.constant 0 : index
    %get3A_98 = arith.constant 0 : index
    %get3A_99 = vector.load %arg10[%get3A_97, %get3A_98] : memref<1x128xf32, #tpu.memory_space<vmem>>, vector<1x128xf32>
    %add3A_100 = vector.broadcast %get3A_99 : vector<1x128xf32> to vector<64x128xf32>
    %add3A_101 = arith.addf %dot_general3A_96, %add3A_100 : vector<64x128xf32>
    %swap3A = arith.constant 0 : index
    %swap3A_102 = arith.constant 0 : index
    %swap3A_103 = vector.load %arg11[%swap3A, %swap3A_102] : memref<64x128xf32, #tpu.memory_space<vmem>>, vector<64x128xf32>
    tpu.vector_store %arg11[%swap3A, %swap3A_102], %add3A_101 {strides = array<i32>} : memref<64x128xf32, #tpu.memory_space<vmem>>, vector<64x128xf32>,
    return
  }
}

</mosaic_0001>

<sc_bundles>
// kernel: kernel.4.cloned.1.call-start
scs
__scs_entry_jumppad:
0x0: {  	(pc) =	sbr.rel $0x88, $3  }
0x1: {  	(tag) =	ssettag $0x0;
	lr =	simm.s32 $0x1  }
0x2: {  	[smem:$0x3F96] =	sst lr;
	_ =	strace $0xD0000000  }
0x3: {  	_ = 	snop  }
0x4: {  	_ = 	snop  }
0x5: {  	_ = 	snop  }
0x6: {  	_ = 	snop  }
0x7: {  	_ = 	snop  }
__scs_overlays_trampoline_lowered:
0x8: {  	[smem:$0x3FA5] =	sst s0  }
0x9: {  	[smem:$0x3FA6] =	sst s1  }
0xa: {  	[smem:$0x3FA7] =	sst s2  }
0xb: {  	[smem:$0x3FA8] =	sst s3  }
0xc: {  	[smem:$0x3FA9] =	sst s4  }
0xd: {  	[smem:$0x3FAA] =	sst s5  }
0xe: {  	[smem:$0x3FAB] =	sst s6  }
0xf: {  	[smem:$0x3FAC] =	sst s7  }
0x10: {  	[smem:$0x3FAD] =	sst s8  }
0x11: {  	[smem:$0x3FAE] =	sst s9;
	s0 =	simm.s32 @!p0 $0x0  }
0x12: {  	s1 =	sld [smem:$0x3F94];
	s0 =	simm.s32 @p0 $0x1  }
0x13: {  	[smem:$0x3FAF] =	sst s0;
	s0 =	simm.s32 @!p1 $0x0  }
0x14: {  	s2 =	sld [smem:$0x3F93];
	s0 =	simm.s32 @p1 $0x1  }
0x15: {  	[smem:$0x3FB0] =	sst s0;
	s0 =	simm.s32 @!p2 $0x0  }
0x16: {  	s3 =	sld [smem:$0x3FDB];
	s0 =	simm.s32 @p2 $0x1  }
0x17: {  	s4 =	simm.s32 $0x1BF5;
	[smem:$0x3FB2] =	sst s0  }
0x18: {  	s0 =	sld [smem:$0x3F95];
	_ =	swait.ge [sflag:s4], $0x0  }
0x19: {  	s7 =	sld [smem:$0x3F96]  }
0x1a: {  	s8 =	sadd.s32 $0xFFFFE003, lr  }
0x1b: {  	s9 =	sadd.s32 $0xFFFFFEF7, lr;
	s5 =	simm.s32 $0xFFFFFFFF;
	p2 =	slt.u32 s8, $0xFFFFF086  }
0x1c: {  	p1 =	slt.u32 s9, $0xF7A;
	s5 =	simm.s32 @!p2 $0x0  }
0x1d: {  	s5 =	simm.s32 @p1 $0x1;
	p0 =	seq.s32 s7, s2  }
0x1e: {  	s7 =	smul.u32 @!p0 $0xF7A, s2;
	p2 =	seq.s32 @!p0 s5, $0x0  }
0x1f: {  	s9 =	smul.u32 $0xF7A, s1;
	s8 =	simm.s32 @!p0 $0x1BF5;
	p2 =	por !p2, p0  }
0x20: {  	[sflag:s8] =	ssyncset.s32 @!p0 $0xFFFFF086;
	s6 =	sadd.s32 @!p0 s3, s7;
	s7 =	simm.s32 @!p0 $0x108  }
0x21: {  	s3 =	sadd.s32 s3, s9;
	s6 =	sadd.s32 @!p0 $0x88, s6;
	s7 =	simm.s32 @p2 $0x1082  }
0x22: {  	[simem:s7], [sflag:s8] =	dma.local @!p0 [hbm:s6], $0xF7A  }
0x23: {  	s9 =	sor.u32 $0xD0000000, s2;
	s6 =	simm.s32 $0x108;
	_ =	swait.ge @!p0 [sflag:s8], $0x0  }
0x24: {  	s3 =	sadd.s32 $0x88, s3;
	s6 =	simm.s32 @!p1 $0x1082;
	[sflag:s4] =	ssyncset.s32 $0xFFFFF086  }
0x25: {  	[simem:s6], [sflag:s4] =	dma.local [hbm:s3], $0xF7A  }
0x26: {  	[smem:$0x3F96] =	sst s1;
	(tag) =	ssettag s2;
	_ =	strace s9  }
0x27: {  	s1 =	sld [smem:$0x3FA6]  }
0x28: {  	s2 =	sld [smem:$0x3FA7]  }
0x29: {  	s4 =	sld [smem:$0x3FA9]  }
0x2a: {  	p0 =	seq.s32 s5, $0x0;
	s5 =	sld [smem:$0x3FAA]  }
0x2b: {  	s6 =	sld [smem:$0x3FAB]  }
0x2c: {  	s7 =	sld [smem:$0x3FAC]  }
0x2d: {  	s3 =	simm.s32 $0x108;
	s8 =	sld [smem:$0x3FAD]  }
0x2e: {  	s3 =	simm.s32 @!p0 $0x1082;
	s9 =	sld [smem:$0x3FAE]  }
0x2f: {  	lr =	sadd.s32 s0, s3;
	s0 =	sld [smem:$0x3FA5]  }
0x30: {  	s3 =	sld [smem:$0x3FA8]  }
0x31: {  	[smem:$0x3FB1] =	sst s10  }
0x32: {  	s10 =	sld [smem:$0x3FAF];
	_ =	sdelay $0x3  }
0x33: {  	p0 =	seq.s32 s10, $0x1;
	s10 =	sld [smem:$0x3FB1];
	_ =	sdelay $0x3  }
0x34: {  	[smem:$0x3FB1] =	sst s10  }
0x35: {  	s10 =	sld [smem:$0x3FB0];
	_ =	sdelay $0x3  }
0x36: {  	p1 =	seq.s32 s10, $0x1;
	s10 =	sld [smem:$0x3FB1];
	_ =	sdelay $0x3  }
0x37: {  	[smem:$0x3FB1] =	sst s10  }
0x38: {  	s10 =	sld [smem:$0x3FB2]  }
0x39: {  	_ = 	snop;
	(pc) =	sbr.ind lr, $3  }
0x3a: {  	_ = 	snop  }
0x3b: {  	_ = 	snop  }
0x3c: {  	p2 =	seq.s32 s10, $0x1;
	s10 =	sld [smem:$0x3FB1]  }
0x3d: {  	_ =	shalt  }
0x3e: {  	_ =	shalt  }
0x3f: {  	_ =	shalt  }
0x40: {  	_ =	shalt  }
0x41: {  	_ =	shalt  }
0x42: {  	_ =	shalt  }
0x43: {  	_ =	shalt  }
0x44: {  	_ =	shalt  }
0x45: {  	_ =	shalt  }
0x46: {  	_ =	shalt  }
0x47: {  	_ =	shalt  }
0x48: {  	_ =	shalt  }
0x49: {  	_ =	shalt  }
0x4a: {  	_ =	shalt  }
0x4b: {  	_ =	shalt  }
0x4c: {  	_ =	shalt  }
0x4d: {  	_ =	shalt  }
0x4e: {  	_ =	shalt  }
0x4f: {  	_ =	shalt  }
0x50: {  	_ =	shalt  }
0x51: {  	_ =	shalt  }
0x52: {  	_ =	shalt  }
0x53: {  	_ =	shalt  }
0x54: {  	_ =	shalt  }
0x55: {  	_ =	shalt  }
0x56: {  	_ =	shalt  }
0x57: {  	_ =	shalt  }
0x58: {  	_ =	shalt  }
0x59: {  	_ =	shalt  }
0x5a: {  	_ =	shalt  }
0x5b: {  	_ =	shalt  }
0x5c: {  	_ =	shalt  }
0x5d: {  	_ =	shalt  }
0x5e: {  	_ =	shalt  }
0x5f: {  	_ =	shalt  }
0x60: {  	_ =	shalt  }
0x61: {  	_ =	shalt  }
0x62: {  	_ =	shalt  }
0x63: {  	_ =	shalt  }
0x64: {  	_ =	shalt  }
0x65: {  	_ =	shalt  }
0x66: {  	_ =	shalt  }
0x67: {  	_ =	shalt  }
0x68: {  	_ =	shalt  }
0x69: {  	_ =	shalt  }
0x6a: {  	_ =	shalt  }
0x6b: {  	_ =	shalt  }
0x6c: {  	_ =	shalt  }
0x6d: {  	_ =	shalt  }
0x6e: {  	_ =	shalt  }
0x6f: {  	_ =	shalt  }
0x70: {  	_ =	shalt  }
0x71: {  	_ =	shalt  }
0x72: {  	_ =	shalt  }
0x73: {  	_ =	shalt  }
0x74: {  	_ =	shalt  }
0x75: {  	_ =	shalt  }
0x76: {  	_ =	shalt  }
0x77: {  	_ =	shalt  }
0x78: {  	_ =	shalt  }
0x79: {  	_ =	shalt  }
0x7a: {  	_ =	shalt  }
0x7b: {  	_ =	shalt  }
0x7c: {  	_ =	shalt  }
0x7d: {  	_ =	shalt  }
0x7e: {  	_ =	shalt  }
0x7f: {  	_ =	shalt  }
0x80: {  	_ =	shalt  }
0x81: {  	_ =	shalt  }
0x82: {  	_ =	shalt  }
0x83: {  	_ =	shalt  }
0x84: {  	_ =	shalt  }
0x85: {  	_ =	shalt  }
0x86: {  	_ =	shalt  }
0x87: {  	_ =	shalt  }
.Lfunc_end0:
.L_simem_size_0:
called_computation.1_lowered:
.L_overlay_start_0:
0x88: {  	s2 =	sld [smem:$0x3FD9]  }
0x89: {  	s3 =	sld [smem:$0x3FFE];
	_ =	sdelay $0x1  }
0x8a: {  	s1 =	srdreg.scid  }
0x8b: {  	s0 =	sand.u32 $0x1, s1  }
0x8c: {  	s16 =	sshll.u32 s0, $0xA;
	s2 =	sadd.s32 s3, s2  }
0x8d: {  	s2 =	sadd.s32 s2, s16  }
0x8e: {  	[smem:$0x3FBD] =	sst s2  }
0x8f: {  	_ = 	snop  }
0x90: {  	(tm) =	ssettm $0x1  }
0x91: {  	s17 =	sld [smem:$0x3FFB];
	_ =	sdelay $0x3  }
0x92: {  	_ =	strace s17  }
0x93: {  	s2 =	sld [smem:$0x3FFC];
	_ =	sdelay $0x3  }
0x94: {  	_ =	strace s2  }
0x95: {  	s2 =	sld [smem:$0x3FFD];
	_ =	sdelay $0x3  }
0x96: {  	_ =	strace s2  }
0x97: {  	_ =	strace $0x8FFFFFFF  }
0x98: {  	s18 =	sld [smem:$0x3FDB];
	_ =	sdelay $0x1  }
0x99: {  	s19 =	simm.s32 $_scs_section_size  }
0x9a: {  	s4 =	simm.s32 $_size__tile_overlayer_lowered;
	s5 =	simm.s32 $_tile_overlayer_lowered  }
0x9b: {  	s22 =	simm.s32 $0x1BFF;
	s21 =	sshll.u32 s5, $0x1;
	s2 =	sadd.s32 s19, s18  }
0x9c: {  	s6 =	simm.s32 $0x0;
	s20 =	sshll.u32 s4, $0x1;
	s4 =	sadd.s32 s21, s2  }
0x9d: {  	[timem:s6], [sflag:s22] =	dma.local [hbm:s4], s20  }
0x9e: {  	_ =	swait.ge [sflag:s22], s20  }
0x9f: {  	s3 =	ssub.s32 $0x0, s20;
	[sflag:s22] =	ssyncset.done $0x0  }
0xa0: {  	[sflag:s22] =	ssyncadd.s32 s3;
	_ =	sdelay $0x1  }
0xa1: {  	s23 =	simm.s32 $0x1B8B  }
0xa2: {  	_ =	swait.ge [sflag:s23], $0x1  }
0xa3: {  	[sflag:s23] =	ssyncset.done $0x0  }
0xa4: {  	s25 =	simm.s32 $0x1B8E;
	s24 =	sld [smem:$0x3FFE];
	[sflag:s23] =	ssyncadd.s32 $0xFFFFFFFF  }
0xa5: {  	s26 =	simm.s32 $execute0_lowered;
	[smem:$0x3FD2] =	sst s25  }
0xa6: {  	s4 =	sshll.u32 s26, $0x1;
	_ =	strace $0x80000049;
	[dreg:$0x1] =	wrdreg $0xFFFFFFFF  }
0xa7: {  	s28 =	simm.s32 $_size_execute0_lowered;
	s2 =	sadd.s32 s2, s4;
	[dreg:$0x0] =	wrdreg $0x0  }
0xa8: {  	s4 =	sshll.u32 s28, $0x1;
	[dreg:$0x2] =	wrdreg s2  }
0xa9: {  	[dreg:$0x3] =	wrdreg s4  }
0xaa: {  	[dreg:$0x4] =	wrdreg $0xC0  }
0xab: {  	_ =	task [dreg:s6], $0x5FFFF  }
0xac: {  	[dreg:$0x1] =	wrdreg $0xFFFFFFFF  }
0xad: {  	[dreg:$0x0] =	wrdreg $0x60  }
0xae: {  	[dreg:$0x2] =	wrdreg s24  }
0xaf: {  	[dreg:$0x3] =	wrdreg $0x9  }
0xb0: {  	_ =	task.clear_ibuf [dreg:s6], $0x4FFFF;
	_ =	strace $0x90000049  }
0xb1: {  	s29 =	simm.s32 $0x9;
	_ =	strace $0x8000004B  }
0xb2: {  	_ =	swait.ge [sflag:s29], $0x1  }
0xb3: {  	[sflag:s29] =	ssyncadd.s32 $0xFFFFFFFF  }
0xb4: {  	_ =	strace $0x9000004B  }
0xb5: {  	_ =	sfence  }
0xb6: {  	s30 =	sld [smem:$0x0];
	_ =	sdelay $0x2  }
0xb7: {  	s31 =	sshll.u32 s1, $0xD;
	s1 =	sshrl.u32 s1, $0x2  }
0xb8: {  	s3 =	sand.u32 $0x4000, s31;
	s1 =	sadd.s32 s1, s30  }
0xb9: {  	s0 =	sor.u32 s3, s0;
	s1 =	sshll.u32 s1, $0x11  }
0xba: {  	s0 =	sor.u32 s1, s0  }
0xbb: {  	s0 =	sadd.s32 $0x8F2B, s0  }
0xbc: {  	[sflag:s0] =	ssyncadd.remote.s32 $0x1  }
0xbd: {  	_ =	sfence.sel $0xFFFF  }
0xbe: {  	[dreg:$0x0] =	wrdreg $0xFFFFFFFF;
	(pc) =	sbr.abs _section_cstart, $3  }
0xbf: {  	[dreg:$0x1] =	wrdreg $0xFFFFFFFF  }
0xc0: {  	_ =	task.clear_ibuf [dreg:s6], $0x2FFFF;
	_ =	strace $0x9FFFFFFF  }
0xc1: {  	(tm) =	ssettm $0x7FFFFFFF  }
tec
execute0_lowered:
.L_overlay_start_1:
0x0: {  	(tag) =	ssettag $0x1  }
0x1: {  	s0 =	srdreg.scid  }
0x2: {  	s5 =	stileid.u32;
	s1 =	rddreg [dreg:$0x0];
	s2 =	simm.s32 $0x0  }
0x3: {  	s22 =	simm.s32 $0x1;
	s23 =	simm.s32 $0x8000;
	s24 =	simm.s32 $0x10000  }
0x4: {  	s25 =	simm.s32 $0x2;
	s30 =	simm.s32 $0x3;
	s31 =	simm.s32 $0x0  }
0x5: {  	s0 =	sand.u32 $0x1, s0;
	s3 =	sshll.u32 s5, $0x1;
	[smem:$0x7FF] =	sst s2  }
0x6: {  	s5 =	sshll.u32 s5, $0x7;
	s3 =	sor.u32 s0, s3;
	_ =	strace $0x8000004A  }
0x7: {  	s0 =	ssub.s32 $0x2, s0;
	s4 =	smul.u32 $0x180000, s3;
	s3 =	sshll.u32 s3, $0x5  }
0x8: {  	s5 =	sand.u32 $0x700, s5;
	s29 =	sshrl.u32 s0, $0x1;
	s3 =	sand.u32 $0x60, s3  }
0x9: {  	s0 =	ssub.s32 s0, s29;
	s4 =	sshrl.u32 s4, $0x3;
	s3 =	sor.u32 s5, s3  }
0xa: {  	s21 =	smax.u32 s0, $0x1;
	s19 =	sadd.s32 s4, s1;
	s1 =	sadd.s32 s3, s1  }
0xb: {  	s3 =	sadd.s32 $0x1800, s19;
	s4 =	sadd.s32 $0x2800, s19;
	s5 =	sadd.s32 $0x3800, s19  }
0xc: {  	s6 =	sadd.s32 $0x4800, s19;
	s7 =	sadd.s32 $0x5800, s19;
	s8 =	sadd.s32 $0x6800, s19  }
0xd: {  	s9 =	sadd.s32 $0x7800, s19;
	s10 =	sadd.s32 $0x8800, s19;
	s11 =	sadd.s32 $0x19800, s19  }
0xe: {  	v1 =	vlaneseq.u32;
	s12 =	sadd.s32 $0x601800, s1;
	s13 =	sadd.s32 $0x1A800, s19;
	s14 =	sadd.s32 $0x1B800, s19  }
0xf: {  	v1 =	vmul.u32 $0x100, v1;
	s15 =	sadd.s32 $0x1C800, s19;
	s16 =	sadd.s32 $0x1D800, s19;
	s17 =	sadd.s32 $0x1E800, s19  }
0x10: {  	v0 =	vimm.f32 $0.0e+00;
	v2 =	vimm.f32 $1.000000000e+00;
	s18 =	sadd.s32 $0x1F800, s19;
	s19 =	sadd.s32 $0x20800, s19;
	s20 =	sadd.s32 $0x601810, s1  }
.LBB2_1:
0x11: {  	[tilespmem:s2], [sflag:$0x1] =	stream.linear.gather [hbm4b:s3+s2], $0x8000, $0x38;
	[tilespmem:$0x11100] =	vst v63  }
0x12: {  	s0 =	simm.s32 $0x10040  }
0x13: {  	[tilespmem:s0+$0xFFFFFFC0] =	vst v0  }
0x14: {  	[tilespmem:s0+$0x30] =	vst v0  }
0x15: {  	[tilespmem:s0+$0x20] =	vst v0  }
0x16: {  	[tilespmem:s0+$0x10] =	vst v0  }
0x17: {  	[tilespmem:s0+$0x0] =	vst v0  }
0x18: {  	[tilespmem:s0+$0xFFFFFFF0] =	vst v0  }
0x19: {  	s1 =	simm.s32 $0x0;
	[tilespmem:s0+$0xFFFFFFE0] =	vst v0  }
.LBB2_2:
0x1a: {  	s1 =	sadd.s32 $0x8, s1;
	[tilespmem:s0+$0xFFFFFFD0] =	vst v0;
	s0 =	sadd.s32 $0x80, s0  }
0x1b: {  	[tilespmem:s0+$0xFFFFFFC0] =	vst v0;
	p0 =	slt.u32 s1, $0xF8  }
0x1c: {  	[tilespmem:s0+$0x30] =	vst v0  }
.Ltmp0:
0x1d: {  	[tilespmem:s0+$0x20] =	vst v0;
	(pc) =	sbr.rel @p0 .LBB2_2-.Ltmp0, $4  }
0x1e: {  	[tilespmem:s0+$0x10] =	vst v0  }
0x1f: {  	[tilespmem:s0+$0x0] =	vst v0  }
0x20: {  	[tilespmem:s0+$0xFFFFFFF0] =	vst v0  }
0x21: {  	[tilespmem:s0+$0xFFFFFFE0] =	vst v0  }
0x22: {  	[tilespmem:s0+$0xFFFFFFD0] =	vst v0  }
0x23: {  	_ =	swait.ge [sflag:s22], $0x8000  }
0x24: {  	[sflag:s22] =	ssyncset.done $0x0  }
0x25: {  	s29 =	simm.s32 $0x40;
	[sflag:s22] =	ssyncadd.s32 $0xFFFF8000  }
0x26: {  	[tilespmem:s23], [sflag:$0x2] =	stream.linear.gather [hbm4b:s4+s2], $0x8000, $0x38;
	[tilespmem:$0x11100] =	vst v63  }
0x27: {  	v3 =	vld [tilespmem:s29+$0x30]  }
0x28: {  	v4 =	vld [tilespmem:s29+$0xFFFFFFD0]  }
0x29: {  	v5 =	vld [tilespmem:s29+$0xFFFFFFE0]  }
0x2a: {  	v7 =	vld [tilespmem:s29+$0x0]  }
0x2b: {  	v8 =	vld [tilespmem:s29+$0x10]  }
0x2c: {  	v9 =	vld [tilespmem:s29+$0x20]  }
0x2d: {  	v10 =	vld [tilespmem:s29+$0xFFFFFFC0];
	v3 =	vmul.f32 $2.560000000e+02, v3;
	v4 =	vmul.f32 $2.560000000e+02, v4  }
0x2e: {  	v6 =	vld [tilespmem:s29+$0xFFFFFFF0];
	v5 =	vmul.f32 $2.560000000e+02, v5  }
0x2f: {  	v3 =	vtrunc.f32 v3;
	v11 =	vtrunc.f32 v4  }
0x30: {  	v4 =	vmul.f32 $2.560000000e+02, v7;
	v3 =	vcvt.f32.s32 v3  }
0x31: {  	v7 =	vtrunc.f32 v5;
	v5 =	vmul.f32 $2.560000000e+02, v8  }
0x32: {  	v8 =	vmul.f32 $2.560000000e+02, v9;
	v9 =	vmul.f32 $2.560000000e+02, v10;
	v12 =	vadd.s32 v1, v3  }
0x33: {  	v6 =	vmul.f32 $2.560000000e+02, v6  }
0x34: {  	v7 =	vcvt.f32.s32 v7;
	v9 =	vtrunc.f32 v9  }
0x35: {  	v3 =	vtrunc.f32 v6;
	v6 =	vtrunc.f32 v4  }
0x36: {  	v4 =	vtrunc.f32 v8;
	v8 =	vcvt.f32.s32 v11  }
0x37: {  	s0 =	simm.s32 $0x0;
	s1 =	simm.s32 $0xC0;
	v5 =	vtrunc.f32 v5;
	v9 =	vcvt.f32.s32 v9;
	[tilespmem:v12+s24+$0x0] =	vst.idx.add.f32.msk $0xffff, v2  }
.LBB2_4:
0x38: {  	v10 =	vld [tilespmem:s1+$0x30];
	s0 =	sadd.s32 $0x8, s0;
	v8 =	vadd.s32 v1, v8;
	v3 =	vcvt.f32.s32 v3;
	v6 =	vcvt.f32.s32 v6  }
0x39: {  	v5 =	vcvt.f32.s32 v5;
	v4 =	vcvt.f32.s32 v4;
	v11 =	vld [tilespmem:s1+$0xFFFFFFD0];
	p0 =	slt.u32 s0, $0x7F8;
	v9 =	vadd.s32 v1, v9  }
0x3a: {  	v7 =	vadd.s32 v1, v7;
	v12 =	vld [tilespmem:s1+$0xFFFFFFE0];
	v13 =	vadd.s32 v1, v3;
	v14 =	vadd.s32 v1, v6  }
0x3b: {  	v15 =	vadd.s32 v1, v5;
	v16 =	vadd.s32 v1, v4;
	v3 =	vld [tilespmem:s1+$0xFFFFFFF0]  }
0x3c: {  	v4 =	vld [tilespmem:s1+$0x0]  }
0x3d: {  	v5 =	vld [tilespmem:s1+$0x10];
	v6 =	vmul.f32 $2.560000000e+02, v10  }
0x3e: {  	v10 =	vmul.f32 $2.560000000e+02, v11;
	v11 =	vld [tilespmem:s1+$0x20]  }
0x3f: {  	v17 =	vld [tilespmem:s1+$0xFFFFFFC0];
	v12 =	vmul.f32 $2.560000000e+02, v12;
	v6 =	vtrunc.f32 v6  }
0x40: {  	v3 =	vmul.f32 $2.560000000e+02, v3;
	v6 =	vcvt.f32.s32 v6;
	[tilespmem:v9+s24+$0x0] =	vst.idx.add.f32.msk $0xffff, v2  }
0x41: {  	v9 =	vtrunc.f32 v10;
	v4 =	vmul.f32 $2.560000000e+02, v4;
	[tilespmem:v8+s24+$0x0] =	vst.idx.add.f32.msk $0xffff, v2  }
0x42: {  	v10 =	vtrunc.f32 v12;
	v5 =	vmul.f32 $2.560000000e+02, v5;
	v12 =	vadd.s32 v1, v6;
	[tilespmem:v7+s24+$0x0] =	vst.idx.add.f32.msk $0xffff, v2  }
.Ltmp1:
0x43: {  	v3 =	vtrunc.f32 v3;
	v7 =	vmul.f32 $2.560000000e+02, v11;
	[tilespmem:v13+s24+$0x0] =	vst.idx.add.f32.msk $0xffff, v2;
	(pc) =	sbr.rel @p0 .LBB2_4-.Ltmp1, $4  }
0x44: {  	v6 =	vtrunc.f32 v4;
	v8 =	vmul.f32 $2.560000000e+02, v17;
	[tilespmem:v14+s24+$0x0] =	vst.idx.add.f32.msk $0xffff, v2  }
0x45: {  	v5 =	vtrunc.f32 v5;
	v4 =	vtrunc.f32 v7;
	[tilespmem:v15+s24+$0x0] =	vst.idx.add.f32.msk $0xffff, v2  }
0x46: {  	v7 =	vtrunc.f32 v8;
	v8 =	vcvt.f32.s32 v9;
	[tilespmem:v16+s24+$0x0] =	vst.idx.add.f32.msk $0xffff, v2  }
0x47: {  	s1 =	sadd.s32 $0x80, s1;
	v9 =	vcvt.f32.s32 v7;
	v7 =	vcvt.f32.s32 v10;
	[tilespmem:v12+s24+$0x0] =	vst.idx.add.f32.msk $0xffff, v2  }
0x48: {  	v8 =	vadd.s32 v1, v8  }
0x49: {  	v3 =	vcvt.f32.s32 v3;
	v9 =	vadd.s32 v1, v9  }
0x4a: {  	v6 =	vcvt.f32.s32 v6;
	v7 =	vadd.s32 v1, v7  }
0x4b: {  	v5 =	vcvt.f32.s32 v5;
	v3 =	vadd.s32 v1, v3  }
0x4c: {  	v4 =	vcvt.f32.s32 v4;
	v6 =	vadd.s32 v1, v6  }
0x4d: {  	v5 =	vadd.s32 v1, v5;
	[tilespmem:v8+s24+$0x0] =	vst.idx.add.f32.msk $0xffff, v2  }
0x4e: {  	v4 =	vadd.s32 v1, v4;
	[tilespmem:v9+s24+$0x0] =	vst.idx.add.f32.msk $0xffff, v2  }
0x4f: {  	[tilespmem:v7+s24+$0x0] =	vst.idx.add.f32.msk $0xffff, v2  }
0x50: {  	[tilespmem:v3+s24+$0x0] =	vst.idx.add.f32.msk $0xffff, v2  }
0x51: {  	[tilespmem:v6+s24+$0x0] =	vst.idx.add.f32.msk $0xffff, v2  }
0x52: {  	[tilespmem:v5+s24+$0x0] =	vst.idx.add.f32.msk $0xffff, v2  }
0x53: {  	[tilespmem:v4+s24+$0x0] =	vst.idx.add.f32.msk $0xffff, v2  }
0x54: {  	_ =	swait.ge [sflag:s25], $0x8000  }
0x55: {  	[sflag:s25] =	ssyncset.done $0x0  }
0x56: {  	s0 =	simm.s32 $0x8070;
	[sflag:s25] =	ssyncadd.s32 $0xFFFF8000  }
0x57: {  	[tilespmem:s2], [sflag:$0x1] =	stream.linear.gather [hbm4b:s5+s2], $0x8000, $0x38;
	[tilespmem:$0x11100] =	vst v63  }
0x58: {  	v3 =	vld [tilespmem:s0+$0x0]  }
0x59: {  	v4 =	vld [tilespmem:s0+$0xFFFFFFA0]  }
0x5a: {  	v5 =	vld [tilespmem:s0+$0xFFFFFFB0]  }
0x5b: {  	v7 =	vld [tilespmem:s0+$0xFFFFFFD0]  }
0x5c: {  	v8 =	vld [tilespmem:s0+$0xFFFFFFE0]  }
0x5d: {  	v9 =	vld [tilespmem:s0+$0xFFFFFFF0]  }
0x5e: {  	v10 =	vld [tilespmem:s0+$0xFFFFFF90];
	v3 =	vmul.f32 $2.560000000e+02, v3;
	v4 =	vmul.f32 $2.560000000e+02, v4  }
0x5f: {  	v6 =	vld [tilespmem:s0+$0xFFFFFFC0];
	v5 =	vmul.f32 $2.560000000e+02, v5  }
0x60: {  	v3 =	vtrunc.f32 v3;
	v11 =	vtrunc.f32 v4  }
0x61: {  	v4 =	vmul.f32 $2.560000000e+02, v7;
	v3 =	vcvt.f32.s32 v3  }
0x62: {  	v7 =	vtrunc.f32 v5;
	v5 =	vmul.f32 $2.560000000e+02, v8  }
0x63: {  	v8 =	vmul.f32 $2.560000000e+02, v9;
	v9 =	vmul.f32 $2.560000000e+02, v10;
	v12 =	vadd.s32 v1, v3  }
0x64: {  	v6 =	vmul.f32 $2.560000000e+02, v6  }
0x65: {  	v7 =	vcvt.f32.s32 v7;
	v9 =	vtrunc.f32 v9  }
0x66: {  	v3 =	vtrunc.f32 v6;
	v6 =	vtrunc.f32 v4  }
0x67: {  	v4 =	vtrunc.f32 v8;
	v8 =	vcvt.f32.s32 v11  }
0x68: {  	s1 =	simm.s32 $0x80F0;
	s0 =	simm.s32 $0x0;
	v5 =	vtrunc.f32 v5;
	v9 =	vcvt.f32.s32 v9;
	[tilespmem:v12+s24+$0x0] =	vst.idx.add.f32.msk $0xffff, v2  }
.LBB2_6:
0x69: {  	v10 =	vld [tilespmem:s1+$0x0];
	s0 =	sadd.s32 $0x8, s0;
	v8 =	vadd.s32 v1, v8;
	v3 =	vcvt.f32.s32 v3;
	v6 =	vcvt.f32.s32 v6  }
0x6a: {  	v5 =	vcvt.f32.s32 v5;
	v4 =	vcvt.f32.s32 v4;
	v11 =	vld [tilespmem:s1+$0xFFFFFFA0];
	p0 =	slt.u32 s0, $0x7F8;
	v9 =	vadd.s32 v1, v9  }
0x6b: {  	v7 =	vadd.s32 v1, v7;
	v12 =	vld [tilespmem:s1+$0xFFFFFFB0];
	v13 =	vadd.s32 v1, v3;
	v14 =	vadd.s32 v1, v6  }
0x6c: {  	v15 =	vadd.s32 v1, v5;
	v16 =	vadd.s32 v1, v4;
	v3 =	vld [tilespmem:s1+$0xFFFFFFC0]  }
0x6d: {  	v4 =	vld [tilespmem:s1+$0xFFFFFFD0]  }
0x6e: {  	v5 =	vld [tilespmem:s1+$0xFFFFFFE0];
	v6 =	vmul.f32 $2.560000000e+02, v10  }
0x6f: {  	v10 =	vmul.f32 $2.560000000e+02, v11;
	v11 =	vld [tilespmem:s1+$0xFFFFFFF0]  }
0x70: {  	v17 =	vld [tilespmem:s1+$0xFFFFFF90];
	v12 =	vmul.f32 $2.560000000e+02, v12;
	v6 =	vtrunc.f32 v6  }
0x71: {  	v3 =	vmul.f32 $2.560000000e+02, v3;
	v6 =	vcvt.f32.s32 v6;
	[tilespmem:v9+s24+$0x0] =	vst.idx.add.f32.msk $0xffff, v2  }
0x72: {  	v9 =	vtrunc.f32 v10;
	v4 =	vmul.f32 $2.560000000e+02, v4;
	[tilespmem:v8+s24+$0x0] =	vst.idx.add.f32.msk $0xffff, v2  }
0x73: {  	v10 =	vtrunc.f32 v12;
	v5 =	vmul.f32 $2.560000000e+02, v5;
	v12 =	vadd.s32 v1, v6;
	[tilespmem:v7+s24+$0x0] =	vst.idx.add.f32.msk $0xffff, v2  }
.Ltmp2:
0x74: {  	v3 =	vtrunc.f32 v3;
	v7 =	vmul.f32 $2.560000000e+02, v11;
	[tilespmem:v13+s24+$0x0] =	vst.idx.add.f32.msk $0xffff, v2;
	(pc) =	sbr.rel @p0 .LBB2_6-.Ltmp2, $4  }
0x75: {  	v6 =	vtrunc.f32 v4;
	v8 =	vmul.f32 $2.560000000e+02, v17;
	[tilespmem:v14+s24+$0x0] =	vst.idx.add.f32.msk $0xffff, v2  }
0x76: {  	v5 =	vtrunc.f32 v5;
	v4 =	vtrunc.f32 v7;
	[tilespmem:v15+s24+$0x0] =	vst.idx.add.f32.msk $0xffff, v2  }
0x77: {  	v7 =	vtrunc.f32 v8;
	v8 =	vcvt.f32.s32 v9;
	[tilespmem:v16+s24+$0x0] =	vst.idx.add.f32.msk $0xffff, v2  }
0x78: {  	s1 =	sadd.s32 $0x80, s1;
	v9 =	vcvt.f32.s32 v7;
	v7 =	vcvt.f32.s32 v10;
	[tilespmem:v12+s24+$0x0] =	vst.idx.add.f32.msk $0xffff, v2  }
0x79: {  	v8 =	vadd.s32 v1, v8  }
0x7a: {  	v3 =	vcvt.f32.s32 v3;
	v9 =	vadd.s32 v1, v9  }
0x7b: {  	v6 =	vcvt.f32.s32 v6;
	v7 =	vadd.s32 v1, v7  }
0x7c: {  	v5 =	vcvt.f32.s32 v5;
	v3 =	vadd.s32 v1, v3  }
0x7d: {  	v4 =	vcvt.f32.s32 v4;
	v6 =	vadd.s32 v1, v6  }
0x7e: {  	v5 =	vadd.s32 v1, v5;
	[tilespmem:v8+s24+$0x0] =	vst.idx.add.f32.msk $0xffff, v2  }
0x7f: {  	v4 =	vadd.s32 v1, v4;
	[tilespmem:v9+s24+$0x0] =	vst.idx.add.f32.msk $0xffff, v2  }
0x80: {  	[tilespmem:v7+s24+$0x0] =	vst.idx.add.f32.msk $0xffff, v2  }
0x81: {  	[tilespmem:v3+s24+$0x0] =	vst.idx.add.f32.msk $0xffff, v2  }
0x82: {  	[tilespmem:v6+s24+$0x0] =	vst.idx.add.f32.msk $0xffff, v2  }
0x83: {  	[tilespmem:v5+s24+$0x0] =	vst.idx.add.f32.msk $0xffff, v2  }
0x84: {  	[tilespmem:v4+s24+$0x0] =	vst.idx.add.f32.msk $0xffff, v2  }
0x85: {  	_ =	swait.ge [sflag:s22], $0x8000  }
0x86: {  	[sflag:s22] =	ssyncset.done $0x0  }
0x87: {  	s0 =	simm.s32 $0x40;
	[sflag:s22] =	ssyncadd.s32 $0xFFFF8000  }
0x88: {  	[tilespmem:s23], [sflag:$0x2] =	stream.linear.gather [hbm4b:s6+s2], $0x8000, $0x38;
	[tilespmem:$0x11100] =	vst v63  }
0x89: {  	v3 =	vld [tilespmem:s0+$0x30]  }
0x8a: {  	v4 =	vld [tilespmem:s0+$0xFFFFFFD0]  }
0x8b: {  	v5 =	vld [tilespmem:s0+$0xFFFFFFE0]  }
0x8c: {  	v7 =	vld [tilespmem:s0+$0x0]  }
0x8d: {  	v8 =	vld [tilespmem:s0+$0x10]  }
0x8e: {  	v9 =	vld [tilespmem:s0+$0x20]  }
0x8f: {  	v10 =	vld [tilespmem:s0+$0xFFFFFFC0];
	v3 =	vmul.f32 $2.560000000e+02, v3;
	v4 =	vmul.f32 $2.560000000e+02, v4  }
0x90: {  	v6 =	vld [tilespmem:s0+$0xFFFFFFF0];
	v5 =	vmul.f32 $2.560000000e+02, v5  }
0x91: {  	v3 =	vtrunc.f32 v3;
	v11 =	vtrunc.f32 v4  }
0x92: {  	v4 =	vmul.f32 $2.560000000e+02, v7;
	v3 =	vcvt.f32.s32 v3  }
0x93: {  	v7 =	vtrunc.f32 v5;
	v5 =	vmul.f32 $2.560000000e+02, v8  }
0x94: {  	v8 =	vmul.f32 $2.560000000e+02, v9;
	v9 =	vmul.f32 $2.560000000e+02, v10;
	v12 =	vadd.s32 v1, v3  }
0x95: {  	v6 =	vmul.f32 $2.560000000e+02, v6  }
0x96: {  	v7 =	vcvt.f32.s32 v7;
	v9 =	vtrunc.f32 v9  }
0x97: {  	v3 =	vtrunc.f32 v6;
	v6 =	vtrunc.f32 v4  }
0x98: {  	v4 =	vtrunc.f32 v8;
	v8 =	vcvt.f32.s32 v11  }
0x99: {  	s1 =	simm.s32 $0xC0;
	s0 =	simm.s32 $0x0;
	v5 =	vtrunc.f32 v5;
	v9 =	vcvt.f32.s32 v9;
	[tilespmem:v12+s24+$0x0] =	vst.idx.add.f32.msk $0xffff, v2  }
.LBB2_8:
0x9a: {  	v10 =	vld [tilespmem:s1+$0x30];
	s0 =	sadd.s32 $0x8, s0;
	v8 =	vadd.s32 v1, v8;
	v3 =	vcvt.f32.s32 v3;
	v6 =	vcvt.f32.s32 v6  }
0x9b: {  	v5 =	vcvt.f32.s32 v5;
	v4 =	vcvt.f32.s32 v4;
	v11 =	vld [tilespmem:s1+$0xFFFFFFD0];
	p0 =	slt.u32 s0, $0x7F8;
	v9 =	vadd.s32 v1, v9  }
0x9c: {  	v7 =	vadd.s32 v1, v7;
	v12 =	vld [tilespmem:s1+$0xFFFFFFE0];
	v13 =	vadd.s32 v1, v3;
	v14 =	vadd.s32 v1, v6  }
0x9d: {  	v15 =	vadd.s32 v1, v5;
	v16 =	vadd.s32 v1, v4;
	v3 =	vld [tilespmem:s1+$0xFFFFFFF0]  }
0x9e: {  	v4 =	vld [tilespmem:s1+$0x0]  }
0x9f: {  	v5 =	vld [tilespmem:s1+$0x10];
	v6 =	vmul.f32 $2.560000000e+02, v10  }
0xa0: {  	v10 =	vmul.f32 $2.560000000e+02, v11;
	v11 =	vld [tilespmem:s1+$0x20]  }
0xa1: {  	v17 =	vld [tilespmem:s1+$0xFFFFFFC0];
	v12 =	vmul.f32 $2.560000000e+02, v12;
	v6 =	vtrunc.f32 v6  }
0xa2: {  	v3 =	vmul.f32 $2.560000000e+02, v3;
	v6 =	vcvt.f32.s32 v6;
	[tilespmem:v9+s24+$0x0] =	vst.idx.add.f32.msk $0xffff, v2  }
0xa3: {  	v9 =	vtrunc.f32 v10;
	v4 =	vmul.f32 $2.560000000e+02, v4;
	[tilespmem:v8+s24+$0x0] =	vst.idx.add.f32.msk $0xffff, v2  }
0xa4: {  	v10 =	vtrunc.f32 v12;
	v5 =	vmul.f32 $2.560000000e+02, v5;
	v12 =	vadd.s32 v1, v6;
	[tilespmem:v7+s24+$0x0] =	vst.idx.add.f32.msk $0xffff, v2  }
.Ltmp3:
0xa5: {  	v3 =	vtrunc.f32 v3;
	v7 =	vmul.f32 $2.560000000e+02, v11;
	[tilespmem:v13+s24+$0x0] =	vst.idx.add.f32.msk $0xffff, v2;
	(pc) =	sbr.rel @p0 .LBB2_8-.Ltmp3, $4  }
0xa6: {  	v6 =	vtrunc.f32 v4;
	v8 =	vmul.f32 $2.560000000e+02, v17;
	[tilespmem:v14+s24+$0x0] =	vst.idx.add.f32.msk $0xffff, v2  }
0xa7: {  	v5 =	vtrunc.f32 v5;
	v4 =	vtrunc.f32 v7;
	[tilespmem:v15+s24+$0x0] =	vst.idx.add.f32.msk $0xffff, v2  }
0xa8: {  	v7 =	vtrunc.f32 v8;
	v8 =	vcvt.f32.s32 v9;
	[tilespmem:v16+s24+$0x0] =	vst.idx.add.f32.msk $0xffff, v2  }
0xa9: {  	s1 =	sadd.s32 $0x80, s1;
	v9 =	vcvt.f32.s32 v7;
	v7 =	vcvt.f32.s32 v10;
	[tilespmem:v12+s24+$0x0] =	vst.idx.add.f32.msk $0xffff, v2  }
0xaa: {  	v8 =	vadd.s32 v1, v8  }
0xab: {  	v3 =	vcvt.f32.s32 v3;
	v9 =	vadd.s32 v1, v9  }
0xac: {  	v6 =	vcvt.f32.s32 v6;
	v7 =	vadd.s32 v1, v7  }
0xad: {  	v5 =	vcvt.f32.s32 v5;
	v3 =	vadd.s32 v1, v3  }
0xae: {  	v4 =	vcvt.f32.s32 v4;
	v6 =	vadd.s32 v1, v6  }
0xaf: {  	v5 =	vadd.s32 v1, v5;
	[tilespmem:v8+s24+$0x0] =	vst.idx.add.f32.msk $0xffff, v2  }
0xb0: {  	v4 =	vadd.s32 v1, v4;
	[tilespmem:v9+s24+$0x0] =	vst.idx.add.f32.msk $0xffff, v2  }
0xb1: {  	[tilespmem:v7+s24+$0x0] =	vst.idx.add.f32.msk $0xffff, v2  }
0xb2: {  	[tilespmem:v3+s24+$0x0] =	vst.idx.add.f32.msk $0xffff, v2  }
0xb3: {  	[tilespmem:v6+s24+$0x0] =	vst.idx.add.f32.msk $0xffff, v2  }
0xb4: {  	[tilespmem:v5+s24+$0x0] =	vst.idx.add.f32.msk $0xffff, v2  }
0xb5: {  	[tilespmem:v4+s24+$0x0] =	vst.idx.add.f32.msk $0xffff, v2  }
0xb6: {  	_ =	swait.ge [sflag:s25], $0x8000  }
0xb7: {  	[sflag:s25] =	ssyncset.done $0x0  }
0xb8: {  	s0 =	simm.s32 $0x8070;
	[sflag:s25] =	ssyncadd.s32 $0xFFFF8000  }
0xb9: {  	[tilespmem:s2], [sflag:$0x1] =	stream.linear.gather [hbm4b:s7+s2], $0x8000, $0x38;
	[tilespmem:$0x11100] =	vst v63  }
0xba: {  	v3 =	vld [tilespmem:s0+$0x0]  }
0xbb: {  	v4 =	vld [tilespmem:s0+$0xFFFFFFA0]  }
0xbc: {  	v5 =	vld [tilespmem:s0+$0xFFFFFFB0]  }
0xbd: {  	v7 =	vld [tilespmem:s0+$0xFFFFFFD0]  }
0xbe: {  	v8 =	vld [tilespmem:s0+$0xFFFFFFE0]  }
0xbf: {  	v9 =	vld [tilespmem:s0+$0xFFFFFFF0]  }
0xc0: {  	v10 =	vld [tilespmem:s0+$0xFFFFFF90];
	v3 =	vmul.f32 $2.560000000e+02, v3;
	v4 =	vmul.f32 $2.560000000e+02, v4  }
0xc1: {  	v6 =	vld [tilespmem:s0+$0xFFFFFFC0];
	v5 =	vmul.f32 $2.560000000e+02, v5  }
0xc2: {  	v3 =	vtrunc.f32 v3;
	v11 =	vtrunc.f32 v4  }
0xc3: {  	v4 =	vmul.f32 $2.560000000e+02, v7;
	v3 =	vcvt.f32.s32 v3  }
0xc4: {  	v7 =	vtrunc.f32 v5;
	v5 =	vmul.f32 $2.560000000e+02, v8  }
0xc5: {  	v8 =	vmul.f32 $2.560000000e+02, v9;
	v9 =	vmul.f32 $2.560000000e+02, v10;
	v12 =	vadd.s32 v1, v3  }
0xc6: {  	v6 =	vmul.f32 $2.560000000e+02, v6  }
0xc7: {  	v7 =	vcvt.f32.s32 v7;
	v9 =	vtrunc.f32 v9  }
0xc8: {  	v3 =	vtrunc.f32 v6;
	v6 =	vtrunc.f32 v4  }
0xc9: {  	v4 =	vtrunc.f32 v8;
	v8 =	vcvt.f32.s32 v11  }
0xca: {  	s1 =	simm.s32 $0x80F0;
	s0 =	simm.s32 $0x0;
	v5 =	vtrunc.f32 v5;
	v9 =	vcvt.f32.s32 v9;
	[tilespmem:v12+s24+$0x0] =	vst.idx.add.f32.msk $0xffff, v2  }
.LBB2_10:
0xcb: {  	v10 =	vld [tilespmem:s1+$0x0];
	s0 =	sadd.s32 $0x8, s0;
	v8 =	vadd.s32 v1, v8;
	v3 =	vcvt.f32.s32 v3;
	v6 =	vcvt.f32.s32 v6  }
0xcc: {  	v5 =	vcvt.f32.s32 v5;
	v4 =	vcvt.f32.s32 v4;
	v11 =	vld [tilespmem:s1+$0xFFFFFFA0];
	p0 =	slt.u32 s0, $0x7F8;
	v9 =	vadd.s32 v1, v9  }
0xcd: {  	v7 =	vadd.s32 v1, v7;
	v12 =	vld [tilespmem:s1+$0xFFFFFFB0];
	v13 =	vadd.s32 v1, v3;
	v14 =	vadd.s32 v1, v6  }
0xce: {  	v15 =	vadd.s32 v1, v5;
	v16 =	vadd.s32 v1, v4;
	v3 =	vld [tilespmem:s1+$0xFFFFFFC0]  }
0xcf: {  	v4 =	vld [tilespmem:s1+$0xFFFFFFD0]  }
0xd0: {  	v5 =	vld [tilespmem:s1+$0xFFFFFFE0];
	v6 =	vmul.f32 $2.560000000e+02, v10  }
0xd1: {  	v10 =	vmul.f32 $2.560000000e+02, v11;
	v11 =	vld [tilespmem:s1+$0xFFFFFFF0]  }
0xd2: {  	v17 =	vld [tilespmem:s1+$0xFFFFFF90];
	v12 =	vmul.f32 $2.560000000e+02, v12;
	v6 =	vtrunc.f32 v6  }
0xd3: {  	v3 =	vmul.f32 $2.560000000e+02, v3;
	v6 =	vcvt.f32.s32 v6;
	[tilespmem:v9+s24+$0x0] =	vst.idx.add.f32.msk $0xffff, v2  }
0xd4: {  	v9 =	vtrunc.f32 v10;
	v4 =	vmul.f32 $2.560000000e+02, v4;
	[tilespmem:v8+s24+$0x0] =	vst.idx.add.f32.msk $0xffff, v2  }
0xd5: {  	v10 =	vtrunc.f32 v12;
	v5 =	vmul.f32 $2.560000000e+02, v5;
	v12 =	vadd.s32 v1, v6;
	[tilespmem:v7+s24+$0x0] =	vst.idx.add.f32.msk $0xffff, v2  }
.Ltmp4:
0xd6: {  	v3 =	vtrunc.f32 v3;
	v7 =	vmul.f32 $2.560000000e+02, v11;
	[tilespmem:v13+s24+$0x0] =	vst.idx.add.f32.msk $0xffff, v2;
	(pc) =	sbr.rel @p0 .LBB2_10-.Ltmp4, $4  }
0xd7: {  	v6 =	vtrunc.f32 v4;
	v8 =	vmul.f32 $2.560000000e+02, v17;
	[tilespmem:v14+s24+$0x0] =	vst.idx.add.f32.msk $0xffff, v2  }
0xd8: {  	v5 =	vtrunc.f32 v5;
	v4 =	vtrunc.f32 v7;
	[tilespmem:v15+s24+$0x0] =	vst.idx.add.f32.msk $0xffff, v2  }
0xd9: {  	v7 =	vtrunc.f32 v8;
	v8 =	vcvt.f32.s32 v9;
	[tilespmem:v16+s24+$0x0] =	vst.idx.add.f32.msk $0xffff, v2  }
0xda: {  	s1 =	sadd.s32 $0x80, s1;
	v9 =	vcvt.f32.s32 v7;
	v7 =	vcvt.f32.s32 v10;
	[tilespmem:v12+s24+$0x0] =	vst.idx.add.f32.msk $0xffff, v2  }
0xdb: {  	v8 =	vadd.s32 v1, v8  }
0xdc: {  	v3 =	vcvt.f32.s32 v3;
	v9 =	vadd.s32 v1, v9  }
0xdd: {  	v6 =	vcvt.f32.s32 v6;
	v7 =	vadd.s32 v1, v7  }
0xde: {  	v5 =	vcvt.f32.s32 v5;
	v3 =	vadd.s32 v1, v3  }
0xdf: {  	v4 =	vcvt.f32.s32 v4;
	v6 =	vadd.s32 v1, v6  }
0xe0: {  	v5 =	vadd.s32 v1, v5;
	[tilespmem:v8+s24+$0x0] =	vst.idx.add.f32.msk $0xffff, v2  }
0xe1: {  	v4 =	vadd.s32 v1, v4;
	[tilespmem:v9+s24+$0x0] =	vst.idx.add.f32.msk $0xffff, v2  }
0xe2: {  	[tilespmem:v7+s24+$0x0] =	vst.idx.add.f32.msk $0xffff, v2  }
0xe3: {  	[tilespmem:v3+s24+$0x0] =	vst.idx.add.f32.msk $0xffff, v2  }
0xe4: {  	[tilespmem:v6+s24+$0x0] =	vst.idx.add.f32.msk $0xffff, v2  }
0xe5: {  	[tilespmem:v5+s24+$0x0] =	vst.idx.add.f32.msk $0xffff, v2  }
0xe6: {  	[tilespmem:v4+s24+$0x0] =	vst.idx.add.f32.msk $0xffff, v2  }
0xe7: {  	_ =	swait.ge [sflag:s22], $0x8000  }
0xe8: {  	[sflag:s22] =	ssyncset.done $0x0  }
0xe9: {  	s0 =	simm.s32 $0x40;
	[sflag:s22] =	ssyncadd.s32 $0xFFFF8000  }
0xea: {  	[tilespmem:s23], [sflag:$0x2] =	stream.linear.gather [hbm4b:s8+s2], $0x8000, $0x38;
	[tilespmem:$0x11100] =	vst v63  }
0xeb: {  	v3 =	vld [tilespmem:s0+$0x30]  }
0xec: {  	v4 =	vld [tilespmem:s0+$0xFFFFFFD0]  }
0xed: {  	v5 =	vld [tilespmem:s0+$0xFFFFFFE0]  }
0xee: {  	v7 =	vld [tilespmem:s0+$0x0]  }
0xef: {  	v8 =	vld [tilespmem:s0+$0x10]  }
0xf0: {  	v9 =	vld [tilespmem:s0+$0x20]  }
0xf1: {  	v10 =	vld [tilespmem:s0+$0xFFFFFFC0];
	v3 =	vmul.f32 $2.560000000e+02, v3;
	v4 =	vmul.f32 $2.560000000e+02, v4  }
0xf2: {  	v6 =	vld [tilespmem:s0+$0xFFFFFFF0];
	v5 =	vmul.f32 $2.560000000e+02, v5  }
0xf3: {  	v3 =	vtrunc.f32 v3;
	v11 =	vtrunc.f32 v4  }
0xf4: {  	v4 =	vmul.f32 $2.560000000e+02, v7;
	v3 =	vcvt.f32.s32 v3  }
0xf5: {  	v7 =	vtrunc.f32 v5;
	v5 =	vmul.f32 $2.560000000e+02, v8  }
0xf6: {  	v8 =	vmul.f32 $2.560000000e+02, v9;
	v9 =	vmul.f32 $2.560000000e+02, v10;
	v12 =	vadd.s32 v1, v3  }
0xf7: {  	v6 =	vmul.f32 $2.560000000e+02, v6  }
0xf8: {  	v7 =	vcvt.f32.s32 v7;
	v9 =	vtrunc.f32 v9  }
0xf9: {  	v3 =	vtrunc.f32 v6;
	v6 =	vtrunc.f32 v4  }
0xfa: {  	v4 =	vtrunc.f32 v8;
	v8 =	vcvt.f32.s32 v11  }
0xfb: {  	s1 =	simm.s32 $0xC0;
	s0 =	simm.s32 $0x0;
	v5 =	vtrunc.f32 v5;
	v9 =	vcvt.f32.s32 v9;
	[tilespmem:v12+s24+$0x0] =	vst.idx.add.f32.msk $0xffff, v2  }
.LBB2_12:
0xfc: {  	v10 =	vld [tilespmem:s1+$0x30];
	s0 =	sadd.s32 $0x8, s0;
	v8 =	vadd.s32 v1, v8;
	v3 =	vcvt.f32.s32 v3;
	v6 =	vcvt.f32.s32 v6  }
0xfd: {  	v5 =	vcvt.f32.s32 v5;
	v4 =	vcvt.f32.s32 v4;
	v11 =	vld [tilespmem:s1+$0xFFFFFFD0];
	p0 =	slt.u32 s0, $0x7F8;
	v9 =	vadd.s32 v1, v9  }
0xfe: {  	v7 =	vadd.s32 v1, v7;
	v12 =	vld [tilespmem:s1+$0xFFFFFFE0];
	v13 =	vadd.s32 v1, v3;
	v14 =	vadd.s32 v1, v6  }
0xff: {  	v15 =	vadd.s32 v1, v5;
	v16 =	vadd.s32 v1, v4;
	v3 =	vld [tilespmem:s1+$0xFFFFFFF0]  }
0x100: {  	v4 =	vld [tilespmem:s1+$0x0]  }
0x101: {  	v5 =	vld [tilespmem:s1+$0x10];
	v6 =	vmul.f32 $2.560000000e+02, v10  }
0x102: {  	v10 =	vmul.f32 $2.560000000e+02, v11;
	v11 =	vld [tilespmem:s1+$0x20]  }
0x103: {  	v17 =	vld [tilespmem:s1+$0xFFFFFFC0];
	v12 =	vmul.f32 $2.560000000e+02, v12;
	v6 =	vtrunc.f32 v6  }
0x104: {  	v3 =	vmul.f32 $2.560000000e+02, v3;
	v6 =	vcvt.f32.s32 v6;
	[tilespmem:v9+s24+$0x0] =	vst.idx.add.f32.msk $0xffff, v2  }
0x105: {  	v9 =	vtrunc.f32 v10;
	v4 =	vmul.f32 $2.560000000e+02, v4;
	[tilespmem:v8+s24+$0x0] =	vst.idx.add.f32.msk $0xffff, v2  }
0x106: {  	v10 =	vtrunc.f32 v12;
	v5 =	vmul.f32 $2.560000000e+02, v5;
	v12 =	vadd.s32 v1, v6;
	[tilespmem:v7+s24+$0x0] =	vst.idx.add.f32.msk $0xffff, v2  }
.Ltmp5:
0x107: {  	v3 =	vtrunc.f32 v3;
	v7 =	vmul.f32 $2.560000000e+02, v11;
	[tilespmem:v13+s24+$0x0] =	vst.idx.add.f32.msk $0xffff, v2;
	(pc) =	sbr.rel @p0 .LBB2_12-.Ltmp5, $4  }
0x108: {  	v6 =	vtrunc.f32 v4;
	v8 =	vmul.f32 $2.560000000e+02, v17;
	[tilespmem:v14+s24+$0x0] =	vst.idx.add.f32.msk $0xffff, v2  }
0x109: {  	v5 =	vtrunc.f32 v5;
	v4 =	vtrunc.f32 v7;
	[tilespmem:v15+s24+$0x0] =	vst.idx.add.f32.msk $0xffff, v2  }
0x10a: {  	v7 =	vtrunc.f32 v8;
	v8 =	vcvt.f32.s32 v9;
	[tilespmem:v16+s24+$0x0] =	vst.idx.add.f32.msk $0xffff, v2  }
0x10b: {  	s1 =	sadd.s32 $0x80, s1;
	v9 =	vcvt.f32.s32 v7;
	v7 =	vcvt.f32.s32 v10;
	[tilespmem:v12+s24+$0x0] =	vst.idx.add.f32.msk $0xffff, v2  }
0x10c: {  	v8 =	vadd.s32 v1, v8  }
0x10d: {  	v3 =	vcvt.f32.s32 v3;
	v9 =	vadd.s32 v1, v9  }
0x10e: {  	v6 =	vcvt.f32.s32 v6;
	v7 =	vadd.s32 v1, v7  }
0x10f: {  	v5 =	vcvt.f32.s32 v5;
	v3 =	vadd.s32 v1, v3  }
0x110: {  	v4 =	vcvt.f32.s32 v4;
	v6 =	vadd.s32 v1, v6  }
0x111: {  	v5 =	vadd.s32 v1, v5;
	[tilespmem:v8+s24+$0x0] =	vst.idx.add.f32.msk $0xffff, v2  }
0x112: {  	v4 =	vadd.s32 v1, v4;
	[tilespmem:v9+s24+$0x0] =	vst.idx.add.f32.msk $0xffff, v2  }
0x113: {  	[tilespmem:v7+s24+$0x0] =	vst.idx.add.f32.msk $0xffff, v2  }
0x114: {  	[tilespmem:v3+s24+$0x0] =	vst.idx.add.f32.msk $0xffff, v2  }
0x115: {  	[tilespmem:v6+s24+$0x0] =	vst.idx.add.f32.msk $0xffff, v2  }
0x116: {  	[tilespmem:v5+s24+$0x0] =	vst.idx.add.f32.msk $0xffff, v2  }
0x117: {  	[tilespmem:v4+s24+$0x0] =	vst.idx.add.f32.msk $0xffff, v2  }
0x118: {  	_ =	swait.ge [sflag:s25], $0x8000  }
0x119: {  	[sflag:s25] =	ssyncset.done $0x0  }
0x11a: {  	s0 =	simm.s32 $0x8070;
	[sflag:s25] =	ssyncadd.s32 $0xFFFF8000  }
0x11b: {  	[tilespmem:s2], [sflag:$0x1] =	stream.linear.gather [hbm4b:s9+s2], $0x8000, $0x38;
	[tilespmem:$0x11100] =	vst v63  }
0x11c: {  	v3 =	vld [tilespmem:s0+$0x0]  }
0x11d: {  	v4 =	vld [tilespmem:s0+$0xFFFFFFA0]  }
0x11e: {  	v5 =	vld [tilespmem:s0+$0xFFFFFFB0]  }
0x11f: {  	v7 =	vld [tilespmem:s0+$0xFFFFFFD0]  }
0x120: {  	v8 =	vld [tilespmem:s0+$0xFFFFFFE0]  }
0x121: {  	v9 =	vld [tilespmem:s0+$0xFFFFFFF0]  }
0x122: {  	v10 =	vld [tilespmem:s0+$0xFFFFFF90];
	v3 =	vmul.f32 $2.560000000e+02, v3;
	v4 =	vmul.f32 $2.560000000e+02, v4  }
0x123: {  	v6 =	vld [tilespmem:s0+$0xFFFFFFC0];
	v5 =	vmul.f32 $2.560000000e+02, v5  }
0x124: {  	v3 =	vtrunc.f32 v3;
	v11 =	vtrunc.f32 v4  }
0x125: {  	v4 =	vmul.f32 $2.560000000e+02, v7;
	v3 =	vcvt.f32.s32 v3  }
0x126: {  	v7 =	vtrunc.f32 v5;
	v5 =	vmul.f32 $2.560000000e+02, v8  }
0x127: {  	v8 =	vmul.f32 $2.560000000e+02, v9;
	v9 =	vmul.f32 $2.560000000e+02, v10;
	v12 =	vadd.s32 v1, v3  }
0x128: {  	v6 =	vmul.f32 $2.560000000e+02, v6  }
0x129: {  	v7 =	vcvt.f32.s32 v7;
	v9 =	vtrunc.f32 v9  }
0x12a: {  	v3 =	vtrunc.f32 v6;
	v6 =	vtrunc.f32 v4  }
0x12b: {  	v4 =	vtrunc.f32 v8;
	v8 =	vcvt.f32.s32 v11  }
0x12c: {  	s1 =	simm.s32 $0x80F0;
	s0 =	simm.s32 $0x0;
	v5 =	vtrunc.f32 v5;
	v9 =	vcvt.f32.s32 v9;
	[tilespmem:v12+s24+$0x0] =	vst.idx.add.f32.msk $0xffff, v2  }
.LBB2_14:
0x12d: {  	v10 =	vld [tilespmem:s1+$0x0];
	s0 =	sadd.s32 $0x8, s0;
	v8 =	vadd.s32 v1, v8;
	v3 =	vcvt.f32.s32 v3;
	v6 =	vcvt.f32.s32 v6  }
0x12e: {  	v5 =	vcvt.f32.s32 v5;
	v4 =	vcvt.f32.s32 v4;
	v11 =	vld [tilespmem:s1+$0xFFFFFFA0];
	p0 =	slt.u32 s0, $0x7F8;
	v9 =	vadd.s32 v1, v9  }
0x12f: {  	v7 =	vadd.s32 v1, v7;
	v12 =	vld [tilespmem:s1+$0xFFFFFFB0];
	v13 =	vadd.s32 v1, v3;
	v14 =	vadd.s32 v1, v6  }
0x130: {  	v15 =	vadd.s32 v1, v5;
	v16 =	vadd.s32 v1, v4;
	v3 =	vld [tilespmem:s1+$0xFFFFFFC0]  }
0x131: {  	v4 =	vld [tilespmem:s1+$0xFFFFFFD0]  }
0x132: {  	v5 =	vld [tilespmem:s1+$0xFFFFFFE0];
	v6 =	vmul.f32 $2.560000000e+02, v10  }
0x133: {  	v10 =	vmul.f32 $2.560000000e+02, v11;
	v11 =	vld [tilespmem:s1+$0xFFFFFFF0]  }
0x134: {  	v17 =	vld [tilespmem:s1+$0xFFFFFF90];
	v12 =	vmul.f32 $2.560000000e+02, v12;
	v6 =	vtrunc.f32 v6  }
0x135: {  	v3 =	vmul.f32 $2.560000000e+02, v3;
	v6 =	vcvt.f32.s32 v6;
	[tilespmem:v9+s24+$0x0] =	vst.idx.add.f32.msk $0xffff, v2  }
0x136: {  	v9 =	vtrunc.f32 v10;
	v4 =	vmul.f32 $2.560000000e+02, v4;
	[tilespmem:v8+s24+$0x0] =	vst.idx.add.f32.msk $0xffff, v2  }
0x137: {  	v10 =	vtrunc.f32 v12;
	v5 =	vmul.f32 $2.560000000e+02, v5;
	v12 =	vadd.s32 v1, v6;
	[tilespmem:v7+s24+$0x0] =	vst.idx.add.f32.msk $0xffff, v2  }
.Ltmp6:
0x138: {  	v3 =	vtrunc.f32 v3;
	v7 =	vmul.f32 $2.560000000e+02, v11;
	[tilespmem:v13+s24+$0x0] =	vst.idx.add.f32.msk $0xffff, v2;
	(pc) =	sbr.rel @p0 .LBB2_14-.Ltmp6, $4  }
0x139: {  	v6 =	vtrunc.f32 v4;
	v8 =	vmul.f32 $2.560000000e+02, v17;
	[tilespmem:v14+s24+$0x0] =	vst.idx.add.f32.msk $0xffff, v2  }
0x13a: {  	v5 =	vtrunc.f32 v5;
	v4 =	vtrunc.f32 v7;
	[tilespmem:v15+s24+$0x0] =	vst.idx.add.f32.msk $0xffff, v2  }
0x13b: {  	v7 =	vtrunc.f32 v8;
	v8 =	vcvt.f32.s32 v9;
	[tilespmem:v16+s24+$0x0] =	vst.idx.add.f32.msk $0xffff, v2  }
0x13c: {  	s1 =	sadd.s32 $0x80, s1;
	v9 =	vcvt.f32.s32 v7;
	v7 =	vcvt.f32.s32 v10;
	[tilespmem:v12+s24+$0x0] =	vst.idx.add.f32.msk $0xffff, v2  }
0x13d: {  	v8 =	vadd.s32 v1, v8  }
0x13e: {  	v3 =	vcvt.f32.s32 v3;
	v9 =	vadd.s32 v1, v9  }
0x13f: {  	v6 =	vcvt.f32.s32 v6;
	v7 =	vadd.s32 v1, v7  }
0x140: {  	v5 =	vcvt.f32.s32 v5;
	v3 =	vadd.s32 v1, v3  }
0x141: {  	v4 =	vcvt.f32.s32 v4;
	v6 =	vadd.s32 v1, v6  }
0x142: {  	v5 =	vadd.s32 v1, v5;
	[tilespmem:v8+s24+$0x0] =	vst.idx.add.f32.msk $0xffff, v2  }
0x143: {  	v4 =	vadd.s32 v1, v4;
	[tilespmem:v9+s24+$0x0] =	vst.idx.add.f32.msk $0xffff, v2  }
0x144: {  	[tilespmem:v7+s24+$0x0] =	vst.idx.add.f32.msk $0xffff, v2  }
0x145: {  	[tilespmem:v3+s24+$0x0] =	vst.idx.add.f32.msk $0xffff, v2  }
0x146: {  	[tilespmem:v6+s24+$0x0] =	vst.idx.add.f32.msk $0xffff, v2  }
0x147: {  	[tilespmem:v5+s24+$0x0] =	vst.idx.add.f32.msk $0xffff, v2  }
0x148: {  	[tilespmem:v4+s24+$0x0] =	vst.idx.add.f32.msk $0xffff, v2  }
0x149: {  	_ =	swait.ge [sflag:s22], $0x8000  }
0x14a: {  	[sflag:s22] =	ssyncset.done $0x0  }
0x14b: {  	s0 =	simm.s32 $0x40;
	[sflag:s22] =	ssyncadd.s32 $0xFFFF8000  }
0x14c: {  	[tilespmem:s23], [sflag:$0x2] =	stream.linear.gather [hbm4b:s10+s2], $0x8000, $0x38;
	[tilespmem:$0x11100] =	vst v63  }
0x14d: {  	v3 =	vld [tilespmem:s0+$0x30]  }
0x14e: {  	v4 =	vld [tilespmem:s0+$0xFFFFFFD0]  }
0x14f: {  	v5 =	vld [tilespmem:s0+$0xFFFFFFE0]  }
0x150: {  	v7 =	vld [tilespmem:s0+$0x0]  }
0x151: {  	v8 =	vld [tilespmem:s0+$0x10]  }
0x152: {  	v9 =	vld [tilespmem:s0+$0x20]  }
0x153: {  	v10 =	vld [tilespmem:s0+$0xFFFFFFC0];
	v3 =	vmul.f32 $2.560000000e+02, v3;
	v4 =	vmul.f32 $2.560000000e+02, v4  }
0x154: {  	v6 =	vld [tilespmem:s0+$0xFFFFFFF0];
	v5 =	vmul.f32 $2.560000000e+02, v5  }
0x155: {  	v3 =	vtrunc.f32 v3;
	v11 =	vtrunc.f32 v4  }
0x156: {  	v4 =	vmul.f32 $2.560000000e+02, v7;
	v3 =	vcvt.f32.s32 v3  }
0x157: {  	v7 =	vtrunc.f32 v5;
	v5 =	vmul.f32 $2.560000000e+02, v8  }
0x158: {  	v8 =	vmul.f32 $2.560000000e+02, v9;
	v9 =	vmul.f32 $2.560000000e+02, v10;
	v12 =	vadd.s32 v1, v3  }
0x159: {  	v6 =	vmul.f32 $2.560000000e+02, v6  }
0x15a: {  	v7 =	vcvt.f32.s32 v7;
	v9 =	vtrunc.f32 v9  }
0x15b: {  	v3 =	vtrunc.f32 v6;
	v6 =	vtrunc.f32 v4  }
0x15c: {  	v4 =	vtrunc.f32 v8;
	v8 =	vcvt.f32.s32 v11  }
0x15d: {  	s1 =	simm.s32 $0xC0;
	s0 =	simm.s32 $0x0;
	v5 =	vtrunc.f32 v5;
	v9 =	vcvt.f32.s32 v9;
	[tilespmem:v12+s24+$0x0] =	vst.idx.add.f32.msk $0xffff, v2  }
.LBB2_16:
0x15e: {  	v10 =	vld [tilespmem:s1+$0x30];
	s0 =	sadd.s32 $0x8, s0;
	v8 =	vadd.s32 v1, v8;
	v3 =	vcvt.f32.s32 v3;
	v6 =	vcvt.f32.s32 v6  }
0x15f: {  	v5 =	vcvt.f32.s32 v5;
	v4 =	vcvt.f32.s32 v4;
	v11 =	vld [tilespmem:s1+$0xFFFFFFD0];
	p0 =	slt.u32 s0, $0x7F8;
	v9 =	vadd.s32 v1, v9  }
0x160: {  	v7 =	vadd.s32 v1, v7;
	v12 =	vld [tilespmem:s1+$0xFFFFFFE0];
	v13 =	vadd.s32 v1, v3;
	v14 =	vadd.s32 v1, v6  }
0x161: {  	v15 =	vadd.s32 v1, v5;
	v16 =	vadd.s32 v1, v4;
	v3 =	vld [tilespmem:s1+$0xFFFFFFF0]  }
0x162: {  	v4 =	vld [tilespmem:s1+$0x0]  }
0x163: {  	v5 =	vld [tilespmem:s1+$0x10];
	v6 =	vmul.f32 $2.560000000e+02, v10  }
0x164: {  	v10 =	vmul.f32 $2.560000000e+02, v11;
	v11 =	vld [tilespmem:s1+$0x20]  }
0x165: {  	v17 =	vld [tilespmem:s1+$0xFFFFFFC0];
	v12 =	vmul.f32 $2.560000000e+02, v12;
	v6 =	vtrunc.f32 v6  }
0x166: {  	v3 =	vmul.f32 $2.560000000e+02, v3;
	v6 =	vcvt.f32.s32 v6;
	[tilespmem:v9+s24+$0x0] =	vst.idx.add.f32.msk $0xffff, v2  }
0x167: {  	v9 =	vtrunc.f32 v10;
	v4 =	vmul.f32 $2.560000000e+02, v4;
	[tilespmem:v8+s24+$0x0] =	vst.idx.add.f32.msk $0xffff, v2  }
0x168: {  	v10 =	vtrunc.f32 v12;
	v5 =	vmul.f32 $2.560000000e+02, v5;
	v12 =	vadd.s32 v1, v6;
	[tilespmem:v7+s24+$0x0] =	vst.idx.add.f32.msk $0xffff, v2  }
.Ltmp7:
0x169: {  	v3 =	vtrunc.f32 v3;
	v7 =	vmul.f32 $2.560000000e+02, v11;
	[tilespmem:v13+s24+$0x0] =	vst.idx.add.f32.msk $0xffff, v2;
	(pc) =	sbr.rel @p0 .LBB2_16-.Ltmp7, $4  }
0x16a: {  	v6 =	vtrunc.f32 v4;
	v8 =	vmul.f32 $2.560000000e+02, v17;
	[tilespmem:v14+s24+$0x0] =	vst.idx.add.f32.msk $0xffff, v2  }
0x16b: {  	v5 =	vtrunc.f32 v5;
	v4 =	vtrunc.f32 v7;
	[tilespmem:v15+s24+$0x0] =	vst.idx.add.f32.msk $0xffff, v2  }
0x16c: {  	v7 =	vtrunc.f32 v8;
	v8 =	vcvt.f32.s32 v9;
	[tilespmem:v16+s24+$0x0] =	vst.idx.add.f32.msk $0xffff, v2  }
0x16d: {  	s1 =	sadd.s32 $0x80, s1;
	v9 =	vcvt.f32.s32 v7;
	v7 =	vcvt.f32.s32 v10;
	[tilespmem:v12+s24+$0x0] =	vst.idx.add.f32.msk $0xffff, v2  }
0x16e: {  	v8 =	vadd.s32 v1, v8  }
0x16f: {  	v3 =	vcvt.f32.s32 v3;
	v9 =	vadd.s32 v1, v9  }
0x170: {  	v6 =	vcvt.f32.s32 v6;
	v7 =	vadd.s32 v1, v7  }
0x171: {  	v5 =	vcvt.f32.s32 v5;
	v3 =	vadd.s32 v1, v3  }
0x172: {  	v4 =	vcvt.f32.s32 v4;
	v6 =	vadd.s32 v1, v6  }
0x173: {  	v5 =	vadd.s32 v1, v5;
	[tilespmem:v8+s24+$0x0] =	vst.idx.add.f32.msk $0xffff, v2  }
0x174: {  	v4 =	vadd.s32 v1, v4;
	[tilespmem:v9+s24+$0x0] =	vst.idx.add.f32.msk $0xffff, v2  }
0x175: {  	[tilespmem:v7+s24+$0x0] =	vst.idx.add.f32.msk $0xffff, v2  }
0x176: {  	[tilespmem:v3+s24+$0x0] =	vst.idx.add.f32.msk $0xffff, v2  }
0x177: {  	[tilespmem:v6+s24+$0x0] =	vst.idx.add.f32.msk $0xffff, v2  }
0x178: {  	[tilespmem:v5+s24+$0x0] =	vst.idx.add.f32.msk $0xffff, v2  }
0x179: {  	[tilespmem:v4+s24+$0x0] =	vst.idx.add.f32.msk $0xffff, v2  }
0x17a: {  	_ =	swait.ge [sflag:s25], $0x8000  }
0x17b: {  	[sflag:s25] =	ssyncset.done $0x0  }
0x17c: {  	s0 =	simm.s32 $0x8070;
	[sflag:s25] =	ssyncadd.s32 $0xFFFF8000  }
0x17d: {  	[tilespmem:s2], [sflag:$0x1] =	stream.linear.gather [hbm4b:s11+s2], $0x8000, $0x38;
	[tilespmem:$0x11100] =	vst v63  }
0x17e: {  	v3 =	vld [tilespmem:s0+$0x0]  }
0x17f: {  	v4 =	vld [tilespmem:s0+$0xFFFFFFA0]  }
0x180: {  	v5 =	vld [tilespmem:s0+$0xFFFFFFB0]  }
0x181: {  	v7 =	vld [tilespmem:s0+$0xFFFFFFD0]  }
0x182: {  	v8 =	vld [tilespmem:s0+$0xFFFFFFE0]  }
0x183: {  	v9 =	vld [tilespmem:s0+$0xFFFFFFF0]  }
0x184: {  	v10 =	vld [tilespmem:s0+$0xFFFFFF90];
	v3 =	vmul.f32 $2.560000000e+02, v3;
	v4 =	vmul.f32 $2.560000000e+02, v4  }
0x185: {  	v6 =	vld [tilespmem:s0+$0xFFFFFFC0];
	v5 =	vmul.f32 $2.560000000e+02, v5  }
0x186: {  	v3 =	vtrunc.f32 v3;
	v11 =	vtrunc.f32 v4  }
0x187: {  	v4 =	vmul.f32 $2.560000000e+02, v7;
	v3 =	vcvt.f32.s32 v3  }
0x188: {  	v7 =	vtrunc.f32 v5;
	v5 =	vmul.f32 $2.560000000e+02, v8  }
0x189: {  	v8 =	vmul.f32 $2.560000000e+02, v9;
	v9 =	vmul.f32 $2.560000000e+02, v10;
	v12 =	vadd.s32 v1, v3  }
0x18a: {  	v6 =	vmul.f32 $2.560000000e+02, v6  }
0x18b: {  	v7 =	vcvt.f32.s32 v7;
	v9 =	vtrunc.f32 v9  }
0x18c: {  	v3 =	vtrunc.f32 v6;
	v6 =	vtrunc.f32 v4  }
0x18d: {  	s26 =	simm.s32 $0x0;
	v4 =	vtrunc.f32 v8;
	v8 =	vcvt.f32.s32 v11  }
0x18e: {  	s1 =	simm.s32 $0x11010;
	s28 =	simm.s32 $0x80F0;
	s0 =	simm.s32 $0x10810;
	v5 =	vtrunc.f32 v5;
	v9 =	vcvt.f32.s32 v9;
	[tilespmem:v12+s24+$0x0] =	vst.idx.add.f32.msk $0xffff, v2  }
.LBB2_18:
0x18f: {  	v10 =	vld [tilespmem:s28+$0x0];
	s26 =	sadd.s32 $0x8, s26;
	v8 =	vadd.s32 v1, v8;
	v3 =	vcvt.f32.s32 v3;
	v6 =	vcvt.f32.s32 v6  }
0x190: {  	v5 =	vcvt.f32.s32 v5;
	v4 =	vcvt.f32.s32 v4;
	v11 =	vld [tilespmem:s28+$0xFFFFFFA0];
	p0 =	slt.u32 s26, $0x7F8;
	v9 =	vadd.s32 v1, v9  }
0x191: {  	v7 =	vadd.s32 v1, v7;
	v12 =	vld [tilespmem:s28+$0xFFFFFFB0];
	v13 =	vadd.s32 v1, v3;
	v14 =	vadd.s32 v1, v6  }
0x192: {  	v15 =	vadd.s32 v1, v5;
	v16 =	vadd.s32 v1, v4;
	v3 =	vld [tilespmem:s28+$0xFFFFFFC0]  }
0x193: {  	v4 =	vld [tilespmem:s28+$0xFFFFFFD0]  }
0x194: {  	v5 =	vld [tilespmem:s28+$0xFFFFFFE0];
	v6 =	vmul.f32 $2.560000000e+02, v10  }
0x195: {  	v10 =	vmul.f32 $2.560000000e+02, v11;
	v11 =	vld [tilespmem:s28+$0xFFFFFFF0]  }
0x196: {  	v17 =	vld [tilespmem:s28+$0xFFFFFF90];
	v12 =	vmul.f32 $2.560000000e+02, v12;
	v6 =	vtrunc.f32 v6  }
0x197: {  	v3 =	vmul.f32 $2.560000000e+02, v3;
	v6 =	vcvt.f32.s32 v6;
	[tilespmem:v9+s24+$0x0] =	vst.idx.add.f32.msk $0xffff, v2  }
0x198: {  	v9 =	vtrunc.f32 v10;
	v4 =	vmul.f32 $2.560000000e+02, v4;
	[tilespmem:v8+s24+$0x0] =	vst.idx.add.f32.msk $0xffff, v2  }
0x199: {  	v10 =	vtrunc.f32 v12;
	v5 =	vmul.f32 $2.560000000e+02, v5;
	v12 =	vadd.s32 v1, v6;
	[tilespmem:v7+s24+$0x0] =	vst.idx.add.f32.msk $0xffff, v2  }
.Ltmp8:
0x19a: {  	v3 =	vtrunc.f32 v3;
	v7 =	vmul.f32 $2.560000000e+02, v11;
	[tilespmem:v13+s24+$0x0] =	vst.idx.add.f32.msk $0xffff, v2;
	(pc) =	sbr.rel @p0 .LBB2_18-.Ltmp8, $4  }
0x19b: {  	v6 =	vtrunc.f32 v4;
	v8 =	vmul.f32 $2.560000000e+02, v17;
	[tilespmem:v14+s24+$0x0] =	vst.idx.add.f32.msk $0xffff, v2  }
0x19c: {  	v5 =	vtrunc.f32 v5;
	v4 =	vtrunc.f32 v7;
	[tilespmem:v15+s24+$0x0] =	vst.idx.add.f32.msk $0xffff, v2  }
0x19d: {  	s29 =	simm.s32 $0x0;
	v7 =	vtrunc.f32 v8;
	v8 =	vcvt.f32.s32 v9;
	[tilespmem:v16+s24+$0x0] =	vst.idx.add.f32.msk $0xffff, v2  }
0x19e: {  	s28 =	sadd.s32 $0x80, s28;
	v9 =	vcvt.f32.s32 v7;
	v7 =	vcvt.f32.s32 v10;
	[tilespmem:v12+s24+$0x0] =	vst.idx.add.f32.msk $0xffff, v2  }
0x19f: {  	v8 =	vadd.s32 v1, v8  }
0x1a0: {  	v3 =	vcvt.f32.s32 v3;
	v9 =	vadd.s32 v1, v9  }
0x1a1: {  	v6 =	vcvt.f32.s32 v6;
	v7 =	vadd.s32 v1, v7  }
0x1a2: {  	v5 =	vcvt.f32.s32 v5;
	v3 =	vadd.s32 v1, v3  }
0x1a3: {  	v4 =	vcvt.f32.s32 v4;
	v6 =	vadd.s32 v1, v6  }
0x1a4: {  	v5 =	vadd.s32 v1, v5;
	[tilespmem:v8+s24+$0x0] =	vst.idx.add.f32.msk $0xffff, v2  }
0x1a5: {  	v4 =	vadd.s32 v1, v4;
	[tilespmem:v9+s24+$0x0] =	vst.idx.add.f32.msk $0xffff, v2  }
0x1a6: {  	[tilespmem:v7+s24+$0x0] =	vst.idx.add.f32.msk $0xffff, v2  }
0x1a7: {  	[tilespmem:v3+s24+$0x0] =	vst.idx.add.f32.msk $0xffff, v2  }
0x1a8: {  	[tilespmem:v6+s24+$0x0] =	vst.idx.add.f32.msk $0xffff, v2  }
0x1a9: {  	[tilespmem:v5+s24+$0x0] =	vst.idx.add.f32.msk $0xffff, v2  }
0x1aa: {  	[tilespmem:v4+s24+$0x0] =	vst.idx.add.f32.msk $0xffff, v2  }
0x1ab: {  	s26 =	sand.u32 $0xE0, s29;
	v3 =	vld [tilespmem:s0+$0xFFFFF7F0]  }
0x1ac: {  	v4 =	vld [tilespmem:s26+$0x10100]  }
0x1ad: {  	v5 =	vld [tilespmem:s0+$0xFFFFF800]  }
0x1ae: {  	v6 =	vld [tilespmem:s26+$0x10200]  }
0x1af: {  	v7 =	vld [tilespmem:s0+$0xFFFFF900]  }
0x1b0: {  	v8 =	vld [tilespmem:s26+$0x10300]  }
0x1b1: {  	v9 =	vld [tilespmem:s0+$0xFFFFFA00]  }
0x1b2: {  	v10 =	vld [tilespmem:s26+$0x10400]  }
0x1b3: {  	v11 =	vld [tilespmem:s0+$0xFFFFFB00]  }
0x1b4: {  	v12 =	vld [tilespmem:s26+$0x10500]  }
0x1b5: {  	v13 =	vld [tilespmem:s0+$0xFFFFFC00]  }
0x1b6: {  	v14 =	vld [tilespmem:s26+$0x10600]  }
0x1b7: {  	v15 =	vld [tilespmem:s0+$0xFFFFFD00]  }
0x1b8: {  	v16 =	vld [tilespmem:s26+$0x10700]  }
0x1b9: {  	v17 =	vld [tilespmem:s0+$0xFFFFFE00]  }
0x1ba: {  	v18 =	vld [tilespmem:s26+$0x10800]  }
0x1bb: {  	v19 =	vld [tilespmem:s0+$0xFFFFFF00]  }
0x1bc: {  	v20 =	vld [tilespmem:s26+$0x10900]  }
0x1bd: {  	v21 =	vld [tilespmem:s0+$0x0]  }
0x1be: {  	v22 =	vld [tilespmem:s26+$0x10A00]  }
0x1bf: {  	v23 =	vld [tilespmem:s0+$0x100]  }
0x1c0: {  	v24 =	vld [tilespmem:s26+$0x10B00]  }
0x1c1: {  	v25 =	vld [tilespmem:s0+$0x200]  }
0x1c2: {  	v26 =	vld [tilespmem:s26+$0x10C00]  }
0x1c3: {  	v27 =	vld [tilespmem:s0+$0x300]  }
0x1c4: {  	v28 =	vld [tilespmem:s26+$0x10D00]  }
0x1c5: {  	v29 =	vld [tilespmem:s0+$0x400]  }
0x1c6: {  	v30 =	vld [tilespmem:s26+$0x10E00]  }
0x1c7: {  	v31 =	vld [tilespmem:s0+$0x500]  }
0x1c8: {  	v32 =	vld [tilespmem:s26+$0x10F00]  }
0x1c9: {  	v33 =	vld [tilespmem:s0+$0x600]  }
0x1ca: {  	s29 =	simm.s32 $0x20;
	v34 =	vld [tilespmem:s0+$0x700];
	s26 =	simm.s32 $0x10830  }
0x1cb: {  	s0 =	sand.u32 $0xE0, s29;
	v3 =	vadd.f32 v4, v3;
	v4 =	vadd.f32 v7, v5;
	v5 =	vld [tilespmem:s26+$0xFFFFF7F0]  }
0x1cc: {  	v7 =	vld [tilespmem:s0+$0x10100]  }
0x1cd: {  	v3 =	vadd.f32 v6, v3;
	v6 =	vld [tilespmem:s26+$0xFFFFF800]  }
0x1ce: {  	v4 =	vadd.f32 v9, v4;
	v9 =	vld [tilespmem:s0+$0x10200]  }
0x1cf: {  	v3 =	vadd.f32 v8, v3;
	v8 =	vld [tilespmem:s26+$0xFFFFF900]  }
0x1d0: {  	v4 =	vadd.f32 v11, v4;
	v11 =	vld [tilespmem:s0+$0x10300]  }
0x1d1: {  	v5 =	vadd.f32 v7, v5;
	v3 =	vadd.f32 v10, v3;
	v10 =	vld [tilespmem:s26+$0xFFFFFA00]  }
0x1d2: {  	v7 =	vld [tilespmem:s0+$0x10400];
	v4 =	vadd.f32 v13, v4  }
0x1d3: {  	v59 =	vld [tilespmem:s26+$0xFFFFFB00];
	v5 =	vadd.f32 v9, v5;
	v3 =	vadd.f32 v12, v3  }
0x1d4: {  	v4 =	vadd.f32 v15, v4;
	v6 =	vadd.f32 v8, v6;
	v8 =	vld [tilespmem:s0+$0x10500]  }
0x1d5: {  	v9 =	vld [tilespmem:s26+$0xFFFFFC00];
	v5 =	vadd.f32 v11, v5;
	v3 =	vadd.f32 v14, v3  }
0x1d6: {  	v4 =	vadd.f32 v17, v4;
	v6 =	vadd.f32 v10, v6;
	v10 =	vld [tilespmem:s0+$0x10600]  }
0x1d7: {  	v11 =	vld [tilespmem:s26+$0xFFFFFD00];
	v5 =	vadd.f32 v7, v5;
	v3 =	vadd.f32 v16, v3  }
0x1d8: {  	v7 =	vld [tilespmem:s0+$0x10700];
	v4 =	vadd.f32 v19, v4;
	v6 =	vadd.f32 v59, v6  }
0x1d9: {  	v60 =	vld [tilespmem:s26+$0xFFFFFE00];
	v3 =	vadd.f32 v18, v3;
	v5 =	vadd.f32 v8, v5  }
0x1da: {  	v4 =	vadd.f32 v21, v4;
	v8 =	vld [tilespmem:s0+$0x10800];
	v6 =	vadd.f32 v9, v6  }
0x1db: {  	v9 =	vld [tilespmem:s26+$0xFFFFFF00];
	v3 =	vadd.f32 v20, v3;
	v5 =	vadd.f32 v10, v5  }
0x1dc: {  	v4 =	vadd.f32 v23, v4;
	v10 =	vld [tilespmem:s0+$0x10900];
	v6 =	vadd.f32 v11, v6  }
0x1dd: {  	v11 =	vld [tilespmem:s26+$0x0];
	v3 =	vadd.f32 v22, v3;
	v5 =	vadd.f32 v7, v5  }
0x1de: {  	v4 =	vadd.f32 v25, v4;
	v7 =	vld [tilespmem:s0+$0x10A00];
	v6 =	vadd.f32 v60, v6  }
0x1df: {  	v61 =	vld [tilespmem:s26+$0x100];
	v3 =	vadd.f32 v24, v3;
	v5 =	vadd.f32 v8, v5  }
0x1e0: {  	v4 =	vadd.f32 v27, v4;
	v8 =	vld [tilespmem:s0+$0x10B00];
	v6 =	vadd.f32 v9, v6  }
0x1e1: {  	v9 =	vld [tilespmem:s26+$0x200];
	v3 =	vadd.f32 v26, v3;
	v5 =	vadd.f32 v10, v5  }
0x1e2: {  	v4 =	vadd.f32 v29, v4;
	v10 =	vld [tilespmem:s0+$0x10C00];
	v6 =	vadd.f32 v11, v6  }
0x1e3: {  	v11 =	vld [tilespmem:s26+$0x300];
	v3 =	vadd.f32 v28, v3;
	v5 =	vadd.f32 v7, v5  }
0x1e4: {  	v62 =	vld [tilespmem:s0+$0x10D00];
	v4 =	vadd.f32 v31, v4;
	v6 =	vadd.f32 v61, v6  }
0x1e5: {  	v63 =	vld [tilespmem:s26+$0x400];
	v7 =	vadd.f32 v30, v3;
	v8 =	vadd.f32 v8, v5  }
0x1e6: {  	v4 =	vadd.f32 v33, v4;
	v3 =	vld [tilespmem:s0+$0x10E00];
	v6 =	vadd.f32 v9, v6  }
0x1e7: {  	v5 =	vld [tilespmem:s26+$0x500];
	v7 =	vadd.f32 v32, v7;
	v8 =	vadd.f32 v10, v8  }
0x1e8: {  	v9 =	vadd.f32 v34, v4;
	v4 =	vld [tilespmem:s0+$0x10F00];
	v6 =	vadd.f32 v11, v6  }
0x1e9: {  	[tilespmem:s1+$0xFFFFFFF0] =	vst v7;
	v7 =	vld [tilespmem:s26+$0x600];
	v8 =	vadd.f32 v62, v8  }
0x1ea: {  	s28 =	simm.s32 $0x40;
	s0 =	simm.s32 $0x2;
	[tilespmem:s1+$0x0] =	vst v9;
	v9 =	vadd.f32 v63, v6;
	v6 =	vld [tilespmem:s26+$0x700];
	s26 =	simm.s32 $0x10850  }
.LBB2_20:
0x1eb: {  	v10 =	vld [tilespmem:s26+$0xFFFFF7F0];
	s29 =	sand.u32 $0xE0, s28;
	s0 =	sadd.s32 $0x2, s0;
	v3 =	vadd.f32 v3, v8  }
0x1ec: {  	v8 =	vld [tilespmem:s29+$0x10100];
	p0 =	slt.u32 s0, $0xE;
	v5 =	vadd.f32 v5, v9  }
0x1ed: {  	v9 =	vld [tilespmem:s26+$0xFFFFF800];
	v3 =	vadd.f32 v4, v3  }
0x1ee: {  	s1 =	sadd.s32 $0x20, s1;
	v4 =	vld [tilespmem:s29+$0x10200];
	v5 =	vadd.f32 v7, v5  }
0x1ef: {  	v7 =	vld [tilespmem:s26+$0xFFFFF900];
	[tilespmem:s1+$0xFFFFFFF0] =	vst v3  }
0x1f0: {  	v3 =	vld [tilespmem:s29+$0x10300];
	v5 =	vadd.f32 v6, v5  }
0x1f1: {  	v6 =	vadd.f32 v8, v10;
	v8 =	vld [tilespmem:s26+$0xFFFFFA00]  }
0x1f2: {  	v10 =	vld [tilespmem:s29+$0x10400];
	[tilespmem:s1+$0x0] =	vst v5  }
0x1f3: {  	v4 =	vadd.f32 v4, v6;
	v5 =	vld [tilespmem:s26+$0xFFFFFB00]  }
0x1f4: {  	v6 =	vld [tilespmem:s29+$0x10500];
	v7 =	vadd.f32 v7, v9  }
0x1f5: {  	v3 =	vadd.f32 v3, v4;
	v4 =	vld [tilespmem:s26+$0xFFFFFC00]  }
0x1f6: {  	v9 =	vld [tilespmem:s29+$0x10600];
	v7 =	vadd.f32 v8, v7  }
0x1f7: {  	v3 =	vadd.f32 v10, v3;
	v8 =	vld [tilespmem:s26+$0xFFFFFD00]  }
0x1f8: {  	v10 =	vld [tilespmem:s29+$0x10700];
	v5 =	vadd.f32 v5, v7  }
0x1f9: {  	v3 =	vadd.f32 v6, v3;
	v6 =	vld [tilespmem:s26+$0xFFFFFE00]  }
0x1fa: {  	v7 =	vld [tilespmem:s29+$0x10800];
	v4 =	vadd.f32 v4, v5  }
0x1fb: {  	v3 =	vadd.f32 v9, v3;
	v5 =	vld [tilespmem:s26+$0xFFFFFF00]  }
0x1fc: {  	v9 =	vld [tilespmem:s29+$0x10900];
	v4 =	vadd.f32 v8, v4  }
0x1fd: {  	v3 =	vadd.f32 v10, v3;
	v8 =	vld [tilespmem:s26+$0x0]  }
0x1fe: {  	v10 =	vld [tilespmem:s29+$0x10A00];
	v4 =	vadd.f32 v6, v4  }
0x1ff: {  	v3 =	vadd.f32 v7, v3;
	v6 =	vld [tilespmem:s26+$0x100]  }
0x200: {  	v7 =	vld [tilespmem:s29+$0x10B00];
	v4 =	vadd.f32 v5, v4  }
0x201: {  	v3 =	vadd.f32 v9, v3;
	v5 =	vld [tilespmem:s26+$0x200]  }
0x202: {  	v9 =	vld [tilespmem:s29+$0x10C00];
	v4 =	vadd.f32 v8, v4  }
0x203: {  	v3 =	vadd.f32 v10, v3;
	v8 =	vld [tilespmem:s26+$0x300]  }
0x204: {  	v10 =	vld [tilespmem:s29+$0x10D00];
	v4 =	vadd.f32 v6, v4  }
0x205: {  	v6 =	vadd.f32 v7, v3;
	v11 =	vld [tilespmem:s26+$0x400]  }
.Ltmp9:
0x206: {  	v3 =	vld [tilespmem:s29+$0x10E00];
	v7 =	vadd.f32 v5, v4;
	(pc) =	sbr.rel @p0 .LBB2_20-.Ltmp9, $4  }
0x207: {  	v6 =	vadd.f32 v9, v6;
	v5 =	vld [tilespmem:s26+$0x500]  }
0x208: {  	v4 =	vld [tilespmem:s29+$0x10F00];
	v9 =	vadd.f32 v8, v7  }
0x209: {  	v8 =	vadd.f32 v10, v6;
	v7 =	vld [tilespmem:s26+$0x600]  }
0x20a: {  	s28 =	sadd.s32 $0x20, s28;
	v9 =	vadd.f32 v11, v9;
	v6 =	vld [tilespmem:s26+$0x700];
	s26 =	sadd.s32 $0x20, s26  }
0x20b: {  	_ = 	snop  }
0x20c: {  	v5 =	vadd.f32 v5, v9  }
0x20d: {  	v3 =	vadd.f32 v3, v8  }
0x20e: {  	v5 =	vadd.f32 v7, v5  }
0x20f: {  	v3 =	vadd.f32 v4, v3  }
0x210: {  	s0 =	sadd.s32 $0x20, s1;
	v63 =	vadd.f32 v6, v5  }
0x211: {  	[tilespmem:s0+$0xFFFFFFF0] =	vst v3  }
0x212: {  	s28 =	simm.s32 $0x80;
	s29 =	simm.s32 $0x400;
	s26 =	simm.s32 $0x11000;
	[tilespmem:s0+$0x0] =	vst v63  }
0x213: {  	[hbm4b:s12+s28] =	stream.strided.scatter [tilespmem:s26], [sflag:$0x3], $0x100, s29, s28, $0x38;
	[tilespmem:$0x11100] =	vst v63  }
0x214: {  	_ =	swait.ge [sflag:s30], $0x100  }
0x215: {  	[sflag:s30] =	ssyncset.done $0x0  }
0x216: {  	s0 =	simm.s32 $0x10040;
	[sflag:s30] =	ssyncadd.s32 $0xFFFFFF00  }
0x217: {  	[tilespmem:s0+$0xFFFFFFC0] =	vst v0  }
0x218: {  	[tilespmem:s0+$0x30] =	vst v0  }
0x219: {  	[tilespmem:s0+$0x20] =	vst v0  }
0x21a: {  	[tilespmem:s0+$0x10] =	vst v0  }
0x21b: {  	[tilespmem:s0+$0x0] =	vst v0  }
0x21c: {  	[tilespmem:s0+$0xFFFFFFF0] =	vst v0  }
0x21d: {  	s1 =	simm.s32 $0x0;
	[tilespmem:s0+$0xFFFFFFE0] =	vst v0  }
.LBB2_22:
0x21e: {  	s1 =	sadd.s32 $0x8, s1;
	[tilespmem:s0+$0xFFFFFFD0] =	vst v0;
	s0 =	sadd.s32 $0x80, s0  }
0x21f: {  	[tilespmem:s0+$0xFFFFFFC0] =	vst v0;
	p0 =	slt.u32 s1, $0xF8  }
0x220: {  	[tilespmem:s0+$0x30] =	vst v0  }
.Ltmp10:
0x221: {  	[tilespmem:s0+$0x20] =	vst v0;
	(pc) =	sbr.rel @p0 .LBB2_22-.Ltmp10, $4  }
0x222: {  	[tilespmem:s0+$0x10] =	vst v0  }
0x223: {  	[tilespmem:s0+$0x0] =	vst v0  }
0x224: {  	[tilespmem:s0+$0xFFFFFFF0] =	vst v0  }
0x225: {  	[tilespmem:s0+$0xFFFFFFE0] =	vst v0  }
0x226: {  	[tilespmem:s0+$0xFFFFFFD0] =	vst v0  }
0x227: {  	_ =	swait.ge [sflag:s22], $0x8000  }
0x228: {  	[sflag:s22] =	ssyncset.done $0x0  }
0x229: {  	s29 =	simm.s32 $0x40;
	[sflag:s22] =	ssyncadd.s32 $0xFFFF8000  }
0x22a: {  	[tilespmem:s23], [sflag:$0x2] =	stream.linear.gather [hbm4b:s13+s2], $0x8000, $0x38;
	[tilespmem:$0x11100] =	vst v63  }
0x22b: {  	v3 =	vld [tilespmem:s29+$0x30]  }
0x22c: {  	v4 =	vld [tilespmem:s29+$0xFFFFFFD0]  }
0x22d: {  	v5 =	vld [tilespmem:s29+$0xFFFFFFE0]  }
0x22e: {  	v7 =	vld [tilespmem:s29+$0x0]  }
0x22f: {  	v8 =	vld [tilespmem:s29+$0x10]  }
0x230: {  	v9 =	vld [tilespmem:s29+$0x20]  }
0x231: {  	v10 =	vld [tilespmem:s29+$0xFFFFFFC0];
	v3 =	vmul.f32 $2.560000000e+02, v3;
	v4 =	vmul.f32 $2.560000000e+02, v4  }
0x232: {  	v6 =	vld [tilespmem:s29+$0xFFFFFFF0];
	v5 =	vmul.f32 $2.560000000e+02, v5  }
0x233: {  	v3 =	vtrunc.f32 v3;
	v11 =	vtrunc.f32 v4  }
0x234: {  	v4 =	vmul.f32 $2.560000000e+02, v7;
	v3 =	vcvt.f32.s32 v3  }
0x235: {  	v7 =	vtrunc.f32 v5;
	v5 =	vmul.f32 $2.560000000e+02, v8  }
0x236: {  	v8 =	vmul.f32 $2.560000000e+02, v9;
	v9 =	vmul.f32 $2.560000000e+02, v10;
	v12 =	vadd.s32 v1, v3  }
0x237: {  	v6 =	vmul.f32 $2.560000000e+02, v6  }
0x238: {  	v7 =	vcvt.f32.s32 v7;
	v9 =	vtrunc.f32 v9  }
0x239: {  	v3 =	vtrunc.f32 v6;
	v6 =	vtrunc.f32 v4  }
0x23a: {  	v4 =	vtrunc.f32 v8;
	v8 =	vcvt.f32.s32 v11  }
0x23b: {  	s0 =	simm.s32 $0x0;
	s1 =	simm.s32 $0xC0;
	v5 =	vtrunc.f32 v5;
	v9 =	vcvt.f32.s32 v9;
	[tilespmem:v12+s24+$0x0] =	vst.idx.add.f32.msk $0xffff, v2  }
.LBB2_24:
0x23c: {  	v10 =	vld [tilespmem:s1+$0x30];
	s0 =	sadd.s32 $0x8, s0;
	v8 =	vadd.s32 v1, v8;
	v3 =	vcvt.f32.s32 v3;
	v6 =	vcvt.f32.s32 v6  }
0x23d: {  	v5 =	vcvt.f32.s32 v5;
	v4 =	vcvt.f32.s32 v4;
	v11 =	vld [tilespmem:s1+$0xFFFFFFD0];
	p0 =	slt.u32 s0, $0x7F8;
	v9 =	vadd.s32 v1, v9  }
0x23e: {  	v7 =	vadd.s32 v1, v7;
	v12 =	vld [tilespmem:s1+$0xFFFFFFE0];
	v13 =	vadd.s32 v1, v3;
	v14 =	vadd.s32 v1, v6  }
0x23f: {  	v15 =	vadd.s32 v1, v5;
	v16 =	vadd.s32 v1, v4;
	v3 =	vld [tilespmem:s1+$0xFFFFFFF0]  }
0x240: {  	v4 =	vld [tilespmem:s1+$0x0]  }
0x241: {  	v5 =	vld [tilespmem:s1+$0x10];
	v6 =	vmul.f32 $2.560000000e+02, v10  }
0x242: {  	v10 =	vmul.f32 $2.560000000e+02, v11;
	v11 =	vld [tilespmem:s1+$0x20]  }
0x243: {  	v17 =	vld [tilespmem:s1+$0xFFFFFFC0];
	v12 =	vmul.f32 $2.560000000e+02, v12;
	v6 =	vtrunc.f32 v6  }
0x244: {  	v3 =	vmul.f32 $2.560000000e+02, v3;
	v6 =	vcvt.f32.s32 v6;
	[tilespmem:v9+s24+$0x0] =	vst.idx.add.f32.msk $0xffff, v2  }
0x245: {  	v9 =	vtrunc.f32 v10;
	v4 =	vmul.f32 $2.560000000e+02, v4;
	[tilespmem:v8+s24+$0x0] =	vst.idx.add.f32.msk $0xffff, v2  }
0x246: {  	v10 =	vtrunc.f32 v12;
	v5 =	vmul.f32 $2.560000000e+02, v5;
	v12 =	vadd.s32 v1, v6;
	[tilespmem:v7+s24+$0x0] =	vst.idx.add.f32.msk $0xffff, v2  }
.Ltmp11:
0x247: {  	v3 =	vtrunc.f32 v3;
	v7 =	vmul.f32 $2.560000000e+02, v11;
	[tilespmem:v13+s24+$0x0] =	vst.idx.add.f32.msk $0xffff, v2;
	(pc) =	sbr.rel @p0 .LBB2_24-.Ltmp11, $4  }
0x248: {  	v6 =	vtrunc.f32 v4;
	v8 =	vmul.f32 $2.560000000e+02, v17;
	[tilespmem:v14+s24+$0x0] =	vst.idx.add.f32.msk $0xffff, v2  }
0x249: {  	v5 =	vtrunc.f32 v5;
	v4 =	vtrunc.f32 v7;
	[tilespmem:v15+s24+$0x0] =	vst.idx.add.f32.msk $0xffff, v2  }
0x24a: {  	v7 =	vtrunc.f32 v8;
	v8 =	vcvt.f32.s32 v9;
	[tilespmem:v16+s24+$0x0] =	vst.idx.add.f32.msk $0xffff, v2  }
0x24b: {  	s1 =	sadd.s32 $0x80, s1;
	v9 =	vcvt.f32.s32 v7;
	v7 =	vcvt.f32.s32 v10;
	[tilespmem:v12+s24+$0x0] =	vst.idx.add.f32.msk $0xffff, v2  }
0x24c: {  	v8 =	vadd.s32 v1, v8  }
0x24d: {  	v3 =	vcvt.f32.s32 v3;
	v9 =	vadd.s32 v1, v9  }
0x24e: {  	v6 =	vcvt.f32.s32 v6;
	v7 =	vadd.s32 v1, v7  }
0x24f: {  	v5 =	vcvt.f32.s32 v5;
	v3 =	vadd.s32 v1, v3  }
0x250: {  	v4 =	vcvt.f32.s32 v4;
	v6 =	vadd.s32 v1, v6  }
0x251: {  	v5 =	vadd.s32 v1, v5;
	[tilespmem:v8+s24+$0x0] =	vst.idx.add.f32.msk $0xffff, v2  }
0x252: {  	v4 =	vadd.s32 v1, v4;
	[tilespmem:v9+s24+$0x0] =	vst.idx.add.f32.msk $0xffff, v2  }
0x253: {  	[tilespmem:v7+s24+$0x0] =	vst.idx.add.f32.msk $0xffff, v2  }
0x254: {  	[tilespmem:v3+s24+$0x0] =	vst.idx.add.f32.msk $0xffff, v2  }
0x255: {  	[tilespmem:v6+s24+$0x0] =	vst.idx.add.f32.msk $0xffff, v2  }
0x256: {  	[tilespmem:v5+s24+$0x0] =	vst.idx.add.f32.msk $0xffff, v2  }
0x257: {  	[tilespmem:v4+s24+$0x0] =	vst.idx.add.f32.msk $0xffff, v2  }
0x258: {  	_ =	swait.ge [sflag:s25], $0x8000  }
0x259: {  	[sflag:s25] =	ssyncset.done $0x0  }
0x25a: {  	s0 =	simm.s32 $0x8070;
	[sflag:s25] =	ssyncadd.s32 $0xFFFF8000  }
0x25b: {  	[tilespmem:s2], [sflag:$0x1] =	stream.linear.gather [hbm4b:s14+s2], $0x8000, $0x38;
	[tilespmem:$0x11100] =	vst v63  }
0x25c: {  	v3 =	vld [tilespmem:s0+$0x0]  }
0x25d: {  	v4 =	vld [tilespmem:s0+$0xFFFFFFA0]  }
0x25e: {  	v5 =	vld [tilespmem:s0+$0xFFFFFFB0]  }
0x25f: {  	v7 =	vld [tilespmem:s0+$0xFFFFFFD0]  }
0x260: {  	v8 =	vld [tilespmem:s0+$0xFFFFFFE0]  }
0x261: {  	v9 =	vld [tilespmem:s0+$0xFFFFFFF0]  }
0x262: {  	v10 =	vld [tilespmem:s0+$0xFFFFFF90];
	v3 =	vmul.f32 $2.560000000e+02, v3;
	v4 =	vmul.f32 $2.560000000e+02, v4  }
0x263: {  	v6 =	vld [tilespmem:s0+$0xFFFFFFC0];
	v5 =	vmul.f32 $2.560000000e+02, v5  }
0x264: {  	v3 =	vtrunc.f32 v3;
	v11 =	vtrunc.f32 v4  }
0x265: {  	v4 =	vmul.f32 $2.560000000e+02, v7;
	v3 =	vcvt.f32.s32 v3  }
0x266: {  	v7 =	vtrunc.f32 v5;
	v5 =	vmul.f32 $2.560000000e+02, v8  }
0x267: {  	v8 =	vmul.f32 $2.560000000e+02, v9;
	v9 =	vmul.f32 $2.560000000e+02, v10;
	v12 =	vadd.s32 v1, v3  }
0x268: {  	v6 =	vmul.f32 $2.560000000e+02, v6  }
0x269: {  	v7 =	vcvt.f32.s32 v7;
	v9 =	vtrunc.f32 v9  }
0x26a: {  	v3 =	vtrunc.f32 v6;
	v6 =	vtrunc.f32 v4  }
0x26b: {  	v4 =	vtrunc.f32 v8;
	v8 =	vcvt.f32.s32 v11  }
0x26c: {  	s1 =	simm.s32 $0x80F0;
	s0 =	simm.s32 $0x0;
	v5 =	vtrunc.f32 v5;
	v9 =	vcvt.f32.s32 v9;
	[tilespmem:v12+s24+$0x0] =	vst.idx.add.f32.msk $0xffff, v2  }
.LBB2_26:
0x26d: {  	v10 =	vld [tilespmem:s1+$0x0];
	s0 =	sadd.s32 $0x8, s0;
	v8 =	vadd.s32 v1, v8;
	v3 =	vcvt.f32.s32 v3;
	v6 =	vcvt.f32.s32 v6  }
0x26e: {  	v5 =	vcvt.f32.s32 v5;
	v4 =	vcvt.f32.s32 v4;
	v11 =	vld [tilespmem:s1+$0xFFFFFFA0];
	p0 =	slt.u32 s0, $0x7F8;
	v9 =	vadd.s32 v1, v9  }
0x26f: {  	v7 =	vadd.s32 v1, v7;
	v12 =	vld [tilespmem:s1+$0xFFFFFFB0];
	v13 =	vadd.s32 v1, v3;
	v14 =	vadd.s32 v1, v6  }
0x270: {  	v15 =	vadd.s32 v1, v5;
	v16 =	vadd.s32 v1, v4;
	v3 =	vld [tilespmem:s1+$0xFFFFFFC0]  }
0x271: {  	v4 =	vld [tilespmem:s1+$0xFFFFFFD0]  }
0x272: {  	v5 =	vld [tilespmem:s1+$0xFFFFFFE0];
	v6 =	vmul.f32 $2.560000000e+02, v10  }
0x273: {  	v10 =	vmul.f32 $2.560000000e+02, v11;
	v11 =	vld [tilespmem:s1+$0xFFFFFFF0]  }
0x274: {  	v17 =	vld [tilespmem:s1+$0xFFFFFF90];
	v12 =	vmul.f32 $2.560000000e+02, v12;
	v6 =	vtrunc.f32 v6  }
0x275: {  	v3 =	vmul.f32 $2.560000000e+02, v3;
	v6 =	vcvt.f32.s32 v6;
	[tilespmem:v9+s24+$0x0] =	vst.idx.add.f32.msk $0xffff, v2  }
0x276: {  	v9 =	vtrunc.f32 v10;
	v4 =	vmul.f32 $2.560000000e+02, v4;
	[tilespmem:v8+s24+$0x0] =	vst.idx.add.f32.msk $0xffff, v2  }
0x277: {  	v10 =	vtrunc.f32 v12;
	v5 =	vmul.f32 $2.560000000e+02, v5;
	v12 =	vadd.s32 v1, v6;
	[tilespmem:v7+s24+$0x0] =	vst.idx.add.f32.msk $0xffff, v2  }
.Ltmp12:
0x278: {  	v3 =	vtrunc.f32 v3;
	v7 =	vmul.f32 $2.560000000e+02, v11;
	[tilespmem:v13+s24+$0x0] =	vst.idx.add.f32.msk $0xffff, v2;
	(pc) =	sbr.rel @p0 .LBB2_26-.Ltmp12, $4  }
0x279: {  	v6 =	vtrunc.f32 v4;
	v8 =	vmul.f32 $2.560000000e+02, v17;
	[tilespmem:v14+s24+$0x0] =	vst.idx.add.f32.msk $0xffff, v2  }
0x27a: {  	v5 =	vtrunc.f32 v5;
	v4 =	vtrunc.f32 v7;
	[tilespmem:v15+s24+$0x0] =	vst.idx.add.f32.msk $0xffff, v2  }
0x27b: {  	v7 =	vtrunc.f32 v8;
	v8 =	vcvt.f32.s32 v9;
	[tilespmem:v16+s24+$0x0] =	vst.idx.add.f32.msk $0xffff, v2  }
0x27c: {  	s1 =	sadd.s32 $0x80, s1;
	v9 =	vcvt.f32.s32 v7;
	v7 =	vcvt.f32.s32 v10;
	[tilespmem:v12+s24+$0x0] =	vst.idx.add.f32.msk $0xffff, v2  }
0x27d: {  	v8 =	vadd.s32 v1, v8  }
0x27e: {  	v3 =	vcvt.f32.s32 v3;
	v9 =	vadd.s32 v1, v9  }
0x27f: {  	v6 =	vcvt.f32.s32 v6;
	v7 =	vadd.s32 v1, v7  }
0x280: {  	v5 =	vcvt.f32.s32 v5;
	v3 =	vadd.s32 v1, v3  }
0x281: {  	v4 =	vcvt.f32.s32 v4;
	v6 =	vadd.s32 v1, v6  }
0x282: {  	v5 =	vadd.s32 v1, v5;
	[tilespmem:v8+s24+$0x0] =	vst.idx.add.f32.msk $0xffff, v2  }
0x283: {  	v4 =	vadd.s32 v1, v4;
	[tilespmem:v9+s24+$0x0] =	vst.idx.add.f32.msk $0xffff, v2  }
0x284: {  	[tilespmem:v7+s24+$0x0] =	vst.idx.add.f32.msk $0xffff, v2  }
0x285: {  	[tilespmem:v3+s24+$0x0] =	vst.idx.add.f32.msk $0xffff, v2  }
0x286: {  	[tilespmem:v6+s24+$0x0] =	vst.idx.add.f32.msk $0xffff, v2  }
0x287: {  	[tilespmem:v5+s24+$0x0] =	vst.idx.add.f32.msk $0xffff, v2  }
0x288: {  	[tilespmem:v4+s24+$0x0] =	vst.idx.add.f32.msk $0xffff, v2  }
0x289: {  	_ =	swait.ge [sflag:s22], $0x8000  }
0x28a: {  	[sflag:s22] =	ssyncset.done $0x0  }
0x28b: {  	s0 =	simm.s32 $0x40;
	[sflag:s22] =	ssyncadd.s32 $0xFFFF8000  }
0x28c: {  	[tilespmem:s23], [sflag:$0x2] =	stream.linear.gather [hbm4b:s15+s2], $0x8000, $0x38;
	[tilespmem:$0x11100] =	vst v63  }
0x28d: {  	v3 =	vld [tilespmem:s0+$0x30]  }
0x28e: {  	v4 =	vld [tilespmem:s0+$0xFFFFFFD0]  }
0x28f: {  	v5 =	vld [tilespmem:s0+$0xFFFFFFE0]  }
0x290: {  	v7 =	vld [tilespmem:s0+$0x0]  }
0x291: {  	v8 =	vld [tilespmem:s0+$0x10]  }
0x292: {  	v9 =	vld [tilespmem:s0+$0x20]  }
0x293: {  	v10 =	vld [tilespmem:s0+$0xFFFFFFC0];
	v3 =	vmul.f32 $2.560000000e+02, v3;
	v4 =	vmul.f32 $2.560000000e+02, v4  }
0x294: {  	v6 =	vld [tilespmem:s0+$0xFFFFFFF0];
	v5 =	vmul.f32 $2.560000000e+02, v5  }
0x295: {  	v3 =	vtrunc.f32 v3;
	v11 =	vtrunc.f32 v4  }
0x296: {  	v4 =	vmul.f32 $2.560000000e+02, v7;
	v3 =	vcvt.f32.s32 v3  }
0x297: {  	v7 =	vtrunc.f32 v5;
	v5 =	vmul.f32 $2.560000000e+02, v8  }
0x298: {  	v8 =	vmul.f32 $2.560000000e+02, v9;
	v9 =	vmul.f32 $2.560000000e+02, v10;
	v12 =	vadd.s32 v1, v3  }
0x299: {  	v6 =	vmul.f32 $2.560000000e+02, v6  }
0x29a: {  	v7 =	vcvt.f32.s32 v7;
	v9 =	vtrunc.f32 v9  }
0x29b: {  	v3 =	vtrunc.f32 v6;
	v6 =	vtrunc.f32 v4  }
0x29c: {  	v4 =	vtrunc.f32 v8;
	v8 =	vcvt.f32.s32 v11  }
0x29d: {  	s1 =	simm.s32 $0xC0;
	s0 =	simm.s32 $0x0;
	v5 =	vtrunc.f32 v5;
	v9 =	vcvt.f32.s32 v9;
	[tilespmem:v12+s24+$0x0] =	vst.idx.add.f32.msk $0xffff, v2  }
.LBB2_28:
0x29e: {  	v10 =	vld [tilespmem:s1+$0x30];
	s0 =	sadd.s32 $0x8, s0;
	v8 =	vadd.s32 v1, v8;
	v3 =	vcvt.f32.s32 v3;
	v6 =	vcvt.f32.s32 v6  }
0x29f: {  	v5 =	vcvt.f32.s32 v5;
	v4 =	vcvt.f32.s32 v4;
	v11 =	vld [tilespmem:s1+$0xFFFFFFD0];
	p0 =	slt.u32 s0, $0x7F8;
	v9 =	vadd.s32 v1, v9  }
0x2a0: {  	v7 =	vadd.s32 v1, v7;
	v12 =	vld [tilespmem:s1+$0xFFFFFFE0];
	v13 =	vadd.s32 v1, v3;
	v14 =	vadd.s32 v1, v6  }
0x2a1: {  	v15 =	vadd.s32 v1, v5;
	v16 =	vadd.s32 v1, v4;
	v3 =	vld [tilespmem:s1+$0xFFFFFFF0]  }
0x2a2: {  	v4 =	vld [tilespmem:s1+$0x0]  }
0x2a3: {  	v5 =	vld [tilespmem:s1+$0x10];
	v6 =	vmul.f32 $2.560000000e+02, v10  }
0x2a4: {  	v10 =	vmul.f32 $2.560000000e+02, v11;
	v11 =	vld [tilespmem:s1+$0x20]  }
0x2a5: {  	v17 =	vld [tilespmem:s1+$0xFFFFFFC0];
	v12 =	vmul.f32 $2.560000000e+02, v12;
	v6 =	vtrunc.f32 v6  }
0x2a6: {  	v3 =	vmul.f32 $2.560000000e+02, v3;
	v6 =	vcvt.f32.s32 v6;
	[tilespmem:v9+s24+$0x0] =	vst.idx.add.f32.msk $0xffff, v2  }
0x2a7: {  	v9 =	vtrunc.f32 v10;
	v4 =	vmul.f32 $2.560000000e+02, v4;
	[tilespmem:v8+s24+$0x0] =	vst.idx.add.f32.msk $0xffff, v2  }
0x2a8: {  	v10 =	vtrunc.f32 v12;
	v5 =	vmul.f32 $2.560000000e+02, v5;
	v12 =	vadd.s32 v1, v6;
	[tilespmem:v7+s24+$0x0] =	vst.idx.add.f32.msk $0xffff, v2  }
.Ltmp13:
0x2a9: {  	v3 =	vtrunc.f32 v3;
	v7 =	vmul.f32 $2.560000000e+02, v11;
	[tilespmem:v13+s24+$0x0] =	vst.idx.add.f32.msk $0xffff, v2;
	(pc) =	sbr.rel @p0 .LBB2_28-.Ltmp13, $4  }
0x2aa: {  	v6 =	vtrunc.f32 v4;
	v8 =	vmul.f32 $2.560000000e+02, v17;
	[tilespmem:v14+s24+$0x0] =	vst.idx.add.f32.msk $0xffff, v2  }
0x2ab: {  	v5 =	vtrunc.f32 v5;
	v4 =	vtrunc.f32 v7;
	[tilespmem:v15+s24+$0x0] =	vst.idx.add.f32.msk $0xffff, v2  }
0x2ac: {  	v7 =	vtrunc.f32 v8;
	v8 =	vcvt.f32.s32 v9;
	[tilespmem:v16+s24+$0x0] =	vst.idx.add.f32.msk $0xffff, v2  }
0x2ad: {  	s1 =	sadd.s32 $0x80, s1;
	v9 =	vcvt.f32.s32 v7;
	v7 =	vcvt.f32.s32 v10;
	[tilespmem:v12+s24+$0x0] =	vst.idx.add.f32.msk $0xffff, v2  }
0x2ae: {  	v8 =	vadd.s32 v1, v8  }
0x2af: {  	v3 =	vcvt.f32.s32 v3;
	v9 =	vadd.s32 v1, v9  }
0x2b0: {  	v6 =	vcvt.f32.s32 v6;
	v7 =	vadd.s32 v1, v7  }
0x2b1: {  	v5 =	vcvt.f32.s32 v5;
	v3 =	vadd.s32 v1, v3  }
0x2b2: {  	v4 =	vcvt.f32.s32 v4;
	v6 =	vadd.s32 v1, v6  }
0x2b3: {  	v5 =	vadd.s32 v1, v5;
	[tilespmem:v8+s24+$0x0] =	vst.idx.add.f32.msk $0xffff, v2  }
0x2b4: {  	v4 =	vadd.s32 v1, v4;
	[tilespmem:v9+s24+$0x0] =	vst.idx.add.f32.msk $0xffff, v2  }
0x2b5: {  	[tilespmem:v7+s24+$0x0] =	vst.idx.add.f32.msk $0xffff, v2  }
0x2b6: {  	[tilespmem:v3+s24+$0x0] =	vst.idx.add.f32.msk $0xffff, v2  }
0x2b7: {  	[tilespmem:v6+s24+$0x0] =	vst.idx.add.f32.msk $0xffff, v2  }
0x2b8: {  	[tilespmem:v5+s24+$0x0] =	vst.idx.add.f32.msk $0xffff, v2  }
0x2b9: {  	[tilespmem:v4+s24+$0x0] =	vst.idx.add.f32.msk $0xffff, v2  }
0x2ba: {  	_ =	swait.ge [sflag:s25], $0x8000  }
0x2bb: {  	[sflag:s25] =	ssyncset.done $0x0  }
0x2bc: {  	s0 =	simm.s32 $0x8070;
	[sflag:s25] =	ssyncadd.s32 $0xFFFF8000  }
0x2bd: {  	[tilespmem:s2], [sflag:$0x1] =	stream.linear.gather [hbm4b:s16+s2], $0x8000, $0x38;
	[tilespmem:$0x11100] =	vst v63  }
0x2be: {  	v3 =	vld [tilespmem:s0+$0x0]  }
0x2bf: {  	v4 =	vld [tilespmem:s0+$0xFFFFFFA0]  }
0x2c0: {  	v5 =	vld [tilespmem:s0+$0xFFFFFFB0]  }
0x2c1: {  	v7 =	vld [tilespmem:s0+$0xFFFFFFD0]  }
0x2c2: {  	v8 =	vld [tilespmem:s0+$0xFFFFFFE0]  }
0x2c3: {  	v9 =	vld [tilespmem:s0+$0xFFFFFFF0]  }
0x2c4: {  	v10 =	vld [tilespmem:s0+$0xFFFFFF90];
	v3 =	vmul.f32 $2.560000000e+02, v3;
	v4 =	vmul.f32 $2.560000000e+02, v4  }
0x2c5: {  	v6 =	vld [tilespmem:s0+$0xFFFFFFC0];
	v5 =	vmul.f32 $2.560000000e+02, v5  }
0x2c6: {  	v3 =	vtrunc.f32 v3;
	v11 =	vtrunc.f32 v4  }
0x2c7: {  	v4 =	vmul.f32 $2.560000000e+02, v7;
	v3 =	vcvt.f32.s32 v3  }
0x2c8: {  	v7 =	vtrunc.f32 v5;
	v5 =	vmul.f32 $2.560000000e+02, v8  }
0x2c9: {  	v8 =	vmul.f32 $2.560000000e+02, v9;
	v9 =	vmul.f32 $2.560000000e+02, v10;
	v12 =	vadd.s32 v1, v3  }
0x2ca: {  	v6 =	vmul.f32 $2.560000000e+02, v6  }
0x2cb: {  	v7 =	vcvt.f32.s32 v7;
	v9 =	vtrunc.f32 v9  }
0x2cc: {  	v3 =	vtrunc.f32 v6;
	v6 =	vtrunc.f32 v4  }
0x2cd: {  	v4 =	vtrunc.f32 v8;
	v8 =	vcvt.f32.s32 v11  }
0x2ce: {  	s1 =	simm.s32 $0x80F0;
	s0 =	simm.s32 $0x0;
	v5 =	vtrunc.f32 v5;
	v9 =	vcvt.f32.s32 v9;
	[tilespmem:v12+s24+$0x0] =	vst.idx.add.f32.msk $0xffff, v2  }
.LBB2_30:
0x2cf: {  	v10 =	vld [tilespmem:s1+$0x0];
	s0 =	sadd.s32 $0x8, s0;
	v8 =	vadd.s32 v1, v8;
	v3 =	vcvt.f32.s32 v3;
	v6 =	vcvt.f32.s32 v6  }
0x2d0: {  	v5 =	vcvt.f32.s32 v5;
	v4 =	vcvt.f32.s32 v4;
	v11 =	vld [tilespmem:s1+$0xFFFFFFA0];
	p0 =	slt.u32 s0, $0x7F8;
	v9 =	vadd.s32 v1, v9  }
0x2d1: {  	v7 =	vadd.s32 v1, v7;
	v12 =	vld [tilespmem:s1+$0xFFFFFFB0];
	v13 =	vadd.s32 v1, v3;
	v14 =	vadd.s32 v1, v6  }
0x2d2: {  	v15 =	vadd.s32 v1, v5;
	v16 =	vadd.s32 v1, v4;
	v3 =	vld [tilespmem:s1+$0xFFFFFFC0]  }
0x2d3: {  	v4 =	vld [tilespmem:s1+$0xFFFFFFD0]  }
0x2d4: {  	v5 =	vld [tilespmem:s1+$0xFFFFFFE0];
	v6 =	vmul.f32 $2.560000000e+02, v10  }
0x2d5: {  	v10 =	vmul.f32 $2.560000000e+02, v11;
	v11 =	vld [tilespmem:s1+$0xFFFFFFF0]  }
0x2d6: {  	v17 =	vld [tilespmem:s1+$0xFFFFFF90];
	v12 =	vmul.f32 $2.560000000e+02, v12;
	v6 =	vtrunc.f32 v6  }
0x2d7: {  	v3 =	vmul.f32 $2.560000000e+02, v3;
	v6 =	vcvt.f32.s32 v6;
	[tilespmem:v9+s24+$0x0] =	vst.idx.add.f32.msk $0xffff, v2  }
0x2d8: {  	v9 =	vtrunc.f32 v10;
	v4 =	vmul.f32 $2.560000000e+02, v4;
	[tilespmem:v8+s24+$0x0] =	vst.idx.add.f32.msk $0xffff, v2  }
0x2d9: {  	v10 =	vtrunc.f32 v12;
	v5 =	vmul.f32 $2.560000000e+02, v5;
	v12 =	vadd.s32 v1, v6;
	[tilespmem:v7+s24+$0x0] =	vst.idx.add.f32.msk $0xffff, v2  }
.Ltmp14:
0x2da: {  	v3 =	vtrunc.f32 v3;
	v7 =	vmul.f32 $2.560000000e+02, v11;
	[tilespmem:v13+s24+$0x0] =	vst.idx.add.f32.msk $0xffff, v2;
	(pc) =	sbr.rel @p0 .LBB2_30-.Ltmp14, $4  }
0x2db: {  	v6 =	vtrunc.f32 v4;
	v8 =	vmul.f32 $2.560000000e+02, v17;
	[tilespmem:v14+s24+$0x0] =	vst.idx.add.f32.msk $0xffff, v2  }
0x2dc: {  	v5 =	vtrunc.f32 v5;
	v4 =	vtrunc.f32 v7;
	[tilespmem:v15+s24+$0x0] =	vst.idx.add.f32.msk $0xffff, v2  }
0x2dd: {  	v7 =	vtrunc.f32 v8;
	v8 =	vcvt.f32.s32 v9;
	[tilespmem:v16+s24+$0x0] =	vst.idx.add.f32.msk $0xffff, v2  }
0x2de: {  	s1 =	sadd.s32 $0x80, s1;
	v9 =	vcvt.f32.s32 v7;
	v7 =	vcvt.f32.s32 v10;
	[tilespmem:v12+s24+$0x0] =	vst.idx.add.f32.msk $0xffff, v2  }
0x2df: {  	v8 =	vadd.s32 v1, v8  }
0x2e0: {  	v3 =	vcvt.f32.s32 v3;
	v9 =	vadd.s32 v1, v9  }
0x2e1: {  	v6 =	vcvt.f32.s32 v6;
	v7 =	vadd.s32 v1, v7  }
0x2e2: {  	v5 =	vcvt.f32.s32 v5;
	v3 =	vadd.s32 v1, v3  }
0x2e3: {  	v4 =	vcvt.f32.s32 v4;
	v6 =	vadd.s32 v1, v6  }
0x2e4: {  	v5 =	vadd.s32 v1, v5;
	[tilespmem:v8+s24+$0x0] =	vst.idx.add.f32.msk $0xffff, v2  }
0x2e5: {  	v4 =	vadd.s32 v1, v4;
	[tilespmem:v9+s24+$0x0] =	vst.idx.add.f32.msk $0xffff, v2  }
0x2e6: {  	[tilespmem:v7+s24+$0x0] =	vst.idx.add.f32.msk $0xffff, v2  }
0x2e7: {  	[tilespmem:v3+s24+$0x0] =	vst.idx.add.f32.msk $0xffff, v2  }
0x2e8: {  	[tilespmem:v6+s24+$0x0] =	vst.idx.add.f32.msk $0xffff, v2  }
0x2e9: {  	[tilespmem:v5+s24+$0x0] =	vst.idx.add.f32.msk $0xffff, v2  }
0x2ea: {  	[tilespmem:v4+s24+$0x0] =	vst.idx.add.f32.msk $0xffff, v2  }
0x2eb: {  	_ =	swait.ge [sflag:s22], $0x8000  }
0x2ec: {  	[sflag:s22] =	ssyncset.done $0x0  }
0x2ed: {  	s0 =	simm.s32 $0x40;
	[sflag:s22] =	ssyncadd.s32 $0xFFFF8000  }
0x2ee: {  	[tilespmem:s23], [sflag:$0x2] =	stream.linear.gather [hbm4b:s17+s2], $0x8000, $0x38;
	[tilespmem:$0x11100] =	vst v63  }
0x2ef: {  	v3 =	vld [tilespmem:s0+$0x30]  }
0x2f0: {  	v4 =	vld [tilespmem:s0+$0xFFFFFFD0]  }
0x2f1: {  	v5 =	vld [tilespmem:s0+$0xFFFFFFE0]  }
0x2f2: {  	v7 =	vld [tilespmem:s0+$0x0]  }
0x2f3: {  	v8 =	vld [tilespmem:s0+$0x10]  }
0x2f4: {  	v9 =	vld [tilespmem:s0+$0x20]  }
0x2f5: {  	v10 =	vld [tilespmem:s0+$0xFFFFFFC0];
	v3 =	vmul.f32 $2.560000000e+02, v3;
	v4 =	vmul.f32 $2.560000000e+02, v4  }
0x2f6: {  	v6 =	vld [tilespmem:s0+$0xFFFFFFF0];
	v5 =	vmul.f32 $2.560000000e+02, v5  }
0x2f7: {  	v3 =	vtrunc.f32 v3;
	v11 =	vtrunc.f32 v4  }
0x2f8: {  	v4 =	vmul.f32 $2.560000000e+02, v7;
	v3 =	vcvt.f32.s32 v3  }
0x2f9: {  	v7 =	vtrunc.f32 v5;
	v5 =	vmul.f32 $2.560000000e+02, v8  }
0x2fa: {  	v8 =	vmul.f32 $2.560000000e+02, v9;
	v9 =	vmul.f32 $2.560000000e+02, v10;
	v12 =	vadd.s32 v1, v3  }
0x2fb: {  	v6 =	vmul.f32 $2.560000000e+02, v6  }
0x2fc: {  	v7 =	vcvt.f32.s32 v7;
	v9 =	vtrunc.f32 v9  }
0x2fd: {  	v3 =	vtrunc.f32 v6;
	v6 =	vtrunc.f32 v4  }
0x2fe: {  	v4 =	vtrunc.f32 v8;
	v8 =	vcvt.f32.s32 v11  }
0x2ff: {  	s1 =	simm.s32 $0xC0;
	s0 =	simm.s32 $0x0;
	v5 =	vtrunc.f32 v5;
	v9 =	vcvt.f32.s32 v9;
	[tilespmem:v12+s24+$0x0] =	vst.idx.add.f32.msk $0xffff, v2  }
.LBB2_32:
0x300: {  	v10 =	vld [tilespmem:s1+$0x30];
	s0 =	sadd.s32 $0x8, s0;
	v8 =	vadd.s32 v1, v8;
	v3 =	vcvt.f32.s32 v3;
	v6 =	vcvt.f32.s32 v6  }
0x301: {  	v5 =	vcvt.f32.s32 v5;
	v4 =	vcvt.f32.s32 v4;
	v11 =	vld [tilespmem:s1+$0xFFFFFFD0];
	p0 =	slt.u32 s0, $0x7F8;
	v9 =	vadd.s32 v1, v9  }
0x302: {  	v7 =	vadd.s32 v1, v7;
	v12 =	vld [tilespmem:s1+$0xFFFFFFE0];
	v13 =	vadd.s32 v1, v3;
	v14 =	vadd.s32 v1, v6  }
0x303: {  	v15 =	vadd.s32 v1, v5;
	v16 =	vadd.s32 v1, v4;
	v3 =	vld [tilespmem:s1+$0xFFFFFFF0]  }
0x304: {  	v4 =	vld [tilespmem:s1+$0x0]  }
0x305: {  	v5 =	vld [tilespmem:s1+$0x10];
	v6 =	vmul.f32 $2.560000000e+02, v10  }
0x306: {  	v10 =	vmul.f32 $2.560000000e+02, v11;
	v11 =	vld [tilespmem:s1+$0x20]  }
0x307: {  	v17 =	vld [tilespmem:s1+$0xFFFFFFC0];
	v12 =	vmul.f32 $2.560000000e+02, v12;
	v6 =	vtrunc.f32 v6  }
0x308: {  	v3 =	vmul.f32 $2.560000000e+02, v3;
	v6 =	vcvt.f32.s32 v6;
	[tilespmem:v9+s24+$0x0] =	vst.idx.add.f32.msk $0xffff, v2  }
0x309: {  	v9 =	vtrunc.f32 v10;
	v4 =	vmul.f32 $2.560000000e+02, v4;
	[tilespmem:v8+s24+$0x0] =	vst.idx.add.f32.msk $0xffff, v2  }
0x30a: {  	v10 =	vtrunc.f32 v12;
	v5 =	vmul.f32 $2.560000000e+02, v5;
	v12 =	vadd.s32 v1, v6;
	[tilespmem:v7+s24+$0x0] =	vst.idx.add.f32.msk $0xffff, v2  }
.Ltmp15:
0x30b: {  	v3 =	vtrunc.f32 v3;
	v7 =	vmul.f32 $2.560000000e+02, v11;
	[tilespmem:v13+s24+$0x0] =	vst.idx.add.f32.msk $0xffff, v2;
	(pc) =	sbr.rel @p0 .LBB2_32-.Ltmp15, $4  }
0x30c: {  	v6 =	vtrunc.f32 v4;
	v8 =	vmul.f32 $2.560000000e+02, v17;
	[tilespmem:v14+s24+$0x0] =	vst.idx.add.f32.msk $0xffff, v2  }
0x30d: {  	v5 =	vtrunc.f32 v5;
	v4 =	vtrunc.f32 v7;
	[tilespmem:v15+s24+$0x0] =	vst.idx.add.f32.msk $0xffff, v2  }
0x30e: {  	v7 =	vtrunc.f32 v8;
	v8 =	vcvt.f32.s32 v9;
	[tilespmem:v16+s24+$0x0] =	vst.idx.add.f32.msk $0xffff, v2  }
0x30f: {  	s1 =	sadd.s32 $0x80, s1;
	v9 =	vcvt.f32.s32 v7;
	v7 =	vcvt.f32.s32 v10;
	[tilespmem:v12+s24+$0x0] =	vst.idx.add.f32.msk $0xffff, v2  }
0x310: {  	v8 =	vadd.s32 v1, v8  }
0x311: {  	v3 =	vcvt.f32.s32 v3;
	v9 =	vadd.s32 v1, v9  }
0x312: {  	v6 =	vcvt.f32.s32 v6;
	v7 =	vadd.s32 v1, v7  }
0x313: {  	v5 =	vcvt.f32.s32 v5;
	v3 =	vadd.s32 v1, v3  }
0x314: {  	v4 =	vcvt.f32.s32 v4;
	v6 =	vadd.s32 v1, v6  }
0x315: {  	v5 =	vadd.s32 v1, v5;
	[tilespmem:v8+s24+$0x0] =	vst.idx.add.f32.msk $0xffff, v2  }
0x316: {  	v4 =	vadd.s32 v1, v4;
	[tilespmem:v9+s24+$0x0] =	vst.idx.add.f32.msk $0xffff, v2  }
0x317: {  	[tilespmem:v7+s24+$0x0] =	vst.idx.add.f32.msk $0xffff, v2  }
0x318: {  	[tilespmem:v3+s24+$0x0] =	vst.idx.add.f32.msk $0xffff, v2  }
0x319: {  	[tilespmem:v6+s24+$0x0] =	vst.idx.add.f32.msk $0xffff, v2  }
0x31a: {  	[tilespmem:v5+s24+$0x0] =	vst.idx.add.f32.msk $0xffff, v2  }
0x31b: {  	[tilespmem:v4+s24+$0x0] =	vst.idx.add.f32.msk $0xffff, v2  }
0x31c: {  	_ =	swait.ge [sflag:s25], $0x8000  }
0x31d: {  	[sflag:s25] =	ssyncset.done $0x0  }
0x31e: {  	s0 =	simm.s32 $0x8070;
	[sflag:s25] =	ssyncadd.s32 $0xFFFF8000  }
0x31f: {  	[tilespmem:s2], [sflag:$0x1] =	stream.linear.gather [hbm4b:s18+s2], $0x8000, $0x38;
	[tilespmem:$0x11100] =	vst v63  }
0x320: {  	v3 =	vld [tilespmem:s0+$0x0]  }
0x321: {  	v4 =	vld [tilespmem:s0+$0xFFFFFFA0]  }
0x322: {  	v5 =	vld [tilespmem:s0+$0xFFFFFFB0]  }
0x323: {  	v7 =	vld [tilespmem:s0+$0xFFFFFFD0]  }
0x324: {  	v8 =	vld [tilespmem:s0+$0xFFFFFFE0]  }
0x325: {  	v9 =	vld [tilespmem:s0+$0xFFFFFFF0]  }
0x326: {  	v10 =	vld [tilespmem:s0+$0xFFFFFF90];
	v3 =	vmul.f32 $2.560000000e+02, v3;
	v4 =	vmul.f32 $2.560000000e+02, v4  }
0x327: {  	v6 =	vld [tilespmem:s0+$0xFFFFFFC0];
	v5 =	vmul.f32 $2.560000000e+02, v5  }
0x328: {  	v3 =	vtrunc.f32 v3;
	v11 =	vtrunc.f32 v4  }
0x329: {  	v4 =	vmul.f32 $2.560000000e+02, v7;
	v3 =	vcvt.f32.s32 v3  }
0x32a: {  	v7 =	vtrunc.f32 v5;
	v5 =	vmul.f32 $2.560000000e+02, v8  }
0x32b: {  	v8 =	vmul.f32 $2.560000000e+02, v9;
	v9 =	vmul.f32 $2.560000000e+02, v10;
	v12 =	vadd.s32 v1, v3  }
0x32c: {  	v6 =	vmul.f32 $2.560000000e+02, v6  }
0x32d: {  	v7 =	vcvt.f32.s32 v7;
	v9 =	vtrunc.f32 v9  }
0x32e: {  	v3 =	vtrunc.f32 v6;
	v6 =	vtrunc.f32 v4  }
0x32f: {  	v4 =	vtrunc.f32 v8;
	v8 =	vcvt.f32.s32 v11  }
0x330: {  	s1 =	simm.s32 $0x80F0;
	s0 =	simm.s32 $0x0;
	v5 =	vtrunc.f32 v5;
	v9 =	vcvt.f32.s32 v9;
	[tilespmem:v12+s24+$0x0] =	vst.idx.add.f32.msk $0xffff, v2  }
.LBB2_34:
0x331: {  	v10 =	vld [tilespmem:s1+$0x0];
	s0 =	sadd.s32 $0x8, s0;
	v8 =	vadd.s32 v1, v8;
	v3 =	vcvt.f32.s32 v3;
	v6 =	vcvt.f32.s32 v6  }
0x332: {  	v5 =	vcvt.f32.s32 v5;
	v4 =	vcvt.f32.s32 v4;
	v11 =	vld [tilespmem:s1+$0xFFFFFFA0];
	p0 =	slt.u32 s0, $0x7F8;
	v9 =	vadd.s32 v1, v9  }
0x333: {  	v7 =	vadd.s32 v1, v7;
	v12 =	vld [tilespmem:s1+$0xFFFFFFB0];
	v13 =	vadd.s32 v1, v3;
	v14 =	vadd.s32 v1, v6  }
0x334: {  	v15 =	vadd.s32 v1, v5;
	v16 =	vadd.s32 v1, v4;
	v3 =	vld [tilespmem:s1+$0xFFFFFFC0]  }
0x335: {  	v4 =	vld [tilespmem:s1+$0xFFFFFFD0]  }
0x336: {  	v5 =	vld [tilespmem:s1+$0xFFFFFFE0];
	v6 =	vmul.f32 $2.560000000e+02, v10  }
0x337: {  	v10 =	vmul.f32 $2.560000000e+02, v11;
	v11 =	vld [tilespmem:s1+$0xFFFFFFF0]  }
0x338: {  	v17 =	vld [tilespmem:s1+$0xFFFFFF90];
	v12 =	vmul.f32 $2.560000000e+02, v12;
	v6 =	vtrunc.f32 v6  }
0x339: {  	v3 =	vmul.f32 $2.560000000e+02, v3;
	v6 =	vcvt.f32.s32 v6;
	[tilespmem:v9+s24+$0x0] =	vst.idx.add.f32.msk $0xffff, v2  }
0x33a: {  	v9 =	vtrunc.f32 v10;
	v4 =	vmul.f32 $2.560000000e+02, v4;
	[tilespmem:v8+s24+$0x0] =	vst.idx.add.f32.msk $0xffff, v2  }
0x33b: {  	v10 =	vtrunc.f32 v12;
	v5 =	vmul.f32 $2.560000000e+02, v5;
	v12 =	vadd.s32 v1, v6;
	[tilespmem:v7+s24+$0x0] =	vst.idx.add.f32.msk $0xffff, v2  }
.Ltmp16:
0x33c: {  	v3 =	vtrunc.f32 v3;
	v7 =	vmul.f32 $2.560000000e+02, v11;
	[tilespmem:v13+s24+$0x0] =	vst.idx.add.f32.msk $0xffff, v2;
	(pc) =	sbr.rel @p0 .LBB2_34-.Ltmp16, $4  }
0x33d: {  	v6 =	vtrunc.f32 v4;
	v8 =	vmul.f32 $2.560000000e+02, v17;
	[tilespmem:v14+s24+$0x0] =	vst.idx.add.f32.msk $0xffff, v2  }
0x33e: {  	v5 =	vtrunc.f32 v5;
	v4 =	vtrunc.f32 v7;
	[tilespmem:v15+s24+$0x0] =	vst.idx.add.f32.msk $0xffff, v2  }
0x33f: {  	v7 =	vtrunc.f32 v8;
	v8 =	vcvt.f32.s32 v9;
	[tilespmem:v16+s24+$0x0] =	vst.idx.add.f32.msk $0xffff, v2  }
0x340: {  	s1 =	sadd.s32 $0x80, s1;
	v9 =	vcvt.f32.s32 v7;
	v7 =	vcvt.f32.s32 v10;
	[tilespmem:v12+s24+$0x0] =	vst.idx.add.f32.msk $0xffff, v2  }
0x341: {  	v8 =	vadd.s32 v1, v8  }
0x342: {  	v3 =	vcvt.f32.s32 v3;
	v9 =	vadd.s32 v1, v9  }
0x343: {  	v6 =	vcvt.f32.s32 v6;
	v7 =	vadd.s32 v1, v7  }
0x344: {  	v5 =	vcvt.f32.s32 v5;
	v3 =	vadd.s32 v1, v3  }
0x345: {  	v4 =	vcvt.f32.s32 v4;
	v6 =	vadd.s32 v1, v6  }
0x346: {  	v5 =	vadd.s32 v1, v5;
	[tilespmem:v8+s24+$0x0] =	vst.idx.add.f32.msk $0xffff, v2  }
0x347: {  	v4 =	vadd.s32 v1, v4;
	[tilespmem:v9+s24+$0x0] =	vst.idx.add.f32.msk $0xffff, v2  }
0x348: {  	[tilespmem:v7+s24+$0x0] =	vst.idx.add.f32.msk $0xffff, v2  }
0x349: {  	[tilespmem:v3+s24+$0x0] =	vst.idx.add.f32.msk $0xffff, v2  }
0x34a: {  	[tilespmem:v6+s24+$0x0] =	vst.idx.add.f32.msk $0xffff, v2  }
0x34b: {  	[tilespmem:v5+s24+$0x0] =	vst.idx.add.f32.msk $0xffff, v2  }
0x34c: {  	[tilespmem:v4+s24+$0x0] =	vst.idx.add.f32.msk $0xffff, v2  }
0x34d: {  	_ =	swait.ge [sflag:s22], $0x8000  }
0x34e: {  	[sflag:s22] =	ssyncset.done $0x0  }
0x34f: {  	s0 =	simm.s32 $0x40;
	[sflag:s22] =	ssyncadd.s32 $0xFFFF8000  }
0x350: {  	[tilespmem:s23], [sflag:$0x2] =	stream.linear.gather [hbm4b:s19+s2], $0x8000, $0x38;
	[tilespmem:$0x11100] =	vst v63  }
0x351: {  	v3 =	vld [tilespmem:s0+$0x30]  }
0x352: {  	v4 =	vld [tilespmem:s0+$0xFFFFFFD0]  }
0x353: {  	v5 =	vld [tilespmem:s0+$0xFFFFFFE0]  }
0x354: {  	v7 =	vld [tilespmem:s0+$0x0]  }
0x355: {  	v8 =	vld [tilespmem:s0+$0x10]  }
0x356: {  	v9 =	vld [tilespmem:s0+$0x20]  }
0x357: {  	v10 =	vld [tilespmem:s0+$0xFFFFFFC0];
	v3 =	vmul.f32 $2.560000000e+02, v3;
	v4 =	vmul.f32 $2.560000000e+02, v4  }
0x358: {  	v6 =	vld [tilespmem:s0+$0xFFFFFFF0];
	v5 =	vmul.f32 $2.560000000e+02, v5  }
0x359: {  	v3 =	vtrunc.f32 v3;
	v11 =	vtrunc.f32 v4  }
0x35a: {  	v4 =	vmul.f32 $2.560000000e+02, v7;
	v3 =	vcvt.f32.s32 v3  }
0x35b: {  	v7 =	vtrunc.f32 v5;
	v5 =	vmul.f32 $2.560000000e+02, v8  }
0x35c: {  	v8 =	vmul.f32 $2.560000000e+02, v9;
	v9 =	vmul.f32 $2.560000000e+02, v10;
	v12 =	vadd.s32 v1, v3  }
0x35d: {  	v6 =	vmul.f32 $2.560000000e+02, v6  }
0x35e: {  	v7 =	vcvt.f32.s32 v7;
	v9 =	vtrunc.f32 v9  }
0x35f: {  	v3 =	vtrunc.f32 v6;
	v6 =	vtrunc.f32 v4  }
0x360: {  	v4 =	vtrunc.f32 v8;
	v8 =	vcvt.f32.s32 v11  }
0x361: {  	s1 =	simm.s32 $0xC0;
	s0 =	simm.s32 $0x0;
	v5 =	vtrunc.f32 v5;
	v9 =	vcvt.f32.s32 v9;
	[tilespmem:v12+s24+$0x0] =	vst.idx.add.f32.msk $0xffff, v2  }
.LBB2_36:
0x362: {  	v10 =	vld [tilespmem:s1+$0x30];
	s0 =	sadd.s32 $0x8, s0;
	v8 =	vadd.s32 v1, v8;
	v3 =	vcvt.f32.s32 v3;
	v6 =	vcvt.f32.s32 v6  }
0x363: {  	v5 =	vcvt.f32.s32 v5;
	v4 =	vcvt.f32.s32 v4;
	v11 =	vld [tilespmem:s1+$0xFFFFFFD0];
	p0 =	slt.u32 s0, $0x7F8;
	v9 =	vadd.s32 v1, v9  }
0x364: {  	v7 =	vadd.s32 v1, v7;
	v12 =	vld [tilespmem:s1+$0xFFFFFFE0];
	v13 =	vadd.s32 v1, v3;
	v14 =	vadd.s32 v1, v6  }
0x365: {  	v15 =	vadd.s32 v1, v5;
	v16 =	vadd.s32 v1, v4;
	v3 =	vld [tilespmem:s1+$0xFFFFFFF0]  }
0x366: {  	v4 =	vld [tilespmem:s1+$0x0]  }
0x367: {  	v5 =	vld [tilespmem:s1+$0x10];
	v6 =	vmul.f32 $2.560000000e+02, v10  }
0x368: {  	v10 =	vmul.f32 $2.560000000e+02, v11;
	v11 =	vld [tilespmem:s1+$0x20]  }
0x369: {  	v17 =	vld [tilespmem:s1+$0xFFFFFFC0];
	v12 =	vmul.f32 $2.560000000e+02, v12;
	v6 =	vtrunc.f32 v6  }
0x36a: {  	v3 =	vmul.f32 $2.560000000e+02, v3;
	v6 =	vcvt.f32.s32 v6;
	[tilespmem:v9+s24+$0x0] =	vst.idx.add.f32.msk $0xffff, v2  }
0x36b: {  	v9 =	vtrunc.f32 v10;
	v4 =	vmul.f32 $2.560000000e+02, v4;
	[tilespmem:v8+s24+$0x0] =	vst.idx.add.f32.msk $0xffff, v2  }
0x36c: {  	v10 =	vtrunc.f32 v12;
	v5 =	vmul.f32 $2.560000000e+02, v5;
	v12 =	vadd.s32 v1, v6;
	[tilespmem:v7+s24+$0x0] =	vst.idx.add.f32.msk $0xffff, v2  }
.Ltmp17:
0x36d: {  	v3 =	vtrunc.f32 v3;
	v7 =	vmul.f32 $2.560000000e+02, v11;
	[tilespmem:v13+s24+$0x0] =	vst.idx.add.f32.msk $0xffff, v2;
	(pc) =	sbr.rel @p0 .LBB2_36-.Ltmp17, $4  }
0x36e: {  	v6 =	vtrunc.f32 v4;
	v8 =	vmul.f32 $2.560000000e+02, v17;
	[tilespmem:v14+s24+$0x0] =	vst.idx.add.f32.msk $0xffff, v2  }
0x36f: {  	v5 =	vtrunc.f32 v5;
	v4 =	vtrunc.f32 v7;
	[tilespmem:v15+s24+$0x0] =	vst.idx.add.f32.msk $0xffff, v2  }
0x370: {  	v7 =	vtrunc.f32 v8;
	v8 =	vcvt.f32.s32 v9;
	[tilespmem:v16+s24+$0x0] =	vst.idx.add.f32.msk $0xffff, v2  }
0x371: {  	s1 =	sadd.s32 $0x80, s1;
	v9 =	vcvt.f32.s32 v7;
	v7 =	vcvt.f32.s32 v10;
	[tilespmem:v12+s24+$0x0] =	vst.idx.add.f32.msk $0xffff, v2  }
0x372: {  	v8 =	vadd.s32 v1, v8  }
0x373: {  	v3 =	vcvt.f32.s32 v3;
	v9 =	vadd.s32 v1, v9  }
0x374: {  	v6 =	vcvt.f32.s32 v6;
	v7 =	vadd.s32 v1, v7  }
0x375: {  	v5 =	vcvt.f32.s32 v5;
	v3 =	vadd.s32 v1, v3  }
0x376: {  	v4 =	vcvt.f32.s32 v4;
	v6 =	vadd.s32 v1, v6  }
0x377: {  	v5 =	vadd.s32 v1, v5;
	[tilespmem:v8+s24+$0x0] =	vst.idx.add.f32.msk $0xffff, v2  }
0x378: {  	v4 =	vadd.s32 v1, v4;
	[tilespmem:v9+s24+$0x0] =	vst.idx.add.f32.msk $0xffff, v2  }
0x379: {  	[tilespmem:v7+s24+$0x0] =	vst.idx.add.f32.msk $0xffff, v2  }
0x37a: {  	[tilespmem:v3+s24+$0x0] =	vst.idx.add.f32.msk $0xffff, v2  }
0x37b: {  	[tilespmem:v6+s24+$0x0] =	vst.idx.add.f32.msk $0xffff, v2  }
0x37c: {  	[tilespmem:v5+s24+$0x0] =	vst.idx.add.f32.msk $0xffff, v2  }
0x37d: {  	[tilespmem:v4+s24+$0x0] =	vst.idx.add.f32.msk $0xffff, v2  }
0x37e: {  	_ =	swait.ge [sflag:s25], $0x8000  }
0x37f: {  	[sflag:s25] =	ssyncset.done $0x0  }
0x380: {  	s0 =	simm.s32 $0x8070;
	[sflag:s25] =	ssyncadd.s32 $0xFFFF8000  }
0x381: {  	v3 =	vld [tilespmem:s0+$0x0]  }
0x382: {  	v4 =	vld [tilespmem:s0+$0xFFFFFFA0]  }
0x383: {  	v5 =	vld [tilespmem:s0+$0xFFFFFFB0]  }
0x384: {  	v7 =	vld [tilespmem:s0+$0xFFFFFFD0]  }
0x385: {  	v8 =	vld [tilespmem:s0+$0xFFFFFFE0]  }
0x386: {  	v9 =	vld [tilespmem:s0+$0xFFFFFFF0]  }
0x387: {  	v10 =	vld [tilespmem:s0+$0xFFFFFF90];
	v3 =	vmul.f32 $2.560000000e+02, v3;
	v4 =	vmul.f32 $2.560000000e+02, v4  }
0x388: {  	v6 =	vld [tilespmem:s0+$0xFFFFFFC0];
	v5 =	vmul.f32 $2.560000000e+02, v5  }
0x389: {  	v3 =	vtrunc.f32 v3;
	v11 =	vtrunc.f32 v4  }
0x38a: {  	v4 =	vmul.f32 $2.560000000e+02, v7;
	v3 =	vcvt.f32.s32 v3  }
0x38b: {  	v7 =	vtrunc.f32 v5;
	v5 =	vmul.f32 $2.560000000e+02, v8  }
0x38c: {  	v8 =	vmul.f32 $2.560000000e+02, v9;
	v9 =	vmul.f32 $2.560000000e+02, v10;
	v12 =	vadd.s32 v1, v3  }
0x38d: {  	v6 =	vmul.f32 $2.560000000e+02, v6  }
0x38e: {  	v7 =	vcvt.f32.s32 v7;
	v9 =	vtrunc.f32 v9  }
0x38f: {  	v3 =	vtrunc.f32 v6;
	v6 =	vtrunc.f32 v4  }
0x390: {  	v4 =	vtrunc.f32 v8;
	v8 =	vcvt.f32.s32 v11  }
0x391: {  	s26 =	simm.s32 $0x80F0;
	s0 =	simm.s32 $0x0;
	v5 =	vtrunc.f32 v5;
	v9 =	vcvt.f32.s32 v9;
	[tilespmem:v12+s24+$0x0] =	vst.idx.add.f32.msk $0xffff, v2  }
.LBB2_38:
0x392: {  	v10 =	vld [tilespmem:s26+$0x0];
	s0 =	sadd.s32 $0x8, s0;
	v8 =	vadd.s32 v1, v8;
	v3 =	vcvt.f32.s32 v3;
	v6 =	vcvt.f32.s32 v6  }
0x393: {  	v5 =	vcvt.f32.s32 v5;
	v4 =	vcvt.f32.s32 v4;
	v11 =	vld [tilespmem:s26+$0xFFFFFFA0];
	p0 =	slt.u32 s0, $0x7F8;
	v9 =	vadd.s32 v1, v9  }
0x394: {  	v7 =	vadd.s32 v1, v7;
	v12 =	vld [tilespmem:s26+$0xFFFFFFB0];
	v13 =	vadd.s32 v1, v3;
	v14 =	vadd.s32 v1, v6  }
0x395: {  	v15 =	vadd.s32 v1, v5;
	v16 =	vadd.s32 v1, v4;
	v3 =	vld [tilespmem:s26+$0xFFFFFFC0]  }
0x396: {  	v4 =	vld [tilespmem:s26+$0xFFFFFFD0]  }
0x397: {  	v5 =	vld [tilespmem:s26+$0xFFFFFFE0];
	v6 =	vmul.f32 $2.560000000e+02, v10  }
0x398: {  	v10 =	vmul.f32 $2.560000000e+02, v11;
	v11 =	vld [tilespmem:s26+$0xFFFFFFF0]  }
0x399: {  	v17 =	vld [tilespmem:s26+$0xFFFFFF90];
	v12 =	vmul.f32 $2.560000000e+02, v12;
	v6 =	vtrunc.f32 v6  }
0x39a: {  	v3 =	vmul.f32 $2.560000000e+02, v3;
	v6 =	vcvt.f32.s32 v6;
	[tilespmem:v9+s24+$0x0] =	vst.idx.add.f32.msk $0xffff, v2  }
0x39b: {  	v9 =	vtrunc.f32 v10;
	v4 =	vmul.f32 $2.560000000e+02, v4;
	[tilespmem:v8+s24+$0x0] =	vst.idx.add.f32.msk $0xffff, v2  }
0x39c: {  	v10 =	vtrunc.f32 v12;
	v5 =	vmul.f32 $2.560000000e+02, v5;
	v12 =	vadd.s32 v1, v6;
	[tilespmem:v7+s24+$0x0] =	vst.idx.add.f32.msk $0xffff, v2  }
.Ltmp18:
0x39d: {  	v3 =	vtrunc.f32 v3;
	v7 =	vmul.f32 $2.560000000e+02, v11;
	[tilespmem:v13+s24+$0x0] =	vst.idx.add.f32.msk $0xffff, v2;
	(pc) =	sbr.rel @p0 .LBB2_38-.Ltmp18, $4  }
0x39e: {  	v6 =	vtrunc.f32 v4;
	v8 =	vmul.f32 $2.560000000e+02, v17;
	[tilespmem:v14+s24+$0x0] =	vst.idx.add.f32.msk $0xffff, v2  }
0x39f: {  	v5 =	vtrunc.f32 v5;
	v4 =	vtrunc.f32 v7;
	[tilespmem:v15+s24+$0x0] =	vst.idx.add.f32.msk $0xffff, v2  }
0x3a0: {  	s1 =	simm.s32 $0x11010;
	s29 =	simm.s32 $0x0;
	v7 =	vtrunc.f32 v8;
	v8 =	vcvt.f32.s32 v9;
	[tilespmem:v16+s24+$0x0] =	vst.idx.add.f32.msk $0xffff, v2  }
0x3a1: {  	s28 =	simm.s32 $0x10810;
	s26 =	sadd.s32 $0x80, s26;
	v9 =	vcvt.f32.s32 v7;
	v7 =	vcvt.f32.s32 v10;
	[tilespmem:v12+s24+$0x0] =	vst.idx.add.f32.msk $0xffff, v2  }
0x3a2: {  	v8 =	vadd.s32 v1, v8  }
0x3a3: {  	v3 =	vcvt.f32.s32 v3;
	v9 =	vadd.s32 v1, v9  }
0x3a4: {  	v6 =	vcvt.f32.s32 v6;
	v7 =	vadd.s32 v1, v7  }
0x3a5: {  	v5 =	vcvt.f32.s32 v5;
	v3 =	vadd.s32 v1, v3  }
0x3a6: {  	v4 =	vcvt.f32.s32 v4;
	v6 =	vadd.s32 v1, v6  }
0x3a7: {  	v5 =	vadd.s32 v1, v5;
	[tilespmem:v8+s24+$0x0] =	vst.idx.add.f32.msk $0xffff, v2  }
0x3a8: {  	v4 =	vadd.s32 v1, v4;
	[tilespmem:v9+s24+$0x0] =	vst.idx.add.f32.msk $0xffff, v2  }
0x3a9: {  	[tilespmem:v7+s24+$0x0] =	vst.idx.add.f32.msk $0xffff, v2  }
0x3aa: {  	[tilespmem:v3+s24+$0x0] =	vst.idx.add.f32.msk $0xffff, v2  }
0x3ab: {  	[tilespmem:v6+s24+$0x0] =	vst.idx.add.f32.msk $0xffff, v2  }
0x3ac: {  	[tilespmem:v5+s24+$0x0] =	vst.idx.add.f32.msk $0xffff, v2  }
0x3ad: {  	[tilespmem:v4+s24+$0x0] =	vst.idx.add.f32.msk $0xffff, v2  }
0x3ae: {  	s0 =	sand.u32 $0xE0, s29;
	v3 =	vld [tilespmem:s28+$0xFFFFF7F0]  }
0x3af: {  	v4 =	vld [tilespmem:s0+$0x10100]  }
0x3b0: {  	v5 =	vld [tilespmem:s28+$0xFFFFF800]  }
0x3b1: {  	v6 =	vld [tilespmem:s0+$0x10200]  }
0x3b2: {  	v7 =	vld [tilespmem:s28+$0xFFFFF900]  }
0x3b3: {  	v8 =	vld [tilespmem:s0+$0x10300]  }
0x3b4: {  	v9 =	vld [tilespmem:s28+$0xFFFFFA00]  }
0x3b5: {  	v10 =	vld [tilespmem:s0+$0x10400]  }
0x3b6: {  	v11 =	vld [tilespmem:s28+$0xFFFFFB00]  }
0x3b7: {  	v12 =	vld [tilespmem:s0+$0x10500]  }
0x3b8: {  	v13 =	vld [tilespmem:s28+$0xFFFFFC00]  }
0x3b9: {  	v14 =	vld [tilespmem:s0+$0x10600]  }
0x3ba: {  	v15 =	vld [tilespmem:s28+$0xFFFFFD00]  }
0x3bb: {  	v16 =	vld [tilespmem:s0+$0x10700]  }
0x3bc: {  	v17 =	vld [tilespmem:s28+$0xFFFFFE00]  }
0x3bd: {  	v18 =	vld [tilespmem:s0+$0x10800]  }
0x3be: {  	v19 =	vld [tilespmem:s28+$0xFFFFFF00]  }
0x3bf: {  	v20 =	vld [tilespmem:s0+$0x10900]  }
0x3c0: {  	v21 =	vld [tilespmem:s28+$0x0]  }
0x3c1: {  	v22 =	vld [tilespmem:s0+$0x10A00]  }
0x3c2: {  	v23 =	vld [tilespmem:s28+$0x100]  }
0x3c3: {  	v24 =	vld [tilespmem:s0+$0x10B00]  }
0x3c4: {  	v25 =	vld [tilespmem:s28+$0x200]  }
0x3c5: {  	v26 =	vld [tilespmem:s0+$0x10C00]  }
0x3c6: {  	v27 =	vld [tilespmem:s28+$0x300]  }
0x3c7: {  	v28 =	vld [tilespmem:s0+$0x10D00]  }
0x3c8: {  	v29 =	vld [tilespmem:s28+$0x400]  }
0x3c9: {  	v30 =	vld [tilespmem:s0+$0x10E00]  }
0x3ca: {  	v31 =	vld [tilespmem:s28+$0x500]  }
0x3cb: {  	v32 =	vld [tilespmem:s0+$0x10F00]  }
0x3cc: {  	v33 =	vld [tilespmem:s28+$0x600]  }
0x3cd: {  	s26 =	simm.s32 $0x10830;
	s29 =	simm.s32 $0x20;
	v34 =	vld [tilespmem:s28+$0x700]  }
0x3ce: {  	s0 =	sand.u32 $0xE0, s29;
	v3 =	vadd.f32 v4, v3;
	v4 =	vadd.f32 v7, v5;
	v5 =	vld [tilespmem:s26+$0xFFFFF7F0]  }
0x3cf: {  	v7 =	vld [tilespmem:s0+$0x10100]  }
0x3d0: {  	v3 =	vadd.f32 v6, v3;
	v6 =	vld [tilespmem:s26+$0xFFFFF800]  }
0x3d1: {  	v4 =	vadd.f32 v9, v4;
	v9 =	vld [tilespmem:s0+$0x10200]  }
0x3d2: {  	v3 =	vadd.f32 v8, v3;
	v8 =	vld [tilespmem:s26+$0xFFFFF900]  }
0x3d3: {  	v4 =	vadd.f32 v11, v4;
	v11 =	vld [tilespmem:s0+$0x10300]  }
0x3d4: {  	v5 =	vadd.f32 v7, v5;
	v3 =	vadd.f32 v10, v3;
	v10 =	vld [tilespmem:s26+$0xFFFFFA00]  }
0x3d5: {  	v7 =	vld [tilespmem:s0+$0x10400];
	v4 =	vadd.f32 v13, v4  }
0x3d6: {  	v59 =	vld [tilespmem:s26+$0xFFFFFB00];
	v5 =	vadd.f32 v9, v5;
	v3 =	vadd.f32 v12, v3  }
0x3d7: {  	v4 =	vadd.f32 v15, v4;
	v6 =	vadd.f32 v8, v6;
	v8 =	vld [tilespmem:s0+$0x10500]  }
0x3d8: {  	v9 =	vld [tilespmem:s26+$0xFFFFFC00];
	v5 =	vadd.f32 v11, v5;
	v3 =	vadd.f32 v14, v3  }
0x3d9: {  	v4 =	vadd.f32 v17, v4;
	v6 =	vadd.f32 v10, v6;
	v10 =	vld [tilespmem:s0+$0x10600]  }
0x3da: {  	v11 =	vld [tilespmem:s26+$0xFFFFFD00];
	v5 =	vadd.f32 v7, v5;
	v3 =	vadd.f32 v16, v3  }
0x3db: {  	v7 =	vld [tilespmem:s0+$0x10700];
	v4 =	vadd.f32 v19, v4;
	v6 =	vadd.f32 v59, v6  }
0x3dc: {  	v60 =	vld [tilespmem:s26+$0xFFFFFE00];
	v3 =	vadd.f32 v18, v3;
	v5 =	vadd.f32 v8, v5  }
0x3dd: {  	v4 =	vadd.f32 v21, v4;
	v8 =	vld [tilespmem:s0+$0x10800];
	v6 =	vadd.f32 v9, v6  }
0x3de: {  	v9 =	vld [tilespmem:s26+$0xFFFFFF00];
	v3 =	vadd.f32 v20, v3;
	v5 =	vadd.f32 v10, v5  }
0x3df: {  	v4 =	vadd.f32 v23, v4;
	v10 =	vld [tilespmem:s0+$0x10900];
	v6 =	vadd.f32 v11, v6  }
0x3e0: {  	v11 =	vld [tilespmem:s26+$0x0];
	v3 =	vadd.f32 v22, v3;
	v5 =	vadd.f32 v7, v5  }
0x3e1: {  	v4 =	vadd.f32 v25, v4;
	v7 =	vld [tilespmem:s0+$0x10A00];
	v6 =	vadd.f32 v60, v6  }
0x3e2: {  	v61 =	vld [tilespmem:s26+$0x100];
	v3 =	vadd.f32 v24, v3;
	v5 =	vadd.f32 v8, v5  }
0x3e3: {  	v4 =	vadd.f32 v27, v4;
	v8 =	vld [tilespmem:s0+$0x10B00];
	v6 =	vadd.f32 v9, v6  }
0x3e4: {  	v9 =	vld [tilespmem:s26+$0x200];
	v3 =	vadd.f32 v26, v3;
	v5 =	vadd.f32 v10, v5  }
0x3e5: {  	v4 =	vadd.f32 v29, v4;
	v10 =	vld [tilespmem:s0+$0x10C00];
	v6 =	vadd.f32 v11, v6  }
0x3e6: {  	v11 =	vld [tilespmem:s26+$0x300];
	v3 =	vadd.f32 v28, v3;
	v5 =	vadd.f32 v7, v5  }
0x3e7: {  	v62 =	vld [tilespmem:s0+$0x10D00];
	v4 =	vadd.f32 v31, v4;
	v6 =	vadd.f32 v61, v6  }
0x3e8: {  	v63 =	vld [tilespmem:s26+$0x400];
	v7 =	vadd.f32 v30, v3;
	v8 =	vadd.f32 v8, v5  }
0x3e9: {  	v4 =	vadd.f32 v33, v4;
	v3 =	vld [tilespmem:s0+$0x10E00];
	v6 =	vadd.f32 v9, v6  }
0x3ea: {  	v5 =	vld [tilespmem:s26+$0x500];
	v7 =	vadd.f32 v32, v7;
	v8 =	vadd.f32 v10, v8  }
0x3eb: {  	v9 =	vadd.f32 v34, v4;
	v4 =	vld [tilespmem:s0+$0x10F00];
	v6 =	vadd.f32 v11, v6  }
0x3ec: {  	[tilespmem:s1+$0xFFFFFFF0] =	vst v7;
	v7 =	vld [tilespmem:s26+$0x600];
	v8 =	vadd.f32 v62, v8  }
0x3ed: {  	s28 =	simm.s32 $0x40;
	s0 =	simm.s32 $0x2;
	[tilespmem:s1+$0x0] =	vst v9;
	v9 =	vadd.f32 v63, v6;
	v6 =	vld [tilespmem:s26+$0x700];
	s26 =	simm.s32 $0x10850  }
.LBB2_40:
0x3ee: {  	v10 =	vld [tilespmem:s26+$0xFFFFF7F0];
	s29 =	sand.u32 $0xE0, s28;
	s0 =	sadd.s32 $0x2, s0;
	v3 =	vadd.f32 v3, v8  }
0x3ef: {  	v8 =	vld [tilespmem:s29+$0x10100];
	p0 =	slt.u32 s0, $0xE;
	v5 =	vadd.f32 v5, v9  }
0x3f0: {  	v9 =	vld [tilespmem:s26+$0xFFFFF800];
	v3 =	vadd.f32 v4, v3  }
0x3f1: {  	s1 =	sadd.s32 $0x20, s1;
	v4 =	vld [tilespmem:s29+$0x10200];
	v5 =	vadd.f32 v7, v5  }
0x3f2: {  	v7 =	vld [tilespmem:s26+$0xFFFFF900];
	[tilespmem:s1+$0xFFFFFFF0] =	vst v3  }
0x3f3: {  	v3 =	vld [tilespmem:s29+$0x10300];
	v5 =	vadd.f32 v6, v5  }
0x3f4: {  	v6 =	vadd.f32 v8, v10;
	v8 =	vld [tilespmem:s26+$0xFFFFFA00]  }
0x3f5: {  	v10 =	vld [tilespmem:s29+$0x10400];
	[tilespmem:s1+$0x0] =	vst v5  }
0x3f6: {  	v4 =	vadd.f32 v4, v6;
	v5 =	vld [tilespmem:s26+$0xFFFFFB00]  }
0x3f7: {  	v6 =	vld [tilespmem:s29+$0x10500];
	v7 =	vadd.f32 v7, v9  }
0x3f8: {  	v3 =	vadd.f32 v3, v4;
	v4 =	vld [tilespmem:s26+$0xFFFFFC00]  }
0x3f9: {  	v9 =	vld [tilespmem:s29+$0x10600];
	v7 =	vadd.f32 v8, v7  }
0x3fa: {  	v3 =	vadd.f32 v10, v3;
	v8 =	vld [tilespmem:s26+$0xFFFFFD00]  }
0x3fb: {  	v10 =	vld [tilespmem:s29+$0x10700];
	v5 =	vadd.f32 v5, v7  }
0x3fc: {  	v3 =	vadd.f32 v6, v3;
	v6 =	vld [tilespmem:s26+$0xFFFFFE00]  }
0x3fd: {  	v7 =	vld [tilespmem:s29+$0x10800];
	v4 =	vadd.f32 v4, v5  }
0x3fe: {  	v3 =	vadd.f32 v9, v3;
	v5 =	vld [tilespmem:s26+$0xFFFFFF00]  }
0x3ff: {  	v9 =	vld [tilespmem:s29+$0x10900];
	v4 =	vadd.f32 v8, v4  }
0x400: {  	v3 =	vadd.f32 v10, v3;
	v8 =	vld [tilespmem:s26+$0x0]  }
0x401: {  	v10 =	vld [tilespmem:s29+$0x10A00];
	v4 =	vadd.f32 v6, v4  }
0x402: {  	v3 =	vadd.f32 v7, v3;
	v6 =	vld [tilespmem:s26+$0x100]  }
0x403: {  	v7 =	vld [tilespmem:s29+$0x10B00];
	v4 =	vadd.f32 v5, v4  }
0x404: {  	v3 =	vadd.f32 v9, v3;
	v5 =	vld [tilespmem:s26+$0x200]  }
0x405: {  	v9 =	vld [tilespmem:s29+$0x10C00];
	v4 =	vadd.f32 v8, v4  }
0x406: {  	v3 =	vadd.f32 v10, v3;
	v8 =	vld [tilespmem:s26+$0x300]  }
0x407: {  	v10 =	vld [tilespmem:s29+$0x10D00];
	v4 =	vadd.f32 v6, v4  }
0x408: {  	v6 =	vadd.f32 v7, v3;
	v11 =	vld [tilespmem:s26+$0x400]  }
.Ltmp19:
0x409: {  	v3 =	vld [tilespmem:s29+$0x10E00];
	v7 =	vadd.f32 v5, v4;
	(pc) =	sbr.rel @p0 .LBB2_40-.Ltmp19, $4  }
0x40a: {  	v6 =	vadd.f32 v9, v6;
	v5 =	vld [tilespmem:s26+$0x500]  }
0x40b: {  	v4 =	vld [tilespmem:s29+$0x10F00];
	v9 =	vadd.f32 v8, v7  }
0x40c: {  	v8 =	vadd.f32 v10, v6;
	v7 =	vld [tilespmem:s26+$0x600]  }
0x40d: {  	s28 =	sadd.s32 $0x20, s28;
	v9 =	vadd.f32 v11, v9;
	v6 =	vld [tilespmem:s26+$0x700];
	s26 =	sadd.s32 $0x20, s26  }
0x40e: {  	_ = 	snop  }
0x40f: {  	v5 =	vadd.f32 v5, v9  }
0x410: {  	v3 =	vadd.f32 v3, v8  }
0x411: {  	v5 =	vadd.f32 v7, v5  }
0x412: {  	v3 =	vadd.f32 v4, v3  }
0x413: {  	s0 =	sadd.s32 $0x20, s1;
	s31 =	sadd.s32 $0x1, s31;
	v63 =	vadd.f32 v6, v5  }
0x414: {  	s28 =	simm.s32 $0x80;
	p0 =	sne.s32 s31, s21;
	[tilespmem:s0+$0xFFFFFFF0] =	vst v3  }
.Ltmp20:
0x415: {  	s29 =	simm.s32 $0x400;
	s26 =	simm.s32 $0x11000;
	[tilespmem:s0+$0x0] =	vst v63;
	(pc) =	sbr.rel @p0 .LBB2_1-.Ltmp20, $4  }
0x416: {  	[hbm4b:s20+s28] =	stream.strided.scatter [tilespmem:s26], [sflag:$0x3], $0x100, s29, s28, $0x38;
	[tilespmem:$0x11100] =	vst v63  }
0x417: {  	_ =	swait.ge [sflag:s30], $0x100  }
0x418: {  	[sflag:s30] =	ssyncset.done $0x0  }
0x419: {  	[sflag:s30] =	ssyncadd.s32 $0xFFFFFF00  }
0x41a: {  	_ =	sfence.sel $0x180000  }
0x41b: {  	[bflag:$0x0] =	sbarrier.arrive $0xFFFF  }
0x41c: {  	_ =	strace $0x9000004A  }
0x41d: {  	s0 =	stileid.u32;
	[bflag:$0x2] =	sbarrier.arrive $0xFFFF  }
0x41e: {  	p0 =	sne.s32 s0, $0x0;
	s0 =	rddreg [dreg:$0x1]  }
0x41f: {  	s0 =	sadd.s32 @!p0 $0x100000, s0  }
0x420: {  	[sflag:s0] =	ssyncadd.tile.s32 @!p0 $0x1;
	_ =	shalt  }
.Lfunc_end2:
_tile_overlayer_lowered:
.L_overlay_start_2:
0x421: {  	(tag) =	ssettag $0x2  }
0x422: {  	s0 =	rddreg [dreg:$0x0];
	s2 =	stileid.u32  }
0x423: {  	s1 =	rddreg [dreg:$0x1];
	p0 =	sne.s32 s2, $0x0  }
0x424: {  	s3 =	rddreg [dreg:$0x2];
	[bflag:$0x3] =	sbarrier.arrive $0xFFFF;
	s2 =	simm.s32 @!p0 $0x1C03  }
0x425: {  	[timem:s3], [sflag:s2] =	dma.local @!p0 [hbm:s0], s1  }
0x426: {  	s0 =	simm.s32 @!p0 $0x3  }
0x427: {  	_ =	swait.ge @!p0 [sflag:s0], s1  }
0x428: {  	s1 =	ssub.s32 @!p0 $0x0, s1;
	[sflag:s0] =	ssyncset.done @!p0 $0x0  }
0x429: {  	[sflag:s0] =	ssyncadd.s32 @!p0 s1  }
0x42a: {  	[bflag:$0x3] =	sbarrier.arrive $0xFFFF  }
0x42b: {  	_ =	shalt  }

// kernel: sparse-core-data-format-call.cloned.1.call-start
scs
called_computation_lowered:
.L_overlay_start_0:
0x0: {  	s2 =	sld [smem:$0x3FD9]  }
0x1: {  	s3 =	sld [smem:$0x3FFE];
	_ =	sdelay $0x1  }
0x2: {  	s1 =	srdreg.scid  }
0x3: {  	s0 =	sand.u32 $0x1, s1  }
0x4: {  	s18 =	sshll.u32 s0, $0xA;
	s2 =	sadd.s32 s3, s2  }
0x5: {  	s2 =	sadd.s32 s2, s18  }
0x6: {  	[smem:$0x3FBD] =	sst s2  }
0x7: {  	_ = 	snop  }
0x8: {  	s2 =	sld [smem:$0x3FC9];
	(tm) =	ssettm $0x1  }
0x9: {  	s19 =	sld [smem:$0x3FFB];
	_ =	sdelay $0x3  }
0xa: {  	_ =	strace s19  }
0xb: {  	s3 =	sld [smem:$0x3FFC];
	_ =	sdelay $0x3  }
0xc: {  	_ =	strace s3  }
0xd: {  	s3 =	sld [smem:$0x3FFD];
	_ =	sdelay $0x3  }
0xe: {  	_ =	strace s3  }
0xf: {  	_ =	strace $0x8FFFFFFF  }
0x10: {  	s20 =	sld [smem:$0x3FDB];
	_ =	sdelay $0x1  }
0x11: {  	s4 =	simm.s32 $_scs_section_size  }
0x12: {  	s5 =	simm.s32 $_size__tile_overlayer_lowered;
	s6 =	simm.s32 $_tile_overlayer_lowered  }
0x13: {  	s23 =	simm.s32 $0x1BFF;
	s22 =	sshll.u32 s6, $0x1;
	s3 =	sadd.s32 s4, s20  }
0x14: {  	s7 =	simm.s32 $0x0;
	s21 =	sshll.u32 s5, $0x1;
	s5 =	sadd.s32 s22, s3  }
0x15: {  	[timem:s7], [sflag:s23] =	dma.local [hbm:s5], s21  }
0x16: {  	_ =	swait.ge [sflag:s23], s21  }
0x17: {  	s4 =	ssub.s32 $0x0, s21;
	[sflag:s23] =	ssyncset.done $0x0  }
0x18: {  	[sflag:s23] =	ssyncadd.s32 s4;
	_ =	sdelay $0x1  }
0x19: {  	s24 =	simm.s32 $0x1B8B  }
0x1a: {  	_ =	swait.ge [sflag:s24], $0x1  }
0x1b: {  	[sflag:s24] =	ssyncset.done $0x0  }
0x1c: {  	s26 =	simm.s32 $0x1B8E;
	s25 =	sld [smem:$0x3FFE];
	[sflag:s24] =	ssyncadd.s32 $0xFFFFFFFF  }
0x1d: {  	s27 =	simm.s32 $execute0_lowered;
	[smem:$0x3FD2] =	sst s26  }
0x1e: {  	s5 =	sshll.u32 s27, $0x1;
	_ =	strace $0x80000046;
	[dreg:$0x1] =	wrdreg $0xFFFFFFFF  }
0x1f: {  	s28 =	simm.s32 $_size_execute0_lowered;
	s3 =	sadd.s32 s3, s5;
	[dreg:$0x0] =	wrdreg $0x0  }
0x20: {  	s5 =	sshll.u32 s28, $0x1;
	[dreg:$0x2] =	wrdreg s3  }
0x21: {  	[dreg:$0x3] =	wrdreg s5  }
0x22: {  	[dreg:$0x4] =	wrdreg $0xC0  }
0x23: {  	_ =	task [dreg:s7], $0x5FFFF  }
0x24: {  	[dreg:$0x1] =	wrdreg $0xFFFFFFFF  }
0x25: {  	[dreg:$0x0] =	wrdreg $0x60  }
0x26: {  	[dreg:$0x2] =	wrdreg s2  }
0x27: {  	[dreg:$0x3] =	wrdreg s25  }
0x28: {  	[dreg:$0x4] =	wrdreg $0x9  }
0x29: {  	_ =	task.clear_ibuf [dreg:s7], $0x5FFFF;
	_ =	strace $0x90000046  }
0x2a: {  	s29 =	simm.s32 $0x9;
	_ =	strace $0x80000048  }
0x2b: {  	_ =	swait.ge [sflag:s29], $0x1  }
0x2c: {  	[sflag:s29] =	ssyncadd.s32 $0xFFFFFFFF  }
0x2d: {  	_ =	strace $0x90000048  }
0x2e: {  	_ =	sfence  }
0x2f: {  	s30 =	sld [smem:$0x0];
	_ =	sdelay $0x2  }
0x30: {  	s31 =	sshll.u32 s1, $0xD;
	s1 =	sshrl.u32 s1, $0x2  }
0x31: {  	s3 =	sand.u32 $0x4000, s31;
	s1 =	sadd.s32 s1, s30  }
0x32: {  	s0 =	sor.u32 s3, s0;
	s1 =	sshll.u32 s1, $0x11  }
0x33: {  	s0 =	sor.u32 s1, s0  }
0x34: {  	s0 =	sadd.s32 $0x8F2B, s0  }
0x35: {  	[sflag:s0] =	ssyncadd.remote.s32 $0x1  }
0x36: {  	_ =	sfence.sel $0xFFFF  }
0x37: {  	[dreg:$0x0] =	wrdreg $0xFFFFFFFF;
	(pc) =	sbr.abs _section_cstart, $3  }
0x38: {  	[dreg:$0x1] =	wrdreg $0xFFFFFFFF  }
0x39: {  	_ =	task.clear_ibuf [dreg:s7], $0x2FFFF;
	_ =	strace $0x9FFFFFFF  }
0x3a: {  	(tm) =	ssettm $0x7FFFFFFF  }
0x3b: {  	_ =	shalt  }
tec
execute0_lowered:
.L_overlay_start_1:
0x0: {  	(tag) =	ssettag $0x1  }
0x1: {  	s0 =	srdreg.scid  }
0x2: {  	s1 =	sshll.u32 s0, $0x4  }
0x3: {  	s2 =	rddreg [dreg:$0x0];
	s0 =	stileid.u32;
	s1 =	sand.u32 $0x10, s1  }
0x4: {  	s4 =	rddreg [dreg:$0x1];
	s7 =	simm.s32 $0x1;
	s1 =	sor.u32 s0, s1  }
0x5: {  	s8 =	simm.s32 $0x2;
	s9 =	simm.s32 $0x0;
	s3 =	sshll.u32 s1, $0x2  }
0x6: {  	s12 =	simm.s32 $0x0;
	s11 =	simm.s32 $0x0;
	s6 =	ssub.s32 $0x3000, s3  }
.Ltmp0:
0x7: {  	s4 =	sadd.s32 $0x1800, s4;
	s5 =	sand.u32 $0x7C, s6;
	(pc) =	sbr.rel .LBB1_1-.Ltmp0, $4  }
0x8: {  	s1 =	rddreg [dreg:$0x2];
	_ =	strace $0x80000047;
	p0 =	sne.s32 s5, $0x0  }
0x9: {  	s6 =	sshrl.u32 s6, $0x7;
	s5 =	simm.s32 $0x1;
	s7 =	simm.s32 @!p0 $0x0  }
0xa: {  	s10 =	smov.u32 s3;
	[sflag:s5] =	ssyncpa.u1 $0x0;
	s6 =	sadd.s32 s7, s6  }
0xb: {  	[sflag:s8] =	ssyncpa.u1 $0x0;
	s8 =	simm.s32 $0x0;
	s7 =	sadd.s32 $0x1, s6  }
.LBB1_9:
0xc: {  	s14 =	sadd.s32 $0x80, s10  }
0xd: {  	p1 =	sgt.s32 s14, $0x2FFF  }
0xe: {  	s14 =	smov.u32 @p1 s3;
	p1 =	sne.s32 s11, s7  }
.Ltmp1:
0xf: {  	p0 =	slt.u32 s11, $0x2;
	(pc) =	sbr.rel @!p1 .LBB1_10-.Ltmp1, $4  }
0x10: {  	s13 =	simm.s32 @!p0 $0x2  }
0x11: {  	s15 =	sadd.s32 $0x1, s11;
	_ =	swait.ge @!p0 [sflag:s13], $0x4000  }
0x12: {  	s12 =	smov.u32 s10;
	s9 =	sadd.s32 $0x4000, s9;
	[sflag:s13] =	ssyncset.done @!p0 $0x0  }
0x13: {  	s11 =	smov.u32 s15;
	s10 =	smov.u32 s14;
	[sflag:s13] =	ssyncadd.s32 @!p0 $0xFFFFC000  }
.LBB1_1:
0x14: {  	p0 =	sge.u32 s11, s6  }
0x15: {  	s13 =	sxor.u32 @!p0 $0xFFFFFFFF, s11  }
0x16: {  	s31 =	sadd.s32 $0xFFFFFFFF, s11;
	s14 =	sshll.u32 @!p0 s10, $0x9;
	s13 =	sshll.u32 @!p0 s13, $0xE  }
0x17: {  	s15 =	simm.s32 @!p0 $0x0;
	s14 =	sadd.s32 @!p0 s2, s14;
	s13 =	sand.u32 @!p0 $0x4000, s13  }
0x18: {  	[tilespmem:s13], [sflag:$0x1] =	stream.linear.gather @!p0 [hbm4b:s14+s15], $0x4000, $0x38;
	[tilespmem:$0x10000] =	vst v63  }
0x19: {  	p0 =	sge.u32 s31, s6  }
.Ltmp2:
0x1a: {  	_ = 	snop;
	(pc) =	sbr.rel @p0 .LBB1_9-.Ltmp2, $1  }
0x1b: {  	_ =	sdelay $0x3  }
0x1c: {  	s14 =	sand.u32 $0x4000, s9  }
0x1d: {  	_ =	swait.ge [sflag:s5], $0x4000;
	s15 =	sshll.u32 s11, $0xE;
	s16 =	simm.s32 $0x0  }
0x1e: {  	s13 =	sor.u32 $0x40, s14;
	[sflag:s5] =	ssyncset.done $0x0;
	s15 =	sand.u32 $0x4000, s15  }
0x1f: {  	s14 =	sor.u32 $0x8040, s14;
	[sflag:s5] =	ssyncadd.s32 $0xFFFFC000;
	s15 =	sor.u32 $0x8000, s15  }
.LBB1_3:
0x20: {  	s17 =	smov.u32 s14;
	s18 =	smov.u32 s13;
	s19 =	simm.s32 $0x0  }
.LBB1_4:
0x21: {  	v0 =	vmov s17;
	v2 =	vld [tilespmem:s18+$0x30]  }
0x22: {  	v4 =	vld [tilespmem:s18+$0xFFFFFFD0]  }
0x23: {  	v6 =	vld [tilespmem:s18+$0xFFFFFFE0]  }
0x24: {  	v7 =	vld [tilespmem:s18+$0xFFFFFFF0]  }
0x25: {  	s20 =	simm.s32 $0x0;
	v1 =	vld [tilespmem:s18+$0x0]  }
0x26: {  	v3 =	vld [tilespmem:s18+$0x10];
	[tilespmem:v0+s20+$0x30 ss:$0x1] =	vst.idx.msk $0xffff, v2  }
0x27: {  	v5 =	vld [tilespmem:s18+$0x20];
	[tilespmem:v0+s20+$0xFFFFFFD0 ss:$0x1] =	vst.idx.msk $0xffff, v4  }
0x28: {  	s21 =	sadd.s32 $0x80, s18;
	v2 =	vld [tilespmem:s18+$0xFFFFFFC0];
	[tilespmem:v0+s20+$0xFFFFFFE0 ss:$0x1] =	vst.idx.msk $0xffff, v6  }
0x29: {  	s22 =	simm.s32 $0x800;
	s23 =	simm.s32 $0x1000;
	v4 =	vld [tilespmem:s21+$0x30];
	[tilespmem:v0+s20+$0xFFFFFFF0 ss:$0x1] =	vst.idx.msk $0xffff, v7  }
.LBB1_5:
0x2a: {  	p0 =	sne.s32 s23, $0x3800;
	v6 =	vld [tilespmem:s21+$0xFFFFFFD0];
	[tilespmem:v0+s20+$0x0 ss:$0x1] =	vst.idx.msk $0xffff, v1  }
0x2b: {  	v7 =	vld [tilespmem:s21+$0xFFFFFFE0];
	[tilespmem:v0+s20+$0x10 ss:$0x1] =	vst.idx.msk $0xffff, v3  }
0x2c: {  	v8 =	vld [tilespmem:s21+$0xFFFFFFF0];
	[tilespmem:v0+s20+$0x20 ss:$0x1] =	vst.idx.msk $0xffff, v5  }
.Ltmp3:
0x2d: {  	v1 =	vld [tilespmem:s21+$0x0];
	[tilespmem:v0+s20+$0xFFFFFFC0 ss:$0x1] =	vst.idx.msk $0xffff, v2;
	s20 =	sshra.s32 s22, $0x2;
	s22 =	smov.u32 s23;
	(pc) =	sbr.rel @p0 .LBB1_5-.Ltmp3, $4  }
0x2e: {  	v3 =	vld [tilespmem:s21+$0x10];
	[tilespmem:v0+s20+$0x30 ss:$0x1] =	vst.idx.msk $0xffff, v4  }
0x2f: {  	[tilespmem:v0+s20+$0xFFFFFFD0 ss:$0x1] =	vst.idx.msk $0xffff, v6;
	v5 =	vld [tilespmem:s21+$0x20]  }
0x30: {  	v2 =	vld [tilespmem:s21+$0xFFFFFFC0];
	[tilespmem:v0+s20+$0xFFFFFFE0 ss:$0x1] =	vst.idx.msk $0xffff, v7;
	s21 =	sadd.s32 $0x80, s21  }
0x31: {  	s23 =	sadd.s32 $0x800, s23;
	v4 =	vld [tilespmem:s21+$0x30];
	[tilespmem:v0+s20+$0xFFFFFFF0 ss:$0x1] =	vst.idx.msk $0xffff, v8  }
0x32: {  	_ =	sdelay $0x3  }
0x33: {  	v6 =	vld [tilespmem:s21+$0xFFFFFFD0];
	[tilespmem:v0+s20+$0x0 ss:$0x1] =	vst.idx.msk $0xffff, v1  }
0x34: {  	v58 =	vld [tilespmem:s21+$0xFFFFFFE0];
	[tilespmem:v0+s20+$0x10 ss:$0x1] =	vst.idx.msk $0xffff, v3  }
0x35: {  	v59 =	vld [tilespmem:s21+$0xFFFFFFF0];
	[tilespmem:v0+s20+$0x20 ss:$0x1] =	vst.idx.msk $0xffff, v5  }
0x36: {  	s22 =	sshra.s32 s22, $0x2;
	v60 =	vld [tilespmem:s21+$0x0];
	[tilespmem:v0+s20+$0xFFFFFFC0 ss:$0x1] =	vst.idx.msk $0xffff, v2  }
0x37: {  	v61 =	vld [tilespmem:s21+$0x10];
	[tilespmem:v0+s22+$0x30 ss:$0x1] =	vst.idx.msk $0xffff, v4  }
0x38: {  	v62 =	vld [tilespmem:s21+$0x20];
	s19 =	sadd.s32 $0x1, s19;
	[tilespmem:v0+s22+$0xFFFFFFD0 ss:$0x1] =	vst.idx.msk $0xffff, v6  }
0x39: {  	v63 =	vld [tilespmem:s21+$0xFFFFFFC0];
	p0 =	sne.s32 s19, $0x4;
	[tilespmem:v0+s22+$0xFFFFFFE0 ss:$0x1] =	vst.idx.msk $0xffff, v58  }
.Ltmp4:
0x3a: {  	[tilespmem:v0+s22+$0xFFFFFFF0 ss:$0x1] =	vst.idx.msk $0xffff, v59;
	(pc) =	sbr.rel @p0 .LBB1_4-.Ltmp4, $4  }
0x3b: {  	[tilespmem:v0+s22+$0x0 ss:$0x1] =	vst.idx.msk $0xffff, v60  }
0x3c: {  	[tilespmem:v0+s22+$0x10 ss:$0x1] =	vst.idx.msk $0xffff, v61  }
0x3d: {  	[tilespmem:v0+s22+$0x20 ss:$0x1] =	vst.idx.msk $0xffff, v62  }
0x3e: {  	s18 =	sadd.s32 $0x400, s18;
	s17 =	sadd.s32 $0x80, s17;
	[tilespmem:v0+s22+$0xFFFFFFC0 ss:$0x1] =	vst.idx.msk $0xffff, v63  }
0x3f: {  	s16 =	sadd.s32 $0x1, s16  }
0x40: {  	p0 =	sne.s32 s16, $0x4  }
.Ltmp5:
0x41: {  	_ = 	snop;
	(pc) =	sbr.rel @p0 .LBB1_3-.Ltmp5, $2  }
0x42: {  	_ =	sdelay $0x2  }
0x43: {  	s13 =	sadd.s32 $0x1000, s13;
	s14 =	sadd.s32 $0x1000, s14  }
.Ltmp6:
0x44: {  	(pc) =	sbr.rel .LBB1_9-.Ltmp6, $4  }
0x45: {  	_ = 	snop  }
0x46: {  	s12 =	sshll.u32 s12, $0x9  }
0x47: {  	s12 =	sadd.s32 s4, s12  }
0x48: {  	[hbm4b:s12+s8] =	stream.linear.scatter [tilespmem:s15], [sflag:$0x2], $0x4000, $0x38;
	[tilespmem:$0x10000] =	vst v63  }
.LBB1_10:
0x49: {  	_ =	sfence.sel $0x180000  }
0x4a: {  	s2 =	simm.s32 $0x1;
	[bflag:$0x0] =	sbarrier.arrive $0xFFFF  }
0x4b: {  	s31 =	simm.s32 $0x2;
	[sflag:s2] =	ssyncpa.u1 $0x1  }
0x4c: {  	[sflag:s31] =	ssyncpa.u1 $0x1  }
0x4d: {  	p0 =	sne.s32 s0, $0x0;
	_ =	strace $0x90000047  }
0x4e: {  	s0 =	sadd.s32 @!p0 $0x100000, s1;
	[bflag:$0x2] =	sbarrier.arrive $0xFFFF  }
0x4f: {  	[sflag:s0] =	ssyncadd.tile.s32 @!p0 $0x1;
	_ =	shalt  }
.Lfunc_end1:
_tile_overlayer_lowered:
.L_overlay_start_2:
0x50: {  	(tag) =	ssettag $0x2  }
0x51: {  	s0 =	rddreg [dreg:$0x0];
	s2 =	stileid.u32  }
0x52: {  	s1 =	rddreg [dreg:$0x1];
	p0 =	sne.s32 s2, $0x0  }
0x53: {  	s3 =	rddreg [dreg:$0x2];
	[bflag:$0x3] =	sbarrier.arrive $0xFFFF;
	s2 =	simm.s32 @!p0 $0x1C01  }
0x54: {  	[timem:s3], [sflag:s2] =	dma.local @!p0 [hbm:s0], s1  }
0x55: {  	s0 =	simm.s32 @!p0 $0x1  }
0x56: {  	_ =	swait.ge @!p0 [sflag:s0], s1  }
0x57: {  	s1 =	ssub.s32 @!p0 $0x0, s1;
	[sflag:s0] =	ssyncset.done @!p0 $0x0  }
0x58: {  	[sflag:s0] =	ssyncadd.s32 @!p0 s1  }
0x59: {  	[bflag:$0x3] =	sbarrier.arrive $0xFFFF  }
0x5a: {  	_ =	shalt  }

</sc_bundles>
